<compile_context>
chip_gen: v7x
topology: tpu7x:2x2x1
jax: 0.10.2.dev20260603
libtpu: 0.0.44.dev20260713+nightly
codegen_flags: <defaults>
</compile_context>

<pallas_src>
import jax
import jax.numpy as jnp
from jax import lax
from jax.experimental import pallas as pl
from jax.experimental.pallas import tpu as pltpu
from jax.experimental.pallas import tpu_sc as plsc

N = 10000
E = 320000
D = 128
DE = 16
NC, NS, L = 2, 16, 16

CH = 80
WORDS = CH // 2
NCHUNKS = E // CH
CH_A = 130
CH_B = NCHUNKS // NS - CH_A
ZROWS = 632
ZLAST = N - ZROWS
IDX_SHIFT = 14
NBUF = 2


def _leaky(x):
    return jnp.where(x >= 0, x, x * jnp.float32(0.01))


_BN = 2000


def _mm_node_body(x_ref, w_ref, o_ref):
    o_ref[...] = jnp.dot(x_ref[...], w_ref[...], preferred_element_type=jnp.float32)


_mm_node = pl.pallas_call(
    _mm_node_body,
    grid=(N // _BN,),
    in_specs=[
        pl.BlockSpec((_BN, D), lambda i: (i, 0)),
        pl.BlockSpec((D, D), lambda i: (0, 0)),
    ],
    out_specs=pl.BlockSpec((_BN, D), lambda i: (i, 0)),
    out_shape=jax.ShapeDtypeStruct((N, D), jnp.float32),
)


_BE = 2000


def _mlp(e, w1, b1, w2, b2):
    h = jnp.dot(e, w1, preferred_element_type=jnp.float32)
    h = _leaky(h + b1)
    h = jnp.dot(h, w2, preferred_element_type=jnp.float32)
    return _leaky(h + b2)


def _edge_body(ea_ref, eb_ref, w1_ref, b1_ref, w2_ref, b2_ref, o_ref):
    ha = _mlp(ea_ref[...], w1_ref[...], b1_ref[...], w2_ref[...], b2_ref[...])
    hb = _mlp(eb_ref[...], w1_ref[...], b1_ref[...], w2_ref[...], b2_ref[...])
    ua = lax.bitcast_convert_type(ha.astype(jnp.bfloat16), jnp.uint16).astype(jnp.uint32)
    ub = lax.bitcast_convert_type(hb.astype(jnp.bfloat16), jnp.uint16).astype(jnp.uint32)
    o_ref[...] = lax.bitcast_convert_type(ua | (ub << 16), jnp.int32)


_NB2 = E // 2 // _BE

_edge_proj = pl.pallas_call(
    _edge_body,
    grid=(_NB2,),
    in_specs=[
        pl.BlockSpec((_BE, DE), lambda i: (i, 0)),
        pl.BlockSpec((_BE, DE), lambda i: (i + _NB2, 0)),
        pl.BlockSpec((DE, D), lambda i: (0, 0)),
        pl.BlockSpec((1, D), lambda i: (0, 0)),
        pl.BlockSpec((D, D), lambda i: (0, 0)),
        pl.BlockSpec((1, D), lambda i: (0, 0)),
    ],
    out_specs=pl.BlockSpec((_BE, D), lambda i: (i, 0)),
    out_shape=jax.ShapeDtypeStruct((E // 2, D), jnp.int32),
)


def _sc_body(msg_hbm, h_hbm, pk_hbm, out_hbm, *scr):
    pkr = scr[0]
    idxrv = scr[1]
    segrv = scr[2]
    rows = list(scr[3:3 + NBUF])
    hvb = list(scr[3 + NBUF:3 + 2 * NBUF])
    acc_sh = scr[3 + 2 * NBUF]
    gsem = list(scr[4 + 2 * NBUF:4 + 3 * NBUF])
    hsem = list(scr[4 + 3 * NBUF:4 + 4 * NBUF])
    ssem = list(scr[4 + 4 * NBUF:4 + 5 * NBUF])
    pksem = list(scr[4 + 5 * NBUF:4 + 6 * NBUF])

    c = lax.axis_index("c")
    s = lax.axis_index("s")
    w = c * NS + s

    def _z(i, _):
        zero = jnp.zeros((L,), jnp.float32)
        for k in range(D // L):
            rows[0][i, pl.ds(k * L, L)] = zero
        return 0
    lax.fori_loop(0, CH, _z, 0)
    zbase = jnp.minimum(s * ZROWS, ZLAST)
    for t in range(ZROWS // CH):
        pltpu.sync_copy(rows[0], acc_sh.at[pl.ds(zbase + t * CH, CH)])
    zrem = ZROWS % CH
    if zrem:
        pltpu.sync_copy(rows[0].at[pl.ds(0, zrem)],
                        acc_sh.at[pl.ds(zbase + (ZROWS // CH) * CH, zrem)])
    plsc.subcore_barrier()

    nchunks = jnp.where(c == 0, CH_A, CH_B)
    cbase = jnp.where(c == 0, s * CH_A, NS * CH_A + s * CH_B)

    def _pkload(t, b):
        pltpu.async_copy(pk_hbm.at[pl.ds((cbase + t) * WORDS, WORDS)],
                         pkr.at[b, pl.ds(0, WORDS)], pksem[b])
        pltpu.async_copy(pk_hbm.at[pl.ds(E // 2 + (cbase + t) * WORDS, WORDS)],
                         pkr.at[b, pl.ds(WORDS, WORDS)], pksem[b])

    def _prep(t, b):
        pltpu.make_async_copy(pk_hbm.at[pl.ds(0, WORDS)],
                              pkr.at[b, pl.ds(0, WORDS)], pksem[b]).wait()
        pltpu.make_async_copy(pk_hbm.at[pl.ds(0, WORDS)],
                              pkr.at[b, pl.ds(WORDS, WORDS)], pksem[b]).wait()

        def _unpack(k, _):
            pk = pkr[b, pl.ds(k * L, L)]
            sl = pl.ds(k * L, L)
            idxrv[b, sl] = lax.shift_right_logical(pk, IDX_SHIFT)
            segrv[b, sl] = lax.bitwise_and(pk, (1 << IDX_SHIFT) - 1)
            return 0
        lax.fori_loop(0, CH // L, _unpack, 0)
        pltpu.async_copy(msg_hbm.at[idxrv.at[b]], rows[b], gsem[b])
        pltpu.async_copy(h_hbm.at[pl.ds((cbase + t) * WORDS, WORDS)],
                         hvb[b], hsem[b])

        @pl.when(t + NBUF < nchunks)
        def _():
            _pkload(t + NBUF, b)

    for b in range(NBUF):
        _pkload(jnp.int32(b), b)
    for b in range(NBUF):
        _prep(jnp.int32(b), b)

    def _work(t, b):
        pltpu.make_async_copy(msg_hbm.at[idxrv.at[b]],
                              rows[b], gsem[b]).wait()
        pltpu.make_async_copy(h_hbm.at[pl.ds(0, WORDS)],
                              hvb[b], hsem[b]).wait()

        def _mul(i, _):
            for k in range(D // L):
                sl = pl.ds(k * L, L)
                hb2 = plsc.bitcast(hvb[b][i, sl], jnp.bfloat16)
                h0, h1 = plsc.unpack(hb2, format=plsc.PackFormat.INTERLEAVED)
                rows[b][i, sl] = rows[b][i, sl] * h0
                rows[b][i + WORDS, sl] = rows[b][i + WORDS, sl] * h1
            return 0
        lax.fori_loop(0, WORDS, _mul, 0)
        pltpu.async_copy(rows[b], acc_sh.at[segrv.at[b]],
                         ssem[b], add=True)
        t2 = t + NBUF

        @pl.when(t2 < nchunks)
        def _():
            pltpu.make_async_copy(rows[b], acc_sh.at[segrv.at[b]],
                                  ssem[b]).wait()
            _prep(t2, b)

    def _step(g, _):
        for b in range(NBUF):
            _work(g * NBUF + b, b)
        return 0
    lax.fori_loop(0, jnp.where(c == 0, CH_A // NBUF, CH_B // NBUF), _step, 0)

    for b in range(NBUF):
        pltpu.make_async_copy(rows[b], acc_sh.at[segrv.at[b]],
                              ssem[b]).wait()
    plsc.subcore_barrier()
    pltpu.sync_copy(acc_sh.at[pl.ds(zbase, ZROWS)],
                    out_hbm.at[c, pl.ds(zbase, ZROWS)])


_sc_gather_scatter = pl.kernel(
    _sc_body,
    out_type=jax.ShapeDtypeStruct((NC, N, D), jnp.float32),
    mesh=plsc.VectorSubcoreMesh(
        core_axis_name="c", subcore_axis_name="s",
        num_cores=NC, num_subcores=NS),
    compiler_params=pltpu.CompilerParams(needs_layout_passes=False),
    scratch_types=(
        [pltpu.VMEM((NBUF, CH), jnp.int32),
         pltpu.VMEM((NBUF, CH), jnp.int32),
         pltpu.VMEM((NBUF, CH), jnp.int32)]
        + [pltpu.VMEM((CH, D), jnp.float32) for _ in range(NBUF)]
        + [pltpu.VMEM((WORDS, D), jnp.int32) for _ in range(NBUF)]
        + [pltpu.VMEM_SHARED((N, D), jnp.float32)]
        + [pltpu.SemaphoreType.DMA for _ in range(4 * NBUF)]
    ),
)


def _psum_body(p_ref, o_ref):
    o_ref[...] = p_ref[0] + p_ref[1]


_psum = pl.pallas_call(
    _psum_body,
    grid=(N // _BN,),
    in_specs=[pl.BlockSpec((NC, _BN, D), lambda i: (0, i, 0))],
    out_specs=pl.BlockSpec((_BN, D), lambda i: (i, 0)),
    out_shape=jax.ShapeDtypeStruct((N, D), jnp.float32),
)


@jax.jit
def kernel(node, edge, seg_i, idx_j, W_node, W_e1, b_e1, W_e2, b_e2):
    msg = _mm_node(node, W_node)
    h = _edge_proj(edge, edge, W_e1, b_e1.reshape(1, D), W_e2, b_e2.reshape(1, D))
    pk1 = (idx_j << IDX_SHIFT) | seg_i
    partials = _sc_gather_scatter(msg, h, pk1)
    return _psum(partials)

# --- scband reference (transcript-rebuilt; emitter-appended) ---
"""Pipeline reference for scband-message-passing-40750649705199 (READ-ONLY COPY).

The authoritative reference and input builder live on the scoring server;
editing this copy changes nothing except your own understanding.
"""

import jax, jax.numpy as jnp
import numpy as np


def leaky_relu(x, slope=0.01):
    return jnp.where(x >= 0, x, slope * x)


def setup_inputs(seed: int = 0) -> dict:
    key = jax.random.key(seed)
    ks = jax.random.split(key, 10)
    N, E = 10000, 320000
    d_node, d_edge, d_hid = 128, 16, 128
    node = jax.random.normal(ks[0], (N, d_node), dtype=jnp.float32)
    edge = jax.random.normal(ks[1], (E, d_edge), dtype=jnp.float32)
    seg_i = jax.random.randint(ks[2], (E,), 0, N, dtype=jnp.int32)
    idx_j = jax.random.randint(ks[3], (E,), 0, N, dtype=jnp.int32)
    # learned parameters, stored as [in, out] so forward is x @ W + b
    W_node = jax.random.normal(ks[4], (d_node, d_hid), dtype=jnp.float32) * 0.05  # node_proj Linear (no bias)
    W_e1 = jax.random.normal(ks[5], (d_edge, d_hid), dtype=jnp.float32) * 0.05
    b_e1 = jnp.zeros((d_hid,), dtype=jnp.float32)
    W_e2 = jax.random.normal(ks[6], (d_hid, d_hid), dtype=jnp.float32) * 0.05
    b_e2 = jnp.zeros((d_hid,), dtype=jnp.float32)
    return {"node": node, "edge": edge, "seg_i": seg_i, "idx_j": idx_j,
            "W_node": W_node, "W_e1": W_e1, "b_e1": b_e1, "W_e2": W_e2, "b_e2": b_e2}


def reference(node, edge, seg_i, idx_j, W_node, W_e1, b_e1, W_e2, b_e2):
    # edge_proj: Linear -> LeakyReLU -> (dropout p=0) -> Linear -> LeakyReLU -> (dropout p=0)
    h = leaky_relu(edge @ W_e1 + b_e1)
    h = leaky_relu(h @ W_e2 + b_e2)
    # node_proj: Linear(bias=False) -> (dropout p=0)
    msg = node @ W_node
    # message_composing: gather by idx_j then elementwise multiply with projected edges
    msg = jnp.take(msg, idx_j, axis=0) * h
    # message_aggregation: scatter-add into zeros_like(node) at seg_i
    out = jnp.zeros_like(node).at[seg_i].add(msg)
    return out

if __name__ == "__main__":
    import jax
    _d = setup_inputs()
    print(jax.jit(kernel)(*tuple(_d.values())))

</pallas_src>

<mosaic_0001>
#map = affine_map<(d0, d1) -> (0, 0)>
#map1 = affine_map<(d0, d1) -> (0)>
#map2 = affine_map<(d0, d1) -> (0, 0, 0)>
module attributes {stable_mosaic.version = 14 : i64} {
  func.func @_sc_body(%arg0: i32, %arg1: i32, %arg2: memref<10000x128xf32, #tpu.memory_space<hbm>>, %arg3: memref<160000x128xi32, #tpu.memory_space<hbm>>, %arg4: memref<320000xi32, #tpu.memory_space<hbm>>, %arg5: memref<2x10000x128xf32, #tpu.memory_space<hbm>>, %arg6: memref<2x80xi32, #tpu.memory_space<vmem>>, %arg7: memref<2x80xi32, #tpu.memory_space<vmem>>, %arg8: memref<2x80xi32, #tpu.memory_space<vmem>>, %arg9: memref<80x128xf32, #tpu.memory_space<vmem>>, %arg10: memref<80x128xf32, #tpu.memory_space<vmem>>, %arg11: memref<40x128xi32, #tpu.memory_space<vmem>>, %arg12: memref<40x128xi32, #tpu.memory_space<vmem>>, %arg13: memref<10000x128xf32, #tpu.memory_space<vmem_shared>>, %arg14: memref<!tpu.dma_semaphore, #tpu.memory_space<semaphore_mem>>, %arg15: memref<!tpu.dma_semaphore, #tpu.memory_space<semaphore_mem>>, %arg16: memref<!tpu.dma_semaphore, #tpu.memory_space<semaphore_mem>>, %arg17: memref<!tpu.dma_semaphore, #tpu.memory_space<semaphore_mem>>, %arg18: memref<!tpu.dma_semaphore, #tpu.memory_space<semaphore_mem>>, %arg19: memref<!tpu.dma_semaphore, #tpu.memory_space<semaphore_mem>>, %arg20: memref<!tpu.dma_semaphore, #tpu.memory_space<semaphore_mem>>, %arg21: memref<!tpu.dma_semaphore, #tpu.memory_space<semaphore_mem>>) attributes {dimension_semantics = [#tpu.dimension_semantics<core_parallel>, #tpu.dimension_semantics<subcore_parallel>], iteration_bounds = array<i64: 2, 16>, scalar_prefetch = 0 : i64, scratch_operands = 16 : i64, tpu.core_type = #tpu.core_type<sc_vector_subcore>, window_params = [{transform_indices = #map}, {transform_indices = #map}, {transform_indices = #map1}, {transform_indices = #map2}]} {
    %mul3A = arith.constant 16 : i32
    %mul3A_0 = arith.muli %arg0, %mul3A : i32
    %add3A = arith.addi %mul3A_0, %arg1 : i32
    %scan3A = arith.constant 0 : i32
    %scan3A_1 = arith.constant 0 : i32
    %scan3A_2 = arith.constant 80 : i32
    %scan3A_3 = arith.addi %scan3A_1, %scan3A_2 : i32
    %scan3A_4 = arith.constant 1 : i32
    %scan3A_5 = scf.for %scan3A_223 = %scan3A_1 to %scan3A_3 step %scan3A_4 iter_args(%scan3A_224 = %scan3A) -> (i32)  : i32 {
      %broadcast_in_dim3A = arith.constant 0.000000e+00 : f32
      %broadcast_in_dim3A_225 = vector.broadcast %broadcast_in_dim3A : f32 to vector<16xf32>
      %swap3A = arith.index_cast %scan3A_223 : i32 to index
      %swap3A_226 = arith.constant 0 : index
      %swap3A_227 = tpu.vector_load %arg9[%swap3A, %swap3A_226] {strides = array<i32>} : memref<80x128xf32, #tpu.memory_space<vmem>>, vector<16xf32>,
      tpu.vector_store %arg9[%swap3A, %swap3A_226], %broadcast_in_dim3A_225 {strides = array<i32>} : memref<80x128xf32, #tpu.memory_space<vmem>>, vector<16xf32>,
      %swap3A_228 = arith.index_cast %scan3A_223 : i32 to index
      %swap3A_229 = arith.constant 16 : index
      %swap3A_230 = tpu.vector_load %arg9[%swap3A_228, %swap3A_229] {strides = array<i32>} : memref<80x128xf32, #tpu.memory_space<vmem>>, vector<16xf32>,
      tpu.vector_store %arg9[%swap3A_228, %swap3A_229], %broadcast_in_dim3A_225 {strides = array<i32>} : memref<80x128xf32, #tpu.memory_space<vmem>>, vector<16xf32>,
      %swap3A_231 = arith.index_cast %scan3A_223 : i32 to index
      %swap3A_232 = arith.constant 32 : index
      %swap3A_233 = tpu.vector_load %arg9[%swap3A_231, %swap3A_232] {strides = array<i32>} : memref<80x128xf32, #tpu.memory_space<vmem>>, vector<16xf32>,
      tpu.vector_store %arg9[%swap3A_231, %swap3A_232], %broadcast_in_dim3A_225 {strides = array<i32>} : memref<80x128xf32, #tpu.memory_space<vmem>>, vector<16xf32>,
      %swap3A_234 = arith.index_cast %scan3A_223 : i32 to index
      %swap3A_235 = arith.constant 48 : index
      %swap3A_236 = tpu.vector_load %arg9[%swap3A_234, %swap3A_235] {strides = array<i32>} : memref<80x128xf32, #tpu.memory_space<vmem>>, vector<16xf32>,
      tpu.vector_store %arg9[%swap3A_234, %swap3A_235], %broadcast_in_dim3A_225 {strides = array<i32>} : memref<80x128xf32, #tpu.memory_space<vmem>>, vector<16xf32>,
      %swap3A_237 = arith.index_cast %scan3A_223 : i32 to index
      %swap3A_238 = arith.constant 64 : index
      %swap3A_239 = tpu.vector_load %arg9[%swap3A_237, %swap3A_238] {strides = array<i32>} : memref<80x128xf32, #tpu.memory_space<vmem>>, vector<16xf32>,
      tpu.vector_store %arg9[%swap3A_237, %swap3A_238], %broadcast_in_dim3A_225 {strides = array<i32>} : memref<80x128xf32, #tpu.memory_space<vmem>>, vector<16xf32>,
      %swap3A_240 = arith.index_cast %scan3A_223 : i32 to index
      %swap3A_241 = arith.constant 80 : index
      %swap3A_242 = tpu.vector_load %arg9[%swap3A_240, %swap3A_241] {strides = array<i32>} : memref<80x128xf32, #tpu.memory_space<vmem>>, vector<16xf32>,
      tpu.vector_store %arg9[%swap3A_240, %swap3A_241], %broadcast_in_dim3A_225 {strides = array<i32>} : memref<80x128xf32, #tpu.memory_space<vmem>>, vector<16xf32>,
      %swap3A_243 = arith.index_cast %scan3A_223 : i32 to index
      %swap3A_244 = arith.constant 96 : index
      %swap3A_245 = tpu.vector_load %arg9[%swap3A_243, %swap3A_244] {strides = array<i32>} : memref<80x128xf32, #tpu.memory_space<vmem>>, vector<16xf32>,
      tpu.vector_store %arg9[%swap3A_243, %swap3A_244], %broadcast_in_dim3A_225 {strides = array<i32>} : memref<80x128xf32, #tpu.memory_space<vmem>>, vector<16xf32>,
      %swap3A_246 = arith.index_cast %scan3A_223 : i32 to index
      %swap3A_247 = arith.constant 112 : index
      %swap3A_248 = tpu.vector_load %arg9[%swap3A_246, %swap3A_247] {strides = array<i32>} : memref<80x128xf32, #tpu.memory_space<vmem>>, vector<16xf32>,
      tpu.vector_store %arg9[%swap3A_246, %swap3A_247], %broadcast_in_dim3A_225 {strides = array<i32>} : memref<80x128xf32, #tpu.memory_space<vmem>>, vector<16xf32>,
      %scan3A_249 = arith.constant 0 : i32
      scf.yield %scan3A_249 : i32
    }
    %scan3A_6 = arith.constant 80 : i32
    %mul3A_7 = arith.constant 632 : i32
    %mul3A_8 = arith.muli %arg1, %mul3A_7 : i32
    %min3A = arith.constant 9368 : i32
    %min3A_9 = arith.minsi %mul3A_8, %min3A : i32
    %add3A_10 = arith.constant 0 : i32
    %add3A_11 = arith.addi %min3A_9, %add3A_10 : i32
    "tpu.region"() ({
      %run_scoped3A = tpu.sem_alloc : memref<!tpu.dma_semaphore, #tpu.memory_space<semaphore_mem>>
      %dma_start3A_223 = arith.constant 0 : i32
      %dma_start3A_224 = tpu.memref_slice %arg13[%add3A_11, %dma_start3A_223] : memref<10000x128xf32, #tpu.memory_space<vmem_shared>> -> memref<80x128xf32, #tpu.memory_space<vmem_shared>>
      %dma_start3A_225 = arith.constant 0 : i32
      %dma_start3A_226 = tpu.memref_slice %arg13[%add3A_11, %dma_start3A_225] : memref<10000x128xf32, #tpu.memory_space<vmem_shared>> -> memref<80x128xf32, #tpu.memory_space<vmem_shared>>
      tpu.enqueue_dma source(%arg9 : memref<80x128xf32, #tpu.memory_space<vmem>>) target(%dma_start3A_226 : memref<80x128xf32, #tpu.memory_space<vmem_shared>>) target_semaphore(%run_scoped3A : memref<!tpu.dma_semaphore, #tpu.memory_space<semaphore_mem>>)
      %dma_wait3A_227 = arith.constant 0 : i32
      %dma_wait3A_228 = tpu.memref_slice %arg13[%add3A_11, %dma_wait3A_227] : memref<10000x128xf32, #tpu.memory_space<vmem_shared>> -> memref<80x128xf32, #tpu.memory_space<vmem_shared>>
      %dma_wait3A_229 = arith.constant 0 : i32
      %dma_wait3A_230 = tpu.memref_slice %arg13[%add3A_11, %dma_wait3A_229] : memref<10000x128xf32, #tpu.memory_space<vmem_shared>> -> memref<80x128xf32, #tpu.memory_space<vmem_shared>>
      tpu.wait_dma2 semaphore(%run_scoped3A : memref<!tpu.dma_semaphore, #tpu.memory_space<semaphore_mem>>) src(%arg9 : memref<80x128xf32, #tpu.memory_space<vmem>>) dst(%dma_wait3A_230 : memref<80x128xf32, #tpu.memory_space<vmem_shared>>)
      tpu.yield
    }) : () -> ()
    %add3A_12 = arith.constant 80 : i32
    %add3A_13 = arith.addi %min3A_9, %add3A_12 : i32
    "tpu.region"() ({
      %run_scoped3A = tpu.sem_alloc : memref<!tpu.dma_semaphore, #tpu.memory_space<semaphore_mem>>
      %dma_start3A_223 = arith.constant 0 : i32
      %dma_start3A_224 = tpu.memref_slice %arg13[%add3A_13, %dma_start3A_223] : memref<10000x128xf32, #tpu.memory_space<vmem_shared>> -> memref<80x128xf32, #tpu.memory_space<vmem_shared>>
      %dma_start3A_225 = arith.constant 0 : i32
      %dma_start3A_226 = tpu.memref_slice %arg13[%add3A_13, %dma_start3A_225] : memref<10000x128xf32, #tpu.memory_space<vmem_shared>> -> memref<80x128xf32, #tpu.memory_space<vmem_shared>>
      tpu.enqueue_dma source(%arg9 : memref<80x128xf32, #tpu.memory_space<vmem>>) target(%dma_start3A_226 : memref<80x128xf32, #tpu.memory_space<vmem_shared>>) target_semaphore(%run_scoped3A : memref<!tpu.dma_semaphore, #tpu.memory_space<semaphore_mem>>)
      %dma_wait3A_227 = arith.constant 0 : i32
      %dma_wait3A_228 = tpu.memref_slice %arg13[%add3A_13, %dma_wait3A_227] : memref<10000x128xf32, #tpu.memory_space<vmem_shared>> -> memref<80x128xf32, #tpu.memory_space<vmem_shared>>
      %dma_wait3A_229 = arith.constant 0 : i32
      %dma_wait3A_230 = tpu.memref_slice %arg13[%add3A_13, %dma_wait3A_229] : memref<10000x128xf32, #tpu.memory_space<vmem_shared>> -> memref<80x128xf32, #tpu.memory_space<vmem_shared>>
      tpu.wait_dma2 semaphore(%run_scoped3A : memref<!tpu.dma_semaphore, #tpu.memory_space<semaphore_mem>>) src(%arg9 : memref<80x128xf32, #tpu.memory_space<vmem>>) dst(%dma_wait3A_230 : memref<80x128xf32, #tpu.memory_space<vmem_shared>>)
      tpu.yield
    }) : () -> ()
    %add3A_14 = arith.constant 160 : i32
    %add3A_15 = arith.addi %min3A_9, %add3A_14 : i32
    "tpu.region"() ({
      %run_scoped3A = tpu.sem_alloc : memref<!tpu.dma_semaphore, #tpu.memory_space<semaphore_mem>>
      %dma_start3A_223 = arith.constant 0 : i32
      %dma_start3A_224 = tpu.memref_slice %arg13[%add3A_15, %dma_start3A_223] : memref<10000x128xf32, #tpu.memory_space<vmem_shared>> -> memref<80x128xf32, #tpu.memory_space<vmem_shared>>
      %dma_start3A_225 = arith.constant 0 : i32
      %dma_start3A_226 = tpu.memref_slice %arg13[%add3A_15, %dma_start3A_225] : memref<10000x128xf32, #tpu.memory_space<vmem_shared>> -> memref<80x128xf32, #tpu.memory_space<vmem_shared>>
      tpu.enqueue_dma source(%arg9 : memref<80x128xf32, #tpu.memory_space<vmem>>) target(%dma_start3A_226 : memref<80x128xf32, #tpu.memory_space<vmem_shared>>) target_semaphore(%run_scoped3A : memref<!tpu.dma_semaphore, #tpu.memory_space<semaphore_mem>>)
      %dma_wait3A_227 = arith.constant 0 : i32
      %dma_wait3A_228 = tpu.memref_slice %arg13[%add3A_15, %dma_wait3A_227] : memref<10000x128xf32, #tpu.memory_space<vmem_shared>> -> memref<80x128xf32, #tpu.memory_space<vmem_shared>>
      %dma_wait3A_229 = arith.constant 0 : i32
      %dma_wait3A_230 = tpu.memref_slice %arg13[%add3A_15, %dma_wait3A_229] : memref<10000x128xf32, #tpu.memory_space<vmem_shared>> -> memref<80x128xf32, #tpu.memory_space<vmem_shared>>
      tpu.wait_dma2 semaphore(%run_scoped3A : memref<!tpu.dma_semaphore, #tpu.memory_space<semaphore_mem>>) src(%arg9 : memref<80x128xf32, #tpu.memory_space<vmem>>) dst(%dma_wait3A_230 : memref<80x128xf32, #tpu.memory_space<vmem_shared>>)
      tpu.yield
    }) : () -> ()
    %add3A_16 = arith.constant 240 : i32
    %add3A_17 = arith.addi %min3A_9, %add3A_16 : i32
    "tpu.region"() ({
      %run_scoped3A = tpu.sem_alloc : memref<!tpu.dma_semaphore, #tpu.memory_space<semaphore_mem>>
      %dma_start3A_223 = arith.constant 0 : i32
      %dma_start3A_224 = tpu.memref_slice %arg13[%add3A_17, %dma_start3A_223] : memref<10000x128xf32, #tpu.memory_space<vmem_shared>> -> memref<80x128xf32, #tpu.memory_space<vmem_shared>>
      %dma_start3A_225 = arith.constant 0 : i32
      %dma_start3A_226 = tpu.memref_slice %arg13[%add3A_17, %dma_start3A_225] : memref<10000x128xf32, #tpu.memory_space<vmem_shared>> -> memref<80x128xf32, #tpu.memory_space<vmem_shared>>
      tpu.enqueue_dma source(%arg9 : memref<80x128xf32, #tpu.memory_space<vmem>>) target(%dma_start3A_226 : memref<80x128xf32, #tpu.memory_space<vmem_shared>>) target_semaphore(%run_scoped3A : memref<!tpu.dma_semaphore, #tpu.memory_space<semaphore_mem>>)
      %dma_wait3A_227 = arith.constant 0 : i32
      %dma_wait3A_228 = tpu.memref_slice %arg13[%add3A_17, %dma_wait3A_227] : memref<10000x128xf32, #tpu.memory_space<vmem_shared>> -> memref<80x128xf32, #tpu.memory_space<vmem_shared>>
      %dma_wait3A_229 = arith.constant 0 : i32
      %dma_wait3A_230 = tpu.memref_slice %arg13[%add3A_17, %dma_wait3A_229] : memref<10000x128xf32, #tpu.memory_space<vmem_shared>> -> memref<80x128xf32, #tpu.memory_space<vmem_shared>>
      tpu.wait_dma2 semaphore(%run_scoped3A : memref<!tpu.dma_semaphore, #tpu.memory_space<semaphore_mem>>) src(%arg9 : memref<80x128xf32, #tpu.memory_space<vmem>>) dst(%dma_wait3A_230 : memref<80x128xf32, #tpu.memory_space<vmem_shared>>)
      tpu.yield
    }) : () -> ()
    %add3A_18 = arith.constant 320 : i32
    %add3A_19 = arith.addi %min3A_9, %add3A_18 : i32
    "tpu.region"() ({
      %run_scoped3A = tpu.sem_alloc : memref<!tpu.dma_semaphore, #tpu.memory_space<semaphore_mem>>
      %dma_start3A_223 = arith.constant 0 : i32
      %dma_start3A_224 = tpu.memref_slice %arg13[%add3A_19, %dma_start3A_223] : memref<10000x128xf32, #tpu.memory_space<vmem_shared>> -> memref<80x128xf32, #tpu.memory_space<vmem_shared>>
      %dma_start3A_225 = arith.constant 0 : i32
      %dma_start3A_226 = tpu.memref_slice %arg13[%add3A_19, %dma_start3A_225] : memref<10000x128xf32, #tpu.memory_space<vmem_shared>> -> memref<80x128xf32, #tpu.memory_space<vmem_shared>>
      tpu.enqueue_dma source(%arg9 : memref<80x128xf32, #tpu.memory_space<vmem>>) target(%dma_start3A_226 : memref<80x128xf32, #tpu.memory_space<vmem_shared>>) target_semaphore(%run_scoped3A : memref<!tpu.dma_semaphore, #tpu.memory_space<semaphore_mem>>)
      %dma_wait3A_227 = arith.constant 0 : i32
      %dma_wait3A_228 = tpu.memref_slice %arg13[%add3A_19, %dma_wait3A_227] : memref<10000x128xf32, #tpu.memory_space<vmem_shared>> -> memref<80x128xf32, #tpu.memory_space<vmem_shared>>
      %dma_wait3A_229 = arith.constant 0 : i32
      %dma_wait3A_230 = tpu.memref_slice %arg13[%add3A_19, %dma_wait3A_229] : memref<10000x128xf32, #tpu.memory_space<vmem_shared>> -> memref<80x128xf32, #tpu.memory_space<vmem_shared>>
      tpu.wait_dma2 semaphore(%run_scoped3A : memref<!tpu.dma_semaphore, #tpu.memory_space<semaphore_mem>>) src(%arg9 : memref<80x128xf32, #tpu.memory_space<vmem>>) dst(%dma_wait3A_230 : memref<80x128xf32, #tpu.memory_space<vmem_shared>>)
      tpu.yield
    }) : () -> ()
    %add3A_20 = arith.constant 400 : i32
    %add3A_21 = arith.addi %min3A_9, %add3A_20 : i32
    "tpu.region"() ({
      %run_scoped3A = tpu.sem_alloc : memref<!tpu.dma_semaphore, #tpu.memory_space<semaphore_mem>>
      %dma_start3A_223 = arith.constant 0 : i32
      %dma_start3A_224 = tpu.memref_slice %arg13[%add3A_21, %dma_start3A_223] : memref<10000x128xf32, #tpu.memory_space<vmem_shared>> -> memref<80x128xf32, #tpu.memory_space<vmem_shared>>
      %dma_start3A_225 = arith.constant 0 : i32
      %dma_start3A_226 = tpu.memref_slice %arg13[%add3A_21, %dma_start3A_225] : memref<10000x128xf32, #tpu.memory_space<vmem_shared>> -> memref<80x128xf32, #tpu.memory_space<vmem_shared>>
      tpu.enqueue_dma source(%arg9 : memref<80x128xf32, #tpu.memory_space<vmem>>) target(%dma_start3A_226 : memref<80x128xf32, #tpu.memory_space<vmem_shared>>) target_semaphore(%run_scoped3A : memref<!tpu.dma_semaphore, #tpu.memory_space<semaphore_mem>>)
      %dma_wait3A_227 = arith.constant 0 : i32
      %dma_wait3A_228 = tpu.memref_slice %arg13[%add3A_21, %dma_wait3A_227] : memref<10000x128xf32, #tpu.memory_space<vmem_shared>> -> memref<80x128xf32, #tpu.memory_space<vmem_shared>>
      %dma_wait3A_229 = arith.constant 0 : i32
      %dma_wait3A_230 = tpu.memref_slice %arg13[%add3A_21, %dma_wait3A_229] : memref<10000x128xf32, #tpu.memory_space<vmem_shared>> -> memref<80x128xf32, #tpu.memory_space<vmem_shared>>
      tpu.wait_dma2 semaphore(%run_scoped3A : memref<!tpu.dma_semaphore, #tpu.memory_space<semaphore_mem>>) src(%arg9 : memref<80x128xf32, #tpu.memory_space<vmem>>) dst(%dma_wait3A_230 : memref<80x128xf32, #tpu.memory_space<vmem_shared>>)
      tpu.yield
    }) : () -> ()
    %add3A_22 = arith.constant 480 : i32
    %add3A_23 = arith.addi %min3A_9, %add3A_22 : i32
    "tpu.region"() ({
      %run_scoped3A = tpu.sem_alloc : memref<!tpu.dma_semaphore, #tpu.memory_space<semaphore_mem>>
      %dma_start3A_223 = arith.constant 0 : i32
      %dma_start3A_224 = tpu.memref_slice %arg13[%add3A_23, %dma_start3A_223] : memref<10000x128xf32, #tpu.memory_space<vmem_shared>> -> memref<80x128xf32, #tpu.memory_space<vmem_shared>>
      %dma_start3A_225 = arith.constant 0 : i32
      %dma_start3A_226 = tpu.memref_slice %arg13[%add3A_23, %dma_start3A_225] : memref<10000x128xf32, #tpu.memory_space<vmem_shared>> -> memref<80x128xf32, #tpu.memory_space<vmem_shared>>
      tpu.enqueue_dma source(%arg9 : memref<80x128xf32, #tpu.memory_space<vmem>>) target(%dma_start3A_226 : memref<80x128xf32, #tpu.memory_space<vmem_shared>>) target_semaphore(%run_scoped3A : memref<!tpu.dma_semaphore, #tpu.memory_space<semaphore_mem>>)
      %dma_wait3A_227 = arith.constant 0 : i32
      %dma_wait3A_228 = tpu.memref_slice %arg13[%add3A_23, %dma_wait3A_227] : memref<10000x128xf32, #tpu.memory_space<vmem_shared>> -> memref<80x128xf32, #tpu.memory_space<vmem_shared>>
      %dma_wait3A_229 = arith.constant 0 : i32
      %dma_wait3A_230 = tpu.memref_slice %arg13[%add3A_23, %dma_wait3A_229] : memref<10000x128xf32, #tpu.memory_space<vmem_shared>> -> memref<80x128xf32, #tpu.memory_space<vmem_shared>>
      tpu.wait_dma2 semaphore(%run_scoped3A : memref<!tpu.dma_semaphore, #tpu.memory_space<semaphore_mem>>) src(%arg9 : memref<80x128xf32, #tpu.memory_space<vmem>>) dst(%dma_wait3A_230 : memref<80x128xf32, #tpu.memory_space<vmem_shared>>)
      tpu.yield
    }) : () -> ()
    %add3A_24 = arith.constant 560 : i32
    %add3A_25 = arith.addi %min3A_9, %add3A_24 : i32
    "tpu.region"() ({
      %run_scoped3A = tpu.sem_alloc : memref<!tpu.dma_semaphore, #tpu.memory_space<semaphore_mem>>
      %dma_start3A_223 = arith.constant 0 : i32
      %dma_start3A_224 = arith.constant 0 : i32
      %dma_start3A_225 = tpu.memref_slice %arg9[%dma_start3A_223, %dma_start3A_224] : memref<80x128xf32, #tpu.memory_space<vmem>> -> memref<72x128xf32, #tpu.memory_space<vmem>>
      %dma_start3A_226 = arith.constant 0 : i32
      %dma_start3A_227 = tpu.memref_slice %arg13[%add3A_25, %dma_start3A_226] : memref<10000x128xf32, #tpu.memory_space<vmem_shared>> -> memref<72x128xf32, #tpu.memory_space<vmem_shared>>
      %dma_start3A_228 = arith.constant 0 : i32
      %dma_start3A_229 = tpu.memref_slice %arg13[%add3A_25, %dma_start3A_228] : memref<10000x128xf32, #tpu.memory_space<vmem_shared>> -> memref<72x128xf32, #tpu.memory_space<vmem_shared>>
      %dma_start3A_230 = arith.constant 0 : i32
      %dma_start3A_231 = arith.constant 0 : i32
      %dma_start3A_232 = tpu.memref_slice %arg9[%dma_start3A_230, %dma_start3A_231] : memref<80x128xf32, #tpu.memory_space<vmem>> -> memref<72x128xf32, #tpu.memory_space<vmem>>
      tpu.enqueue_dma source(%dma_start3A_232 : memref<72x128xf32, #tpu.memory_space<vmem>>) target(%dma_start3A_229 : memref<72x128xf32, #tpu.memory_space<vmem_shared>>) target_semaphore(%run_scoped3A : memref<!tpu.dma_semaphore, #tpu.memory_space<semaphore_mem>>)
      %dma_wait3A_233 = arith.constant 0 : i32
      %dma_wait3A_234 = arith.constant 0 : i32
      %dma_wait3A_235 = tpu.memref_slice %arg9[%dma_wait3A_233, %dma_wait3A_234] : memref<80x128xf32, #tpu.memory_space<vmem>> -> memref<72x128xf32, #tpu.memory_space<vmem>>
      %dma_wait3A_236 = arith.constant 0 : i32
      %dma_wait3A_237 = tpu.memref_slice %arg13[%add3A_25, %dma_wait3A_236] : memref<10000x128xf32, #tpu.memory_space<vmem_shared>> -> memref<72x128xf32, #tpu.memory_space<vmem_shared>>
      %dma_wait3A_238 = arith.constant 0 : i32
      %dma_wait3A_239 = tpu.memref_slice %arg13[%add3A_25, %dma_wait3A_238] : memref<10000x128xf32, #tpu.memory_space<vmem_shared>> -> memref<72x128xf32, #tpu.memory_space<vmem_shared>>
      %dma_wait3A_240 = arith.constant 0 : i32
      %dma_wait3A_241 = arith.constant 0 : i32
      %dma_wait3A_242 = tpu.memref_slice %arg9[%dma_wait3A_240, %dma_wait3A_241] : memref<80x128xf32, #tpu.memory_space<vmem>> -> memref<72x128xf32, #tpu.memory_space<vmem>>
      tpu.wait_dma2 semaphore(%run_scoped3A : memref<!tpu.dma_semaphore, #tpu.memory_space<semaphore_mem>>) src(%dma_wait3A_242 : memref<72x128xf32, #tpu.memory_space<vmem>>) dst(%dma_wait3A_239 : memref<72x128xf32, #tpu.memory_space<vmem_shared>>)
      tpu.yield
    }) : () -> ()
    %barrier3A = arith.constant 0 : index
    tpu.barrier barrier_id(%barrier3A)
    %eq3A = arith.constant 0 : i32
    %eq3A_26 = arith.cmpi eq, %arg0, %eq3A : i32
    %jit3A = arith.constant 130 : i32
    %jit3A_27 = arith.constant 120 : i32
    %select_n3A = arith.select %eq3A_26, %jit3A, %jit3A_27 : i32
    %eq3A_28 = arith.constant 0 : i32
    %eq3A_29 = arith.cmpi eq, %arg0, %eq3A_28 : i32
    %mul3A_30 = arith.constant 130 : i32
    %mul3A_31 = arith.muli %arg1, %mul3A_30 : i32
    %mul3A_32 = arith.constant 120 : i32
    %mul3A_33 = arith.muli %arg1, %mul3A_32 : i32
    %add3A_34 = arith.constant 2080 : i32
    %add3A_35 = arith.addi %add3A_34, %mul3A_33 : i32
    %select_n3A_36 = arith.select %eq3A_29, %mul3A_31, %add3A_35 : i32
    %add3A_37 = arith.constant 0 : i32
    %add3A_38 = arith.addi %select_n3A_36, %add3A_37 : i32
    %mul3A_39 = arith.constant 40 : i32
    %mul3A_40 = arith.muli %add3A_38, %mul3A_39 : i32
    %dma_start3A = arith.constant 0 : i32
    %dma_start3A_41 = arith.constant 0 : i32
    %dma_start3A_42 = tpu.memref_slice %arg6[%dma_start3A, %dma_start3A_41] : memref<2x80xi32, #tpu.memory_space<vmem>> -> memref<1x40xi32, #tpu.memory_space<vmem>>
    %dma_start3A_43 = tpu.memref_squeeze %dma_start3A_42 : memref<1x40xi32, #tpu.memory_space<vmem>> -> memref<40xi32, #tpu.memory_space<vmem>>
    %dma_start3A_44 = tpu.memref_slice %arg4[%mul3A_40] : memref<320000xi32, #tpu.memory_space<hbm>> -> memref<40xi32, #tpu.memory_space<hbm>>
    %dma_start3A_45 = arith.constant 0 : i32
    %dma_start3A_46 = tpu.memref_slice %arg6[%dma_start3A, %dma_start3A_45] : memref<2x80xi32, #tpu.memory_space<vmem>> -> memref<1x40xi32, #tpu.memory_space<vmem>>
    %dma_start3A_47 = tpu.memref_squeeze %dma_start3A_46 : memref<1x40xi32, #tpu.memory_space<vmem>> -> memref<40xi32, #tpu.memory_space<vmem>>
    %dma_start3A_48 = tpu.memref_slice %arg4[%mul3A_40] : memref<320000xi32, #tpu.memory_space<hbm>> -> memref<40xi32, #tpu.memory_space<hbm>>
    tpu.enqueue_dma source(%dma_start3A_48 : memref<40xi32, #tpu.memory_space<hbm>>) target(%dma_start3A_47 : memref<40xi32, #tpu.memory_space<vmem>>) target_semaphore(%arg20 : memref<!tpu.dma_semaphore, #tpu.memory_space<semaphore_mem>>)
    %add3A_49 = arith.constant 0 : i32
    %add3A_50 = arith.addi %select_n3A_36, %add3A_49 : i32
    %mul3A_51 = arith.constant 40 : i32
    %mul3A_52 = arith.muli %add3A_50, %mul3A_51 : i32
    %add3A_53 = arith.constant 160000 : i32
    %add3A_54 = arith.addi %add3A_53, %mul3A_52 : i32
    %dma_start3A_55 = arith.constant 0 : i32
    %dma_start3A_56 = arith.constant 40 : i32
    %dma_start3A_57 = tpu.memref_slice %arg6[%dma_start3A_55, %dma_start3A_56] : memref<2x80xi32, #tpu.memory_space<vmem>> -> memref<1x40xi32, #tpu.memory_space<vmem>>
    %dma_start3A_58 = tpu.memref_squeeze %dma_start3A_57 : memref<1x40xi32, #tpu.memory_space<vmem>> -> memref<40xi32, #tpu.memory_space<vmem>>
    %dma_start3A_59 = tpu.memref_slice %arg4[%add3A_54] : memref<320000xi32, #tpu.memory_space<hbm>> -> memref<40xi32, #tpu.memory_space<hbm>>
    %dma_start3A_60 = arith.constant 40 : i32
    %dma_start3A_61 = tpu.memref_slice %arg6[%dma_start3A_55, %dma_start3A_60] : memref<2x80xi32, #tpu.memory_space<vmem>> -> memref<1x40xi32, #tpu.memory_space<vmem>>
    %dma_start3A_62 = tpu.memref_squeeze %dma_start3A_61 : memref<1x40xi32, #tpu.memory_space<vmem>> -> memref<40xi32, #tpu.memory_space<vmem>>
    %dma_start3A_63 = tpu.memref_slice %arg4[%add3A_54] : memref<320000xi32, #tpu.memory_space<hbm>> -> memref<40xi32, #tpu.memory_space<hbm>>
    tpu.enqueue_dma source(%dma_start3A_63 : memref<40xi32, #tpu.memory_space<hbm>>) target(%dma_start3A_62 : memref<40xi32, #tpu.memory_space<vmem>>) target_semaphore(%arg20 : memref<!tpu.dma_semaphore, #tpu.memory_space<semaphore_mem>>)
    %add3A_64 = arith.constant 1 : i32
    %add3A_65 = arith.addi %select_n3A_36, %add3A_64 : i32
    %mul3A_66 = arith.constant 40 : i32
    %mul3A_67 = arith.muli %add3A_65, %mul3A_66 : i32
    %dma_start3A_68 = arith.constant 1 : i32
    %dma_start3A_69 = arith.constant 0 : i32
    %dma_start3A_70 = tpu.memref_slice %arg6[%dma_start3A_68, %dma_start3A_69] : memref<2x80xi32, #tpu.memory_space<vmem>> -> memref<1x40xi32, #tpu.memory_space<vmem>>
    %dma_start3A_71 = tpu.memref_squeeze %dma_start3A_70 : memref<1x40xi32, #tpu.memory_space<vmem>> -> memref<40xi32, #tpu.memory_space<vmem>>
    %dma_start3A_72 = tpu.memref_slice %arg4[%mul3A_67] : memref<320000xi32, #tpu.memory_space<hbm>> -> memref<40xi32, #tpu.memory_space<hbm>>
    %dma_start3A_73 = arith.constant 0 : i32
    %dma_start3A_74 = tpu.memref_slice %arg6[%dma_start3A_68, %dma_start3A_73] : memref<2x80xi32, #tpu.memory_space<vmem>> -> memref<1x40xi32, #tpu.memory_space<vmem>>
    %dma_start3A_75 = tpu.memref_squeeze %dma_start3A_74 : memref<1x40xi32, #tpu.memory_space<vmem>> -> memref<40xi32, #tpu.memory_space<vmem>>
    %dma_start3A_76 = tpu.memref_slice %arg4[%mul3A_67] : memref<320000xi32, #tpu.memory_space<hbm>> -> memref<40xi32, #tpu.memory_space<hbm>>
    tpu.enqueue_dma source(%dma_start3A_76 : memref<40xi32, #tpu.memory_space<hbm>>) target(%dma_start3A_75 : memref<40xi32, #tpu.memory_space<vmem>>) target_semaphore(%arg21 : memref<!tpu.dma_semaphore, #tpu.memory_space<semaphore_mem>>)
    %add3A_77 = arith.constant 1 : i32
    %add3A_78 = arith.addi %select_n3A_36, %add3A_77 : i32
    %mul3A_79 = arith.constant 40 : i32
    %mul3A_80 = arith.muli %add3A_78, %mul3A_79 : i32
    %add3A_81 = arith.constant 160000 : i32
    %add3A_82 = arith.addi %add3A_81, %mul3A_80 : i32
    %dma_start3A_83 = arith.constant 1 : i32
    %dma_start3A_84 = arith.constant 40 : i32
    %dma_start3A_85 = tpu.memref_slice %arg6[%dma_start3A_83, %dma_start3A_84] : memref<2x80xi32, #tpu.memory_space<vmem>> -> memref<1x40xi32, #tpu.memory_space<vmem>>
    %dma_start3A_86 = tpu.memref_squeeze %dma_start3A_85 : memref<1x40xi32, #tpu.memory_space<vmem>> -> memref<40xi32, #tpu.memory_space<vmem>>
    %dma_start3A_87 = tpu.memref_slice %arg4[%add3A_82] : memref<320000xi32, #tpu.memory_space<hbm>> -> memref<40xi32, #tpu.memory_space<hbm>>
    %dma_start3A_88 = arith.constant 40 : i32
    %dma_start3A_89 = tpu.memref_slice %arg6[%dma_start3A_83, %dma_start3A_88] : memref<2x80xi32, #tpu.memory_space<vmem>> -> memref<1x40xi32, #tpu.memory_space<vmem>>
    %dma_start3A_90 = tpu.memref_squeeze %dma_start3A_89 : memref<1x40xi32, #tpu.memory_space<vmem>> -> memref<40xi32, #tpu.memory_space<vmem>>
    %dma_start3A_91 = tpu.memref_slice %arg4[%add3A_82] : memref<320000xi32, #tpu.memory_space<hbm>> -> memref<40xi32, #tpu.memory_space<hbm>>
    tpu.enqueue_dma source(%dma_start3A_91 : memref<40xi32, #tpu.memory_space<hbm>>) target(%dma_start3A_90 : memref<40xi32, #tpu.memory_space<vmem>>) target_semaphore(%arg21 : memref<!tpu.dma_semaphore, #tpu.memory_space<semaphore_mem>>)
    %dma_wait3A = arith.constant 0 : i32
    %dma_wait3A_92 = arith.constant 0 : i32
    %dma_wait3A_93 = tpu.memref_slice %arg6[%dma_wait3A, %dma_wait3A_92] : memref<2x80xi32, #tpu.memory_space<vmem>> -> memref<1x40xi32, #tpu.memory_space<vmem>>
    %dma_wait3A_94 = tpu.memref_squeeze %dma_wait3A_93 : memref<1x40xi32, #tpu.memory_space<vmem>> -> memref<40xi32, #tpu.memory_space<vmem>>
    %dma_wait3A_95 = arith.constant 0 : i32
    %dma_wait3A_96 = tpu.memref_slice %arg4[%dma_wait3A_95] : memref<320000xi32, #tpu.memory_space<hbm>> -> memref<40xi32, #tpu.memory_space<hbm>>
    %dma_wait3A_97 = arith.constant 0 : i32
    %dma_wait3A_98 = tpu.memref_slice %arg6[%dma_wait3A, %dma_wait3A_97] : memref<2x80xi32, #tpu.memory_space<vmem>> -> memref<1x40xi32, #tpu.memory_space<vmem>>
    %dma_wait3A_99 = tpu.memref_squeeze %dma_wait3A_98 : memref<1x40xi32, #tpu.memory_space<vmem>> -> memref<40xi32, #tpu.memory_space<vmem>>
    %dma_wait3A_100 = arith.constant 0 : i32
    %dma_wait3A_101 = tpu.memref_slice %arg4[%dma_wait3A_100] : memref<320000xi32, #tpu.memory_space<hbm>> -> memref<40xi32, #tpu.memory_space<hbm>>
    tpu.wait_dma2 semaphore(%arg20 : memref<!tpu.dma_semaphore, #tpu.memory_space<semaphore_mem>>) src(%dma_wait3A_101 : memref<40xi32, #tpu.memory_space<hbm>>) dst(%dma_wait3A_99 : memref<40xi32, #tpu.memory_space<vmem>>)
    %dma_wait3A_102 = arith.constant 0 : i32
    %dma_wait3A_103 = arith.constant 40 : i32
    %dma_wait3A_104 = tpu.memref_slice %arg6[%dma_wait3A_102, %dma_wait3A_103] : memref<2x80xi32, #tpu.memory_space<vmem>> -> memref<1x40xi32, #tpu.memory_space<vmem>>
    %dma_wait3A_105 = tpu.memref_squeeze %dma_wait3A_104 : memref<1x40xi32, #tpu.memory_space<vmem>> -> memref<40xi32, #tpu.memory_space<vmem>>
    %dma_wait3A_106 = arith.constant 0 : i32
    %dma_wait3A_107 = tpu.memref_slice %arg4[%dma_wait3A_106] : memref<320000xi32, #tpu.memory_space<hbm>> -> memref<40xi32, #tpu.memory_space<hbm>>
    %dma_wait3A_108 = arith.constant 40 : i32
    %dma_wait3A_109 = tpu.memref_slice %arg6[%dma_wait3A_102, %dma_wait3A_108] : memref<2x80xi32, #tpu.memory_space<vmem>> -> memref<1x40xi32, #tpu.memory_space<vmem>>
    %dma_wait3A_110 = tpu.memref_squeeze %dma_wait3A_109 : memref<1x40xi32, #tpu.memory_space<vmem>> -> memref<40xi32, #tpu.memory_space<vmem>>
    %dma_wait3A_111 = arith.constant 0 : i32
    %dma_wait3A_112 = tpu.memref_slice %arg4[%dma_wait3A_111] : memref<320000xi32, #tpu.memory_space<hbm>> -> memref<40xi32, #tpu.memory_space<hbm>>
    tpu.wait_dma2 semaphore(%arg20 : memref<!tpu.dma_semaphore, #tpu.memory_space<semaphore_mem>>) src(%dma_wait3A_112 : memref<40xi32, #tpu.memory_space<hbm>>) dst(%dma_wait3A_110 : memref<40xi32, #tpu.memory_space<vmem>>)
    %scan3A_113 = arith.constant 0 : i32
    %scan3A_114 = arith.constant 0 : i32
    %scan3A_115 = arith.constant 5 : i32
    %scan3A_116 = arith.addi %scan3A_114, %scan3A_115 : i32
    %scan3A_117 = arith.constant 1 : i32
    %scan3A_118 = scf.for %scan3A_223 = %scan3A_114 to %scan3A_116 step %scan3A_117 iter_args(%scan3A_224 = %scan3A_113) -> (i32)  : i32 {
      %mul3A_225 = arith.constant 16 : i32
      %mul3A_226 = arith.muli %scan3A_223, %mul3A_225 : i32
      %get3A = arith.constant 0 : i32
      %get3A_227 = arith.index_cast %get3A : i32 to index
      %get3A_228 = arith.index_cast %mul3A_226 : i32 to index
      %get3A_229 = tpu.vector_load %arg6[%get3A_227, %get3A_228] {strides = array<i32>} : memref<2x80xi32, #tpu.memory_space<vmem>>, vector<16xi32>,
      %mul3A_230 = arith.constant 16 : i32
      %mul3A_231 = arith.muli %scan3A_223, %mul3A_230 : i32
      %shift_right_logical3A = arith.constant 14 : i32
      %shift_right_logical3A_232 = vector.broadcast %shift_right_logical3A : i32 to vector<16xi32>
      %shift_right_logical3A_233 = arith.shrui %get3A_229, %shift_right_logical3A_232 : vector<16xi32>
      %swap3A = arith.constant 0 : i32
      %swap3A_234 = arith.index_cast %swap3A : i32 to index
      %swap3A_235 = arith.index_cast %mul3A_231 : i32 to index
      %swap3A_236 = tpu.vector_load %arg7[%swap3A_234, %swap3A_235] {strides = array<i32>} : memref<2x80xi32, #tpu.memory_space<vmem>>, vector<16xi32>,
      tpu.vector_store %arg7[%swap3A_234, %swap3A_235], %shift_right_logical3A_233 {strides = array<i32>} : memref<2x80xi32, #tpu.memory_space<vmem>>, vector<16xi32>,
      %and3A = arith.constant 16383 : i32
      %and3A_237 = vector.broadcast %and3A : i32 to vector<16xi32>
      %and3A_238 = arith.andi %get3A_229, %and3A_237 : vector<16xi32>
      %swap3A_239 = arith.constant 0 : i32
      %swap3A_240 = arith.index_cast %swap3A_239 : i32 to index
      %swap3A_241 = arith.index_cast %mul3A_231 : i32 to index
      %swap3A_242 = tpu.vector_load %arg8[%swap3A_240, %swap3A_241] {strides = array<i32>} : memref<2x80xi32, #tpu.memory_space<vmem>>, vector<16xi32>,
      tpu.vector_store %arg8[%swap3A_240, %swap3A_241], %and3A_238 {strides = array<i32>} : memref<2x80xi32, #tpu.memory_space<vmem>>, vector<16xi32>,
      %scan3A_243 = arith.constant 0 : i32
      scf.yield %scan3A_243 : i32
    }
    %scan3A_119 = arith.constant 5 : i32
    %dma_start3A_120 = arith.constant 0 : i32
    %dma_start3A_121 = arith.constant 0 : i32
    %dma_start3A_122 = tpu.memref_slice %arg7[%dma_start3A_120, %dma_start3A_121] : memref<2x80xi32, #tpu.memory_space<vmem>> -> memref<1x80xi32, #tpu.memory_space<vmem>>
    %dma_start3A_123 = tpu.memref_squeeze %dma_start3A_122 : memref<1x80xi32, #tpu.memory_space<vmem>> -> memref<80xi32, #tpu.memory_space<vmem>>
    %dma_start3A_124 = arith.constant 0 : i32
    %dma_start3A_125 = arith.constant 0 : i32
    %dma_start3A_126 = tpu.memref_slice %arg2[%dma_start3A_124, %dma_start3A_125] : memref<10000x128xf32, #tpu.memory_space<hbm>> -> memref<10000x128xf32, #tpu.memory_space<hbm>>
    tpu.enqueue_indirect_dma source(%dma_start3A_126 : memref<10000x128xf32, #tpu.memory_space<hbm>>) target(%arg9 : memref<80x128xf32, #tpu.memory_space<vmem>>) offsets(%dma_start3A_123 : memref<80xi32, #tpu.memory_space<vmem>>) semaphore(%arg14 : memref<!tpu.dma_semaphore, #tpu.memory_space<semaphore_mem>>)
    %add3A_127 = arith.constant 0 : i32
    %add3A_128 = arith.addi %select_n3A_36, %add3A_127 : i32
    %mul3A_129 = arith.constant 40 : i32
    %mul3A_130 = arith.muli %add3A_128, %mul3A_129 : i32
    %dma_start3A_131 = arith.constant 0 : i32
    %dma_start3A_132 = tpu.memref_slice %arg3[%mul3A_130, %dma_start3A_131] : memref<160000x128xi32, #tpu.memory_space<hbm>> -> memref<40x128xi32, #tpu.memory_space<hbm>>
    %dma_start3A_133 = arith.constant 0 : i32
    %dma_start3A_134 = tpu.memref_slice %arg3[%mul3A_130, %dma_start3A_133] : memref<160000x128xi32, #tpu.memory_space<hbm>> -> memref<40x128xi32, #tpu.memory_space<hbm>>
    tpu.enqueue_dma source(%dma_start3A_134 : memref<40x128xi32, #tpu.memory_space<hbm>>) target(%arg11 : memref<40x128xi32, #tpu.memory_space<vmem>>) target_semaphore(%arg16 : memref<!tpu.dma_semaphore, #tpu.memory_space<semaphore_mem>>)
    %add3A_135 = arith.constant 0 : i32
    %add3A_136 = arith.constant 2 : i32
    %add3A_137 = arith.addi %add3A_135, %add3A_136 : i32
    %lt3A = arith.cmpi slt, %add3A_137, %select_n3A : i32
    %convert_element_type3A = arith.extui %lt3A : i1 to i32
    %cond3A = arith.constant 0 : i32
    %cond3A_138 = arith.constant 0 : i32
    %cond3A_139 = arith.cmpi ne, %convert_element_type3A, %cond3A_138 : i32
    scf.if %cond3A_139 {
      %add3A_223 = arith.constant 2 : i32
      %add3A_224 = arith.addi %cond3A, %add3A_223 : i32
      %add3A_225 = arith.addi %select_n3A_36, %add3A_224 : i32
      %mul3A_226 = arith.constant 40 : i32
      %mul3A_227 = arith.muli %add3A_225, %mul3A_226 : i32
      %dma_start3A_228 = arith.constant 0 : i32
      %dma_start3A_229 = arith.constant 0 : i32
      %dma_start3A_230 = tpu.memref_slice %arg6[%dma_start3A_228, %dma_start3A_229] : memref<2x80xi32, #tpu.memory_space<vmem>> -> memref<1x40xi32, #tpu.memory_space<vmem>>
      %dma_start3A_231 = tpu.memref_squeeze %dma_start3A_230 : memref<1x40xi32, #tpu.memory_space<vmem>> -> memref<40xi32, #tpu.memory_space<vmem>>
      %dma_start3A_232 = tpu.memref_slice %arg4[%mul3A_227] : memref<320000xi32, #tpu.memory_space<hbm>> -> memref<40xi32, #tpu.memory_space<hbm>>
      %dma_start3A_233 = arith.constant 0 : i32
      %dma_start3A_234 = tpu.memref_slice %arg6[%dma_start3A_228, %dma_start3A_233] : memref<2x80xi32, #tpu.memory_space<vmem>> -> memref<1x40xi32, #tpu.memory_space<vmem>>
      %dma_start3A_235 = tpu.memref_squeeze %dma_start3A_234 : memref<1x40xi32, #tpu.memory_space<vmem>> -> memref<40xi32, #tpu.memory_space<vmem>>
      %dma_start3A_236 = tpu.memref_slice %arg4[%mul3A_227] : memref<320000xi32, #tpu.memory_space<hbm>> -> memref<40xi32, #tpu.memory_space<hbm>>
      tpu.enqueue_dma source(%dma_start3A_236 : memref<40xi32, #tpu.memory_space<hbm>>) target(%dma_start3A_235 : memref<40xi32, #tpu.memory_space<vmem>>) target_semaphore(%arg20 : memref<!tpu.dma_semaphore, #tpu.memory_space<semaphore_mem>>)
      %add3A_237 = arith.addi %select_n3A_36, %add3A_224 : i32
      %mul3A_238 = arith.constant 40 : i32
      %mul3A_239 = arith.muli %add3A_237, %mul3A_238 : i32
      %add3A_240 = arith.constant 160000 : i32
      %add3A_241 = arith.addi %add3A_240, %mul3A_239 : i32
      %dma_start3A_242 = arith.constant 0 : i32
      %dma_start3A_243 = arith.constant 40 : i32
      %dma_start3A_244 = tpu.memref_slice %arg6[%dma_start3A_242, %dma_start3A_243] : memref<2x80xi32, #tpu.memory_space<vmem>> -> memref<1x40xi32, #tpu.memory_space<vmem>>
      %dma_start3A_245 = tpu.memref_squeeze %dma_start3A_244 : memref<1x40xi32, #tpu.memory_space<vmem>> -> memref<40xi32, #tpu.memory_space<vmem>>
      %dma_start3A_246 = tpu.memref_slice %arg4[%add3A_241] : memref<320000xi32, #tpu.memory_space<hbm>> -> memref<40xi32, #tpu.memory_space<hbm>>
      %dma_start3A_247 = arith.constant 40 : i32
      %dma_start3A_248 = tpu.memref_slice %arg6[%dma_start3A_242, %dma_start3A_247] : memref<2x80xi32, #tpu.memory_space<vmem>> -> memref<1x40xi32, #tpu.memory_space<vmem>>
      %dma_start3A_249 = tpu.memref_squeeze %dma_start3A_248 : memref<1x40xi32, #tpu.memory_space<vmem>> -> memref<40xi32, #tpu.memory_space<vmem>>
      %dma_start3A_250 = tpu.memref_slice %arg4[%add3A_241] : memref<320000xi32, #tpu.memory_space<hbm>> -> memref<40xi32, #tpu.memory_space<hbm>>
      tpu.enqueue_dma source(%dma_start3A_250 : memref<40xi32, #tpu.memory_space<hbm>>) target(%dma_start3A_249 : memref<40xi32, #tpu.memory_space<vmem>>) target_semaphore(%arg20 : memref<!tpu.dma_semaphore, #tpu.memory_space<semaphore_mem>>)
    } else {
    }
    %dma_wait3A_140 = arith.constant 1 : i32
    %dma_wait3A_141 = arith.constant 0 : i32
    %dma_wait3A_142 = tpu.memref_slice %arg6[%dma_wait3A_140, %dma_wait3A_141] : memref<2x80xi32, #tpu.memory_space<vmem>> -> memref<1x40xi32, #tpu.memory_space<vmem>>
    %dma_wait3A_143 = tpu.memref_squeeze %dma_wait3A_142 : memref<1x40xi32, #tpu.memory_space<vmem>> -> memref<40xi32, #tpu.memory_space<vmem>>
    %dma_wait3A_144 = arith.constant 0 : i32
    %dma_wait3A_145 = tpu.memref_slice %arg4[%dma_wait3A_144] : memref<320000xi32, #tpu.memory_space<hbm>> -> memref<40xi32, #tpu.memory_space<hbm>>
    %dma_wait3A_146 = arith.constant 0 : i32
    %dma_wait3A_147 = tpu.memref_slice %arg6[%dma_wait3A_140, %dma_wait3A_146] : memref<2x80xi32, #tpu.memory_space<vmem>> -> memref<1x40xi32, #tpu.memory_space<vmem>>
    %dma_wait3A_148 = tpu.memref_squeeze %dma_wait3A_147 : memref<1x40xi32, #tpu.memory_space<vmem>> -> memref<40xi32, #tpu.memory_space<vmem>>
    %dma_wait3A_149 = arith.constant 0 : i32
    %dma_wait3A_150 = tpu.memref_slice %arg4[%dma_wait3A_149] : memref<320000xi32, #tpu.memory_space<hbm>> -> memref<40xi32, #tpu.memory_space<hbm>>
    tpu.wait_dma2 semaphore(%arg21 : memref<!tpu.dma_semaphore, #tpu.memory_space<semaphore_mem>>) src(%dma_wait3A_150 : memref<40xi32, #tpu.memory_space<hbm>>) dst(%dma_wait3A_148 : memref<40xi32, #tpu.memory_space<vmem>>)
    %dma_wait3A_151 = arith.constant 1 : i32
    %dma_wait3A_152 = arith.constant 40 : i32
    %dma_wait3A_153 = tpu.memref_slice %arg6[%dma_wait3A_151, %dma_wait3A_152] : memref<2x80xi32, #tpu.memory_space<vmem>> -> memref<1x40xi32, #tpu.memory_space<vmem>>
    %dma_wait3A_154 = tpu.memref_squeeze %dma_wait3A_153 : memref<1x40xi32, #tpu.memory_space<vmem>> -> memref<40xi32, #tpu.memory_space<vmem>>
    %dma_wait3A_155 = arith.constant 0 : i32
    %dma_wait3A_156 = tpu.memref_slice %arg4[%dma_wait3A_155] : memref<320000xi32, #tpu.memory_space<hbm>> -> memref<40xi32, #tpu.memory_space<hbm>>
    %dma_wait3A_157 = arith.constant 40 : i32
    %dma_wait3A_158 = tpu.memref_slice %arg6[%dma_wait3A_151, %dma_wait3A_157] : memref<2x80xi32, #tpu.memory_space<vmem>> -> memref<1x40xi32, #tpu.memory_space<vmem>>
    %dma_wait3A_159 = tpu.memref_squeeze %dma_wait3A_158 : memref<1x40xi32, #tpu.memory_space<vmem>> -> memref<40xi32, #tpu.memory_space<vmem>>
    %dma_wait3A_160 = arith.constant 0 : i32
    %dma_wait3A_161 = tpu.memref_slice %arg4[%dma_wait3A_160] : memref<320000xi32, #tpu.memory_space<hbm>> -> memref<40xi32, #tpu.memory_space<hbm>>
    tpu.wait_dma2 semaphore(%arg21 : memref<!tpu.dma_semaphore, #tpu.memory_space<semaphore_mem>>) src(%dma_wait3A_161 : memref<40xi32, #tpu.memory_space<hbm>>) dst(%dma_wait3A_159 : memref<40xi32, #tpu.memory_space<vmem>>)
    %scan3A_162 = arith.constant 0 : i32
    %scan3A_163 = arith.constant 0 : i32
    %scan3A_164 = arith.constant 5 : i32
    %scan3A_165 = arith.addi %scan3A_163, %scan3A_164 : i32
    %scan3A_166 = arith.constant 1 : i32
    %scan3A_167 = scf.for %scan3A_223 = %scan3A_163 to %scan3A_165 step %scan3A_166 iter_args(%scan3A_224 = %scan3A_162) -> (i32)  : i32 {
      %mul3A_225 = arith.constant 16 : i32
      %mul3A_226 = arith.muli %scan3A_223, %mul3A_225 : i32
      %get3A = arith.constant 1 : i32
      %get3A_227 = arith.index_cast %get3A : i32 to index
      %get3A_228 = arith.index_cast %mul3A_226 : i32 to index
      %get3A_229 = tpu.vector_load %arg6[%get3A_227, %get3A_228] {strides = array<i32>} : memref<2x80xi32, #tpu.memory_space<vmem>>, vector<16xi32>,
      %mul3A_230 = arith.constant 16 : i32
      %mul3A_231 = arith.muli %scan3A_223, %mul3A_230 : i32
      %shift_right_logical3A = arith.constant 14 : i32
      %shift_right_logical3A_232 = vector.broadcast %shift_right_logical3A : i32 to vector<16xi32>
      %shift_right_logical3A_233 = arith.shrui %get3A_229, %shift_right_logical3A_232 : vector<16xi32>
      %swap3A = arith.constant 1 : i32
      %swap3A_234 = arith.index_cast %swap3A : i32 to index
      %swap3A_235 = arith.index_cast %mul3A_231 : i32 to index
      %swap3A_236 = tpu.vector_load %arg7[%swap3A_234, %swap3A_235] {strides = array<i32>} : memref<2x80xi32, #tpu.memory_space<vmem>>, vector<16xi32>,
      tpu.vector_store %arg7[%swap3A_234, %swap3A_235], %shift_right_logical3A_233 {strides = array<i32>} : memref<2x80xi32, #tpu.memory_space<vmem>>, vector<16xi32>,
      %and3A = arith.constant 16383 : i32
      %and3A_237 = vector.broadcast %and3A : i32 to vector<16xi32>
      %and3A_238 = arith.andi %get3A_229, %and3A_237 : vector<16xi32>
      %swap3A_239 = arith.constant 1 : i32
      %swap3A_240 = arith.index_cast %swap3A_239 : i32 to index
      %swap3A_241 = arith.index_cast %mul3A_231 : i32 to index
      %swap3A_242 = tpu.vector_load %arg8[%swap3A_240, %swap3A_241] {strides = array<i32>} : memref<2x80xi32, #tpu.memory_space<vmem>>, vector<16xi32>,
      tpu.vector_store %arg8[%swap3A_240, %swap3A_241], %and3A_238 {strides = array<i32>} : memref<2x80xi32, #tpu.memory_space<vmem>>, vector<16xi32>,
      %scan3A_243 = arith.constant 0 : i32
      scf.yield %scan3A_243 : i32
    }
    %scan3A_168 = arith.constant 5 : i32
    %dma_start3A_169 = arith.constant 1 : i32
    %dma_start3A_170 = arith.constant 0 : i32
    %dma_start3A_171 = tpu.memref_slice %arg7[%dma_start3A_169, %dma_start3A_170] : memref<2x80xi32, #tpu.memory_space<vmem>> -> memref<1x80xi32, #tpu.memory_space<vmem>>
    %dma_start3A_172 = tpu.memref_squeeze %dma_start3A_171 : memref<1x80xi32, #tpu.memory_space<vmem>> -> memref<80xi32, #tpu.memory_space<vmem>>
    %dma_start3A_173 = arith.constant 0 : i32
    %dma_start3A_174 = arith.constant 0 : i32
    %dma_start3A_175 = tpu.memref_slice %arg2[%dma_start3A_173, %dma_start3A_174] : memref<10000x128xf32, #tpu.memory_space<hbm>> -> memref<10000x128xf32, #tpu.memory_space<hbm>>
    tpu.enqueue_indirect_dma source(%dma_start3A_175 : memref<10000x128xf32, #tpu.memory_space<hbm>>) target(%arg10 : memref<80x128xf32, #tpu.memory_space<vmem>>) offsets(%dma_start3A_172 : memref<80xi32, #tpu.memory_space<vmem>>) semaphore(%arg15 : memref<!tpu.dma_semaphore, #tpu.memory_space<semaphore_mem>>)
    %add3A_176 = arith.constant 1 : i32
    %add3A_177 = arith.addi %select_n3A_36, %add3A_176 : i32
    %mul3A_178 = arith.constant 40 : i32
    %mul3A_179 = arith.muli %add3A_177, %mul3A_178 : i32
    %dma_start3A_180 = arith.constant 0 : i32
    %dma_start3A_181 = tpu.memref_slice %arg3[%mul3A_179, %dma_start3A_180] : memref<160000x128xi32, #tpu.memory_space<hbm>> -> memref<40x128xi32, #tpu.memory_space<hbm>>
    %dma_start3A_182 = arith.constant 0 : i32
    %dma_start3A_183 = tpu.memref_slice %arg3[%mul3A_179, %dma_start3A_182] : memref<160000x128xi32, #tpu.memory_space<hbm>> -> memref<40x128xi32, #tpu.memory_space<hbm>>
    tpu.enqueue_dma source(%dma_start3A_183 : memref<40x128xi32, #tpu.memory_space<hbm>>) target(%arg12 : memref<40x128xi32, #tpu.memory_space<vmem>>) target_semaphore(%arg17 : memref<!tpu.dma_semaphore, #tpu.memory_space<semaphore_mem>>)
    %add3A_184 = arith.constant 1 : i32
    %add3A_185 = arith.constant 2 : i32
    %add3A_186 = arith.addi %add3A_184, %add3A_185 : i32
    %lt3A_187 = arith.cmpi slt, %add3A_186, %select_n3A : i32
    %convert_element_type3A_188 = arith.extui %lt3A_187 : i1 to i32
    %cond3A_189 = arith.constant 1 : i32
    %cond3A_190 = arith.constant 0 : i32
    %cond3A_191 = arith.cmpi ne, %convert_element_type3A_188, %cond3A_190 : i32
    scf.if %cond3A_191 {
      %add3A_223 = arith.constant 2 : i32
      %add3A_224 = arith.addi %cond3A_189, %add3A_223 : i32
      %add3A_225 = arith.addi %select_n3A_36, %add3A_224 : i32
      %mul3A_226 = arith.constant 40 : i32
      %mul3A_227 = arith.muli %add3A_225, %mul3A_226 : i32
      %dma_start3A_228 = arith.constant 1 : i32
      %dma_start3A_229 = arith.constant 0 : i32
      %dma_start3A_230 = tpu.memref_slice %arg6[%dma_start3A_228, %dma_start3A_229] : memref<2x80xi32, #tpu.memory_space<vmem>> -> memref<1x40xi32, #tpu.memory_space<vmem>>
      %dma_start3A_231 = tpu.memref_squeeze %dma_start3A_230 : memref<1x40xi32, #tpu.memory_space<vmem>> -> memref<40xi32, #tpu.memory_space<vmem>>
      %dma_start3A_232 = tpu.memref_slice %arg4[%mul3A_227] : memref<320000xi32, #tpu.memory_space<hbm>> -> memref<40xi32, #tpu.memory_space<hbm>>
      %dma_start3A_233 = arith.constant 0 : i32
      %dma_start3A_234 = tpu.memref_slice %arg6[%dma_start3A_228, %dma_start3A_233] : memref<2x80xi32, #tpu.memory_space<vmem>> -> memref<1x40xi32, #tpu.memory_space<vmem>>
      %dma_start3A_235 = tpu.memref_squeeze %dma_start3A_234 : memref<1x40xi32, #tpu.memory_space<vmem>> -> memref<40xi32, #tpu.memory_space<vmem>>
      %dma_start3A_236 = tpu.memref_slice %arg4[%mul3A_227] : memref<320000xi32, #tpu.memory_space<hbm>> -> memref<40xi32, #tpu.memory_space<hbm>>
      tpu.enqueue_dma source(%dma_start3A_236 : memref<40xi32, #tpu.memory_space<hbm>>) target(%dma_start3A_235 : memref<40xi32, #tpu.memory_space<vmem>>) target_semaphore(%arg21 : memref<!tpu.dma_semaphore, #tpu.memory_space<semaphore_mem>>)
      %add3A_237 = arith.addi %select_n3A_36, %add3A_224 : i32
      %mul3A_238 = arith.constant 40 : i32
      %mul3A_239 = arith.muli %add3A_237, %mul3A_238 : i32
      %add3A_240 = arith.constant 160000 : i32
      %add3A_241 = arith.addi %add3A_240, %mul3A_239 : i32
      %dma_start3A_242 = arith.constant 1 : i32
      %dma_start3A_243 = arith.constant 40 : i32
      %dma_start3A_244 = tpu.memref_slice %arg6[%dma_start3A_242, %dma_start3A_243] : memref<2x80xi32, #tpu.memory_space<vmem>> -> memref<1x40xi32, #tpu.memory_space<vmem>>
      %dma_start3A_245 = tpu.memref_squeeze %dma_start3A_244 : memref<1x40xi32, #tpu.memory_space<vmem>> -> memref<40xi32, #tpu.memory_space<vmem>>
      %dma_start3A_246 = tpu.memref_slice %arg4[%add3A_241] : memref<320000xi32, #tpu.memory_space<hbm>> -> memref<40xi32, #tpu.memory_space<hbm>>
      %dma_start3A_247 = arith.constant 40 : i32
      %dma_start3A_248 = tpu.memref_slice %arg6[%dma_start3A_242, %dma_start3A_247] : memref<2x80xi32, #tpu.memory_space<vmem>> -> memref<1x40xi32, #tpu.memory_space<vmem>>
      %dma_start3A_249 = tpu.memref_squeeze %dma_start3A_248 : memref<1x40xi32, #tpu.memory_space<vmem>> -> memref<40xi32, #tpu.memory_space<vmem>>
      %dma_start3A_250 = tpu.memref_slice %arg4[%add3A_241] : memref<320000xi32, #tpu.memory_space<hbm>> -> memref<40xi32, #tpu.memory_space<hbm>>
      tpu.enqueue_dma source(%dma_start3A_250 : memref<40xi32, #tpu.memory_space<hbm>>) target(%dma_start3A_249 : memref<40xi32, #tpu.memory_space<vmem>>) target_semaphore(%arg21 : memref<!tpu.dma_semaphore, #tpu.memory_space<semaphore_mem>>)
    } else {
    }
    %eq3A_192 = arith.constant 0 : i32
    %eq3A_193 = arith.cmpi eq, %arg0, %eq3A_192 : i32
    %jit3A_194 = arith.constant 65 : i32
    %jit3A_195 = arith.constant 60 : i32
    %select_n3A_196 = arith.select %eq3A_193, %jit3A_194, %jit3A_195 : i32
    %while3A = arith.constant 0 : i32
    %while3A_197 = arith.constant 0 : i32
    %while3A_198 = arith.subi %select_n3A_196, %while3A : i32
    %while3A_199 = arith.addi %while3A, %while3A_198 : i32
    %while3A_200 = arith.constant 1 : i32
    %while3A_201 = arith.divsi %while3A_198, %while3A_200 : i32
    %while3A_202 = arith.muli %while3A_201, %while3A_200 : i32
    %while3A_203 = arith.addi %while3A, %while3A_202 : i32
    %while3A_204 = arith.constant 1 : i32
    %while3A_205 = scf.for %while3A_223 = %while3A to %while3A_203 step %while3A_204 iter_args(%while3A_224 = %while3A_197) -> (i32)  : i32 {
      %mul3A_225 = arith.constant 2 : i32
      %mul3A_226 = arith.muli %while3A_223, %mul3A_225 : i32
      %add3A_227 = arith.constant 0 : i32
      %add3A_228 = arith.addi %mul3A_226, %add3A_227 : i32
      %dma_wait3A_229 = arith.constant 0 : i32
      %dma_wait3A_230 = arith.constant 0 : i32
      %dma_wait3A_231 = tpu.memref_slice %arg7[%dma_wait3A_229, %dma_wait3A_230] : memref<2x80xi32, #tpu.memory_space<vmem>> -> memref<1x80xi32, #tpu.memory_space<vmem>>
      %dma_wait3A_232 = tpu.memref_squeeze %dma_wait3A_231 : memref<1x80xi32, #tpu.memory_space<vmem>> -> memref<80xi32, #tpu.memory_space<vmem>>
      %dma_wait3A_233 = arith.constant 0 : i32
      %dma_wait3A_234 = arith.constant 0 : i32
      %dma_wait3A_235 = tpu.memref_slice %arg2[%dma_wait3A_233, %dma_wait3A_234] : memref<10000x128xf32, #tpu.memory_space<hbm>> -> memref<10000x128xf32, #tpu.memory_space<hbm>>
      tpu.wait_indirect_dma semaphore(%arg14 : memref<!tpu.dma_semaphore, #tpu.memory_space<semaphore_mem>>) src(%dma_wait3A_235 : memref<10000x128xf32, #tpu.memory_space<hbm>>) dst(%arg9 : memref<80x128xf32, #tpu.memory_space<vmem>>)
      %dma_wait3A_236 = arith.constant 0 : i32
      %dma_wait3A_237 = arith.constant 0 : i32
      %dma_wait3A_238 = tpu.memref_slice %arg3[%dma_wait3A_236, %dma_wait3A_237] : memref<160000x128xi32, #tpu.memory_space<hbm>> -> memref<40x128xi32, #tpu.memory_space<hbm>>
      %dma_wait3A_239 = arith.constant 0 : i32
      %dma_wait3A_240 = arith.constant 0 : i32
      %dma_wait3A_241 = tpu.memref_slice %arg3[%dma_wait3A_239, %dma_wait3A_240] : memref<160000x128xi32, #tpu.memory_space<hbm>> -> memref<40x128xi32, #tpu.memory_space<hbm>>
      tpu.wait_dma2 semaphore(%arg16 : memref<!tpu.dma_semaphore, #tpu.memory_space<semaphore_mem>>) src(%dma_wait3A_241 : memref<40x128xi32, #tpu.memory_space<hbm>>) dst(%arg11 : memref<40x128xi32, #tpu.memory_space<vmem>>)
      %scan3A_242 = arith.constant 0 : i32
      %scan3A_243 = arith.constant 0 : i32
      %scan3A_244 = arith.constant 40 : i32
      %scan3A_245 = arith.addi %scan3A_243, %scan3A_244 : i32
      %scan3A_246 = arith.constant 1 : i32
      %scan3A_247 = scf.for %scan3A_300 = %scan3A_243 to %scan3A_245 step %scan3A_246 iter_args(%scan3A_301 = %scan3A_242) -> (i32)  : i32 {
        %get3A = arith.index_cast %scan3A_300 : i32 to index
        %get3A_302 = arith.constant 0 : index
        %get3A_303 = tpu.vector_load %arg11[%get3A, %get3A_302] {strides = array<i32>} : memref<40x128xi32, #tpu.memory_space<vmem>>, vector<16xi32>,
        %bitcast3A = vector.bitcast %get3A_303 : vector<16xi32> to vector<32xbf16>
        %unpack3A = tpu.unpack_subelements %bitcast3A, 0 {pack_format = #tpu.pack_format<interleaved>} : vector<32xbf16> -> vector<16xf32>
        %unpack3A_304 = tpu.unpack_subelements %bitcast3A, 1 {pack_format = #tpu.pack_format<interleaved>} : vector<32xbf16> -> vector<16xf32>
        %get3A_305 = arith.index_cast %scan3A_300 : i32 to index
        %get3A_306 = arith.constant 0 : index
        %get3A_307 = tpu.vector_load %arg9[%get3A_305, %get3A_306] {strides = array<i32>} : memref<80x128xf32, #tpu.memory_space<vmem>>, vector<16xf32>,
        %mul3A_308 = arith.mulf %get3A_307, %unpack3A : vector<16xf32>
        %swap3A = arith.index_cast %scan3A_300 : i32 to index
        %swap3A_309 = arith.constant 0 : index
        %swap3A_310 = tpu.vector_load %arg9[%swap3A, %swap3A_309] {strides = array<i32>} : memref<80x128xf32, #tpu.memory_space<vmem>>, vector<16xf32>,
        tpu.vector_store %arg9[%swap3A, %swap3A_309], %mul3A_308 {strides = array<i32>} : memref<80x128xf32, #tpu.memory_space<vmem>>, vector<16xf32>,
        %add3A_311 = arith.constant 40 : i32
        %add3A_312 = arith.addi %scan3A_300, %add3A_311 : i32
        %get3A_313 = arith.index_cast %add3A_312 : i32 to index
        %get3A_314 = arith.constant 0 : index
        %get3A_315 = tpu.vector_load %arg9[%get3A_313, %get3A_314] {strides = array<i32>} : memref<80x128xf32, #tpu.memory_space<vmem>>, vector<16xf32>,
        %mul3A_316 = arith.mulf %get3A_315, %unpack3A_304 : vector<16xf32>
        %add3A_317 = arith.constant 40 : i32
        %add3A_318 = arith.addi %scan3A_300, %add3A_317 : i32
        %swap3A_319 = arith.index_cast %add3A_318 : i32 to index
        %swap3A_320 = arith.constant 0 : index
        %swap3A_321 = tpu.vector_load %arg9[%swap3A_319, %swap3A_320] {strides = array<i32>} : memref<80x128xf32, #tpu.memory_space<vmem>>, vector<16xf32>,
        tpu.vector_store %arg9[%swap3A_319, %swap3A_320], %mul3A_316 {strides = array<i32>} : memref<80x128xf32, #tpu.memory_space<vmem>>, vector<16xf32>,
        %get3A_322 = arith.index_cast %scan3A_300 : i32 to index
        %get3A_323 = arith.constant 16 : index
        %get3A_324 = tpu.vector_load %arg11[%get3A_322, %get3A_323] {strides = array<i32>} : memref<40x128xi32, #tpu.memory_space<vmem>>, vector<16xi32>,
        %bitcast3A_325 = vector.bitcast %get3A_324 : vector<16xi32> to vector<32xbf16>
        %unpack3A_326 = tpu.unpack_subelements %bitcast3A_325, 0 {pack_format = #tpu.pack_format<interleaved>} : vector<32xbf16> -> vector<16xf32>
        %unpack3A_327 = tpu.unpack_subelements %bitcast3A_325, 1 {pack_format = #tpu.pack_format<interleaved>} : vector<32xbf16> -> vector<16xf32>
        %get3A_328 = arith.index_cast %scan3A_300 : i32 to index
        %get3A_329 = arith.constant 16 : index
        %get3A_330 = tpu.vector_load %arg9[%get3A_328, %get3A_329] {strides = array<i32>} : memref<80x128xf32, #tpu.memory_space<vmem>>, vector<16xf32>,
        %mul3A_331 = arith.mulf %get3A_330, %unpack3A_326 : vector<16xf32>
        %swap3A_332 = arith.index_cast %scan3A_300 : i32 to index
        %swap3A_333 = arith.constant 16 : index
        %swap3A_334 = tpu.vector_load %arg9[%swap3A_332, %swap3A_333] {strides = array<i32>} : memref<80x128xf32, #tpu.memory_space<vmem>>, vector<16xf32>,
        tpu.vector_store %arg9[%swap3A_332, %swap3A_333], %mul3A_331 {strides = array<i32>} : memref<80x128xf32, #tpu.memory_space<vmem>>, vector<16xf32>,
        %add3A_335 = arith.constant 40 : i32
        %add3A_336 = arith.addi %scan3A_300, %add3A_335 : i32
        %get3A_337 = arith.index_cast %add3A_336 : i32 to index
        %get3A_338 = arith.constant 16 : index
        %get3A_339 = tpu.vector_load %arg9[%get3A_337, %get3A_338] {strides = array<i32>} : memref<80x128xf32, #tpu.memory_space<vmem>>, vector<16xf32>,
        %mul3A_340 = arith.mulf %get3A_339, %unpack3A_327 : vector<16xf32>
        %add3A_341 = arith.constant 40 : i32
        %add3A_342 = arith.addi %scan3A_300, %add3A_341 : i32
        %swap3A_343 = arith.index_cast %add3A_342 : i32 to index
        %swap3A_344 = arith.constant 16 : index
        %swap3A_345 = tpu.vector_load %arg9[%swap3A_343, %swap3A_344] {strides = array<i32>} : memref<80x128xf32, #tpu.memory_space<vmem>>, vector<16xf32>,
        tpu.vector_store %arg9[%swap3A_343, %swap3A_344], %mul3A_340 {strides = array<i32>} : memref<80x128xf32, #tpu.memory_space<vmem>>, vector<16xf32>,
        %get3A_346 = arith.index_cast %scan3A_300 : i32 to index
        %get3A_347 = arith.constant 32 : index
        %get3A_348 = tpu.vector_load %arg11[%get3A_346, %get3A_347] {strides = array<i32>} : memref<40x128xi32, #tpu.memory_space<vmem>>, vector<16xi32>,
        %bitcast3A_349 = vector.bitcast %get3A_348 : vector<16xi32> to vector<32xbf16>
        %unpack3A_350 = tpu.unpack_subelements %bitcast3A_349, 0 {pack_format = #tpu.pack_format<interleaved>} : vector<32xbf16> -> vector<16xf32>
        %unpack3A_351 = tpu.unpack_subelements %bitcast3A_349, 1 {pack_format = #tpu.pack_format<interleaved>} : vector<32xbf16> -> vector<16xf32>
        %get3A_352 = arith.index_cast %scan3A_300 : i32 to index
        %get3A_353 = arith.constant 32 : index
        %get3A_354 = tpu.vector_load %arg9[%get3A_352, %get3A_353] {strides = array<i32>} : memref<80x128xf32, #tpu.memory_space<vmem>>, vector<16xf32>,
        %mul3A_355 = arith.mulf %get3A_354, %unpack3A_350 : vector<16xf32>
        %swap3A_356 = arith.index_cast %scan3A_300 : i32 to index
        %swap3A_357 = arith.constant 32 : index
        %swap3A_358 = tpu.vector_load %arg9[%swap3A_356, %swap3A_357] {strides = array<i32>} : memref<80x128xf32, #tpu.memory_space<vmem>>, vector<16xf32>,
        tpu.vector_store %arg9[%swap3A_356, %swap3A_357], %mul3A_355 {strides = array<i32>} : memref<80x128xf32, #tpu.memory_space<vmem>>, vector<16xf32>,
        %add3A_359 = arith.constant 40 : i32
        %add3A_360 = arith.addi %scan3A_300, %add3A_359 : i32
        %get3A_361 = arith.index_cast %add3A_360 : i32 to index
        %get3A_362 = arith.constant 32 : index
        %get3A_363 = tpu.vector_load %arg9[%get3A_361, %get3A_362] {strides = array<i32>} : memref<80x128xf32, #tpu.memory_space<vmem>>, vector<16xf32>,
        %mul3A_364 = arith.mulf %get3A_363, %unpack3A_351 : vector<16xf32>
        %add3A_365 = arith.constant 40 : i32
        %add3A_366 = arith.addi %scan3A_300, %add3A_365 : i32
        %swap3A_367 = arith.index_cast %add3A_366 : i32 to index
        %swap3A_368 = arith.constant 32 : index
        %swap3A_369 = tpu.vector_load %arg9[%swap3A_367, %swap3A_368] {strides = array<i32>} : memref<80x128xf32, #tpu.memory_space<vmem>>, vector<16xf32>,
        tpu.vector_store %arg9[%swap3A_367, %swap3A_368], %mul3A_364 {strides = array<i32>} : memref<80x128xf32, #tpu.memory_space<vmem>>, vector<16xf32>,
        %get3A_370 = arith.index_cast %scan3A_300 : i32 to index
        %get3A_371 = arith.constant 48 : index
        %get3A_372 = tpu.vector_load %arg11[%get3A_370, %get3A_371] {strides = array<i32>} : memref<40x128xi32, #tpu.memory_space<vmem>>, vector<16xi32>,
        %bitcast3A_373 = vector.bitcast %get3A_372 : vector<16xi32> to vector<32xbf16>
        %unpack3A_374 = tpu.unpack_subelements %bitcast3A_373, 0 {pack_format = #tpu.pack_format<interleaved>} : vector<32xbf16> -> vector<16xf32>
        %unpack3A_375 = tpu.unpack_subelements %bitcast3A_373, 1 {pack_format = #tpu.pack_format<interleaved>} : vector<32xbf16> -> vector<16xf32>
        %get3A_376 = arith.index_cast %scan3A_300 : i32 to index
        %get3A_377 = arith.constant 48 : index
        %get3A_378 = tpu.vector_load %arg9[%get3A_376, %get3A_377] {strides = array<i32>} : memref<80x128xf32, #tpu.memory_space<vmem>>, vector<16xf32>,
        %mul3A_379 = arith.mulf %get3A_378, %unpack3A_374 : vector<16xf32>
        %swap3A_380 = arith.index_cast %scan3A_300 : i32 to index
        %swap3A_381 = arith.constant 48 : index
        %swap3A_382 = tpu.vector_load %arg9[%swap3A_380, %swap3A_381] {strides = array<i32>} : memref<80x128xf32, #tpu.memory_space<vmem>>, vector<16xf32>,
        tpu.vector_store %arg9[%swap3A_380, %swap3A_381], %mul3A_379 {strides = array<i32>} : memref<80x128xf32, #tpu.memory_space<vmem>>, vector<16xf32>,
        %add3A_383 = arith.constant 40 : i32
        %add3A_384 = arith.addi %scan3A_300, %add3A_383 : i32
        %get3A_385 = arith.index_cast %add3A_384 : i32 to index
        %get3A_386 = arith.constant 48 : index
        %get3A_387 = tpu.vector_load %arg9[%get3A_385, %get3A_386] {strides = array<i32>} : memref<80x128xf32, #tpu.memory_space<vmem>>, vector<16xf32>,
        %mul3A_388 = arith.mulf %get3A_387, %unpack3A_375 : vector<16xf32>
        %add3A_389 = arith.constant 40 : i32
        %add3A_390 = arith.addi %scan3A_300, %add3A_389 : i32
        %swap3A_391 = arith.index_cast %add3A_390 : i32 to index
        %swap3A_392 = arith.constant 48 : index
        %swap3A_393 = tpu.vector_load %arg9[%swap3A_391, %swap3A_392] {strides = array<i32>} : memref<80x128xf32, #tpu.memory_space<vmem>>, vector<16xf32>,
        tpu.vector_store %arg9[%swap3A_391, %swap3A_392], %mul3A_388 {strides = array<i32>} : memref<80x128xf32, #tpu.memory_space<vmem>>, vector<16xf32>,
        %get3A_394 = arith.index_cast %scan3A_300 : i32 to index
        %get3A_395 = arith.constant 64 : index
        %get3A_396 = tpu.vector_load %arg11[%get3A_394, %get3A_395] {strides = array<i32>} : memref<40x128xi32, #tpu.memory_space<vmem>>, vector<16xi32>,
        %bitcast3A_397 = vector.bitcast %get3A_396 : vector<16xi32> to vector<32xbf16>
        %unpack3A_398 = tpu.unpack_subelements %bitcast3A_397, 0 {pack_format = #tpu.pack_format<interleaved>} : vector<32xbf16> -> vector<16xf32>
        %unpack3A_399 = tpu.unpack_subelements %bitcast3A_397, 1 {pack_format = #tpu.pack_format<interleaved>} : vector<32xbf16> -> vector<16xf32>
        %get3A_400 = arith.index_cast %scan3A_300 : i32 to index
        %get3A_401 = arith.constant 64 : index
        %get3A_402 = tpu.vector_load %arg9[%get3A_400, %get3A_401] {strides = array<i32>} : memref<80x128xf32, #tpu.memory_space<vmem>>, vector<16xf32>,
        %mul3A_403 = arith.mulf %get3A_402, %unpack3A_398 : vector<16xf32>
        %swap3A_404 = arith.index_cast %scan3A_300 : i32 to index
        %swap3A_405 = arith.constant 64 : index
        %swap3A_406 = tpu.vector_load %arg9[%swap3A_404, %swap3A_405] {strides = array<i32>} : memref<80x128xf32, #tpu.memory_space<vmem>>, vector<16xf32>,
        tpu.vector_store %arg9[%swap3A_404, %swap3A_405], %mul3A_403 {strides = array<i32>} : memref<80x128xf32, #tpu.memory_space<vmem>>, vector<16xf32>,
        %add3A_407 = arith.constant 40 : i32
        %add3A_408 = arith.addi %scan3A_300, %add3A_407 : i32
        %get3A_409 = arith.index_cast %add3A_408 : i32 to index
        %get3A_410 = arith.constant 64 : index
        %get3A_411 = tpu.vector_load %arg9[%get3A_409, %get3A_410] {strides = array<i32>} : memref<80x128xf32, #tpu.memory_space<vmem>>, vector<16xf32>,
        %mul3A_412 = arith.mulf %get3A_411, %unpack3A_399 : vector<16xf32>
        %add3A_413 = arith.constant 40 : i32
        %add3A_414 = arith.addi %scan3A_300, %add3A_413 : i32
        %swap3A_415 = arith.index_cast %add3A_414 : i32 to index
        %swap3A_416 = arith.constant 64 : index
        %swap3A_417 = tpu.vector_load %arg9[%swap3A_415, %swap3A_416] {strides = array<i32>} : memref<80x128xf32, #tpu.memory_space<vmem>>, vector<16xf32>,
        tpu.vector_store %arg9[%swap3A_415, %swap3A_416], %mul3A_412 {strides = array<i32>} : memref<80x128xf32, #tpu.memory_space<vmem>>, vector<16xf32>,
        %get3A_418 = arith.index_cast %scan3A_300 : i32 to index
        %get3A_419 = arith.constant 80 : index
        %get3A_420 = tpu.vector_load %arg11[%get3A_418, %get3A_419] {strides = array<i32>} : memref<40x128xi32, #tpu.memory_space<vmem>>, vector<16xi32>,
        %bitcast3A_421 = vector.bitcast %get3A_420 : vector<16xi32> to vector<32xbf16>
        %unpack3A_422 = tpu.unpack_subelements %bitcast3A_421, 0 {pack_format = #tpu.pack_format<interleaved>} : vector<32xbf16> -> vector<16xf32>
        %unpack3A_423 = tpu.unpack_subelements %bitcast3A_421, 1 {pack_format = #tpu.pack_format<interleaved>} : vector<32xbf16> -> vector<16xf32>
        %get3A_424 = arith.index_cast %scan3A_300 : i32 to index
        %get3A_425 = arith.constant 80 : index
        %get3A_426 = tpu.vector_load %arg9[%get3A_424, %get3A_425] {strides = array<i32>} : memref<80x128xf32, #tpu.memory_space<vmem>>, vector<16xf32>,
        %mul3A_427 = arith.mulf %get3A_426, %unpack3A_422 : vector<16xf32>
        %swap3A_428 = arith.index_cast %scan3A_300 : i32 to index
        %swap3A_429 = arith.constant 80 : index
        %swap3A_430 = tpu.vector_load %arg9[%swap3A_428, %swap3A_429] {strides = array<i32>} : memref<80x128xf32, #tpu.memory_space<vmem>>, vector<16xf32>,
        tpu.vector_store %arg9[%swap3A_428, %swap3A_429], %mul3A_427 {strides = array<i32>} : memref<80x128xf32, #tpu.memory_space<vmem>>, vector<16xf32>,
        %add3A_431 = arith.constant 40 : i32
        %add3A_432 = arith.addi %scan3A_300, %add3A_431 : i32
        %get3A_433 = arith.index_cast %add3A_432 : i32 to index
        %get3A_434 = arith.constant 80 : index
        %get3A_435 = tpu.vector_load %arg9[%get3A_433, %get3A_434] {strides = array<i32>} : memref<80x128xf32, #tpu.memory_space<vmem>>, vector<16xf32>,
        %mul3A_436 = arith.mulf %get3A_435, %unpack3A_423 : vector<16xf32>
        %add3A_437 = arith.constant 40 : i32
        %add3A_438 = arith.addi %scan3A_300, %add3A_437 : i32
        %swap3A_439 = arith.index_cast %add3A_438 : i32 to index
        %swap3A_440 = arith.constant 80 : index
        %swap3A_441 = tpu.vector_load %arg9[%swap3A_439, %swap3A_440] {strides = array<i32>} : memref<80x128xf32, #tpu.memory_space<vmem>>, vector<16xf32>,
        tpu.vector_store %arg9[%swap3A_439, %swap3A_440], %mul3A_436 {strides = array<i32>} : memref<80x128xf32, #tpu.memory_space<vmem>>, vector<16xf32>,
        %get3A_442 = arith.index_cast %scan3A_300 : i32 to index
        %get3A_443 = arith.constant 96 : index
        %get3A_444 = tpu.vector_load %arg11[%get3A_442, %get3A_443] {strides = array<i32>} : memref<40x128xi32, #tpu.memory_space<vmem>>, vector<16xi32>,
        %bitcast3A_445 = vector.bitcast %get3A_444 : vector<16xi32> to vector<32xbf16>
        %unpack3A_446 = tpu.unpack_subelements %bitcast3A_445, 0 {pack_format = #tpu.pack_format<interleaved>} : vector<32xbf16> -> vector<16xf32>
        %unpack3A_447 = tpu.unpack_subelements %bitcast3A_445, 1 {pack_format = #tpu.pack_format<interleaved>} : vector<32xbf16> -> vector<16xf32>
        %get3A_448 = arith.index_cast %scan3A_300 : i32 to index
        %get3A_449 = arith.constant 96 : index
        %get3A_450 = tpu.vector_load %arg9[%get3A_448, %get3A_449] {strides = array<i32>} : memref<80x128xf32, #tpu.memory_space<vmem>>, vector<16xf32>,
        %mul3A_451 = arith.mulf %get3A_450, %unpack3A_446 : vector<16xf32>
        %swap3A_452 = arith.index_cast %scan3A_300 : i32 to index
        %swap3A_453 = arith.constant 96 : index
        %swap3A_454 = tpu.vector_load %arg9[%swap3A_452, %swap3A_453] {strides = array<i32>} : memref<80x128xf32, #tpu.memory_space<vmem>>, vector<16xf32>,
        tpu.vector_store %arg9[%swap3A_452, %swap3A_453], %mul3A_451 {strides = array<i32>} : memref<80x128xf32, #tpu.memory_space<vmem>>, vector<16xf32>,
        %add3A_455 = arith.constant 40 : i32
        %add3A_456 = arith.addi %scan3A_300, %add3A_455 : i32
        %get3A_457 = arith.index_cast %add3A_456 : i32 to index
        %get3A_458 = arith.constant 96 : index
        %get3A_459 = tpu.vector_load %arg9[%get3A_457, %get3A_458] {strides = array<i32>} : memref<80x128xf32, #tpu.memory_space<vmem>>, vector<16xf32>,
        %mul3A_460 = arith.mulf %get3A_459, %unpack3A_447 : vector<16xf32>
        %add3A_461 = arith.constant 40 : i32
        %add3A_462 = arith.addi %scan3A_300, %add3A_461 : i32
        %swap3A_463 = arith.index_cast %add3A_462 : i32 to index
        %swap3A_464 = arith.constant 96 : index
        %swap3A_465 = tpu.vector_load %arg9[%swap3A_463, %swap3A_464] {strides = array<i32>} : memref<80x128xf32, #tpu.memory_space<vmem>>, vector<16xf32>,
        tpu.vector_store %arg9[%swap3A_463, %swap3A_464], %mul3A_460 {strides = array<i32>} : memref<80x128xf32, #tpu.memory_space<vmem>>, vector<16xf32>,
        %get3A_466 = arith.index_cast %scan3A_300 : i32 to index
        %get3A_467 = arith.constant 112 : index
        %get3A_468 = tpu.vector_load %arg11[%get3A_466, %get3A_467] {strides = array<i32>} : memref<40x128xi32, #tpu.memory_space<vmem>>, vector<16xi32>,
        %bitcast3A_469 = vector.bitcast %get3A_468 : vector<16xi32> to vector<32xbf16>
        %unpack3A_470 = tpu.unpack_subelements %bitcast3A_469, 0 {pack_format = #tpu.pack_format<interleaved>} : vector<32xbf16> -> vector<16xf32>
        %unpack3A_471 = tpu.unpack_subelements %bitcast3A_469, 1 {pack_format = #tpu.pack_format<interleaved>} : vector<32xbf16> -> vector<16xf32>
        %get3A_472 = arith.index_cast %scan3A_300 : i32 to index
        %get3A_473 = arith.constant 112 : index
        %get3A_474 = tpu.vector_load %arg9[%get3A_472, %get3A_473] {strides = array<i32>} : memref<80x128xf32, #tpu.memory_space<vmem>>, vector<16xf32>,
        %mul3A_475 = arith.mulf %get3A_474, %unpack3A_470 : vector<16xf32>
        %swap3A_476 = arith.index_cast %scan3A_300 : i32 to index
        %swap3A_477 = arith.constant 112 : index
        %swap3A_478 = tpu.vector_load %arg9[%swap3A_476, %swap3A_477] {strides = array<i32>} : memref<80x128xf32, #tpu.memory_space<vmem>>, vector<16xf32>,
        tpu.vector_store %arg9[%swap3A_476, %swap3A_477], %mul3A_475 {strides = array<i32>} : memref<80x128xf32, #tpu.memory_space<vmem>>, vector<16xf32>,
        %add3A_479 = arith.constant 40 : i32
        %add3A_480 = arith.addi %scan3A_300, %add3A_479 : i32
        %get3A_481 = arith.index_cast %add3A_480 : i32 to index
        %get3A_482 = arith.constant 112 : index
        %get3A_483 = tpu.vector_load %arg9[%get3A_481, %get3A_482] {strides = array<i32>} : memref<80x128xf32, #tpu.memory_space<vmem>>, vector<16xf32>,
        %mul3A_484 = arith.mulf %get3A_483, %unpack3A_471 : vector<16xf32>
        %add3A_485 = arith.constant 40 : i32
        %add3A_486 = arith.addi %scan3A_300, %add3A_485 : i32
        %swap3A_487 = arith.index_cast %add3A_486 : i32 to index
        %swap3A_488 = arith.constant 112 : index
        %swap3A_489 = tpu.vector_load %arg9[%swap3A_487, %swap3A_488] {strides = array<i32>} : memref<80x128xf32, #tpu.memory_space<vmem>>, vector<16xf32>,
        tpu.vector_store %arg9[%swap3A_487, %swap3A_488], %mul3A_484 {strides = array<i32>} : memref<80x128xf32, #tpu.memory_space<vmem>>, vector<16xf32>,
        %scan3A_490 = arith.constant 0 : i32
        scf.yield %scan3A_490 : i32
      }
      %scan3A_248 = arith.constant 40 : i32
      %dma_start3A_249 = arith.constant 0 : i32
      %dma_start3A_250 = arith.constant 0 : i32
      %dma_start3A_251 = tpu.memref_slice %arg8[%dma_start3A_249, %dma_start3A_250] : memref<2x80xi32, #tpu.memory_space<vmem>> -> memref<1x80xi32, #tpu.memory_space<vmem>>
      %dma_start3A_252 = tpu.memref_squeeze %dma_start3A_251 : memref<1x80xi32, #tpu.memory_space<vmem>> -> memref<80xi32, #tpu.memory_space<vmem>>
      %dma_start3A_253 = arith.constant 0 : i32
      %dma_start3A_254 = arith.constant 0 : i32
      %dma_start3A_255 = tpu.memref_slice %arg13[%dma_start3A_253, %dma_start3A_254] : memref<10000x128xf32, #tpu.memory_space<vmem_shared>> -> memref<10000x128xf32, #tpu.memory_space<vmem_shared>>
      tpu.enqueue_indirect_dma source(%arg9 : memref<80x128xf32, #tpu.memory_space<vmem>>) target(%dma_start3A_255 : memref<10000x128xf32, #tpu.memory_space<vmem_shared>>) offsets(%dma_start3A_252 : memref<80xi32, #tpu.memory_space<vmem>>) semaphore(%arg18 : memref<!tpu.dma_semaphore, #tpu.memory_space<semaphore_mem>>) {add = true}
      %add3A_256 = arith.constant 2 : i32
      %add3A_257 = arith.addi %add3A_228, %add3A_256 : i32
      %lt3A_258 = arith.cmpi slt, %add3A_257, %select_n3A : i32
      %convert_element_type3A_259 = arith.extui %lt3A_258 : i1 to i32
      %cond3A_260 = arith.constant 0 : i32
      %cond3A_261 = arith.cmpi ne, %convert_element_type3A_259, %cond3A_260 : i32
      scf.if %cond3A_261 {
        %dma_wait3A_300 = arith.constant 0 : i32
        %dma_wait3A_301 = arith.constant 0 : i32
        %dma_wait3A_302 = tpu.memref_slice %arg8[%dma_wait3A_300, %dma_wait3A_301] : memref<2x80xi32, #tpu.memory_space<vmem>> -> memref<1x80xi32, #tpu.memory_space<vmem>>
        %dma_wait3A_303 = tpu.memref_squeeze %dma_wait3A_302 : memref<1x80xi32, #tpu.memory_space<vmem>> -> memref<80xi32, #tpu.memory_space<vmem>>
        %dma_wait3A_304 = arith.constant 0 : i32
        %dma_wait3A_305 = arith.constant 0 : i32
        %dma_wait3A_306 = tpu.memref_slice %arg13[%dma_wait3A_304, %dma_wait3A_305] : memref<10000x128xf32, #tpu.memory_space<vmem_shared>> -> memref<10000x128xf32, #tpu.memory_space<vmem_shared>>
        tpu.wait_indirect_dma semaphore(%arg18 : memref<!tpu.dma_semaphore, #tpu.memory_space<semaphore_mem>>) src(%arg9 : memref<80x128xf32, #tpu.memory_space<vmem>>) dst(%dma_wait3A_306 : memref<10000x128xf32, #tpu.memory_space<vmem_shared>>)
        %dma_wait3A_307 = arith.constant 0 : i32
        %dma_wait3A_308 = arith.constant 0 : i32
        %dma_wait3A_309 = tpu.memref_slice %arg6[%dma_wait3A_307, %dma_wait3A_308] : memref<2x80xi32, #tpu.memory_space<vmem>> -> memref<1x40xi32, #tpu.memory_space<vmem>>
        %dma_wait3A_310 = tpu.memref_squeeze %dma_wait3A_309 : memref<1x40xi32, #tpu.memory_space<vmem>> -> memref<40xi32, #tpu.memory_space<vmem>>
        %dma_wait3A_311 = arith.constant 0 : i32
        %dma_wait3A_312 = tpu.memref_slice %arg4[%dma_wait3A_311] : memref<320000xi32, #tpu.memory_space<hbm>> -> memref<40xi32, #tpu.memory_space<hbm>>
        %dma_wait3A_313 = arith.constant 0 : i32
        %dma_wait3A_314 = tpu.memref_slice %arg6[%dma_wait3A_307, %dma_wait3A_313] : memref<2x80xi32, #tpu.memory_space<vmem>> -> memref<1x40xi32, #tpu.memory_space<vmem>>
        %dma_wait3A_315 = tpu.memref_squeeze %dma_wait3A_314 : memref<1x40xi32, #tpu.memory_space<vmem>> -> memref<40xi32, #tpu.memory_space<vmem>>
        %dma_wait3A_316 = arith.constant 0 : i32
        %dma_wait3A_317 = tpu.memref_slice %arg4[%dma_wait3A_316] : memref<320000xi32, #tpu.memory_space<hbm>> -> memref<40xi32, #tpu.memory_space<hbm>>
        tpu.wait_dma2 semaphore(%arg20 : memref<!tpu.dma_semaphore, #tpu.memory_space<semaphore_mem>>) src(%dma_wait3A_317 : memref<40xi32, #tpu.memory_space<hbm>>) dst(%dma_wait3A_315 : memref<40xi32, #tpu.memory_space<vmem>>)
        %dma_wait3A_318 = arith.constant 0 : i32
        %dma_wait3A_319 = arith.constant 40 : i32
        %dma_wait3A_320 = tpu.memref_slice %arg6[%dma_wait3A_318, %dma_wait3A_319] : memref<2x80xi32, #tpu.memory_space<vmem>> -> memref<1x40xi32, #tpu.memory_space<vmem>>
        %dma_wait3A_321 = tpu.memref_squeeze %dma_wait3A_320 : memref<1x40xi32, #tpu.memory_space<vmem>> -> memref<40xi32, #tpu.memory_space<vmem>>
        %dma_wait3A_322 = arith.constant 0 : i32
        %dma_wait3A_323 = tpu.memref_slice %arg4[%dma_wait3A_322] : memref<320000xi32, #tpu.memory_space<hbm>> -> memref<40xi32, #tpu.memory_space<hbm>>
        %dma_wait3A_324 = arith.constant 40 : i32
        %dma_wait3A_325 = tpu.memref_slice %arg6[%dma_wait3A_318, %dma_wait3A_324] : memref<2x80xi32, #tpu.memory_space<vmem>> -> memref<1x40xi32, #tpu.memory_space<vmem>>
        %dma_wait3A_326 = tpu.memref_squeeze %dma_wait3A_325 : memref<1x40xi32, #tpu.memory_space<vmem>> -> memref<40xi32, #tpu.memory_space<vmem>>
        %dma_wait3A_327 = arith.constant 0 : i32
        %dma_wait3A_328 = tpu.memref_slice %arg4[%dma_wait3A_327] : memref<320000xi32, #tpu.memory_space<hbm>> -> memref<40xi32, #tpu.memory_space<hbm>>
        tpu.wait_dma2 semaphore(%arg20 : memref<!tpu.dma_semaphore, #tpu.memory_space<semaphore_mem>>) src(%dma_wait3A_328 : memref<40xi32, #tpu.memory_space<hbm>>) dst(%dma_wait3A_326 : memref<40xi32, #tpu.memory_space<vmem>>)
        %scan3A_329 = arith.constant 0 : i32
        %scan3A_330 = arith.constant 0 : i32
        %scan3A_331 = arith.constant 5 : i32
        %scan3A_332 = arith.addi %scan3A_330, %scan3A_331 : i32
        %scan3A_333 = arith.constant 1 : i32
        %scan3A_334 = scf.for %scan3A_356 = %scan3A_330 to %scan3A_332 step %scan3A_333 iter_args(%scan3A_357 = %scan3A_329) -> (i32)  : i32 {
          %mul3A_358 = arith.constant 16 : i32
          %mul3A_359 = arith.muli %scan3A_356, %mul3A_358 : i32
          %get3A = arith.constant 0 : i32
          %get3A_360 = arith.index_cast %get3A : i32 to index
          %get3A_361 = arith.index_cast %mul3A_359 : i32 to index
          %get3A_362 = tpu.vector_load %arg6[%get3A_360, %get3A_361] {strides = array<i32>} : memref<2x80xi32, #tpu.memory_space<vmem>>, vector<16xi32>,
          %mul3A_363 = arith.constant 16 : i32
          %mul3A_364 = arith.muli %scan3A_356, %mul3A_363 : i32
          %shift_right_logical3A = arith.constant 14 : i32
          %shift_right_logical3A_365 = vector.broadcast %shift_right_logical3A : i32 to vector<16xi32>
          %shift_right_logical3A_366 = arith.shrui %get3A_362, %shift_right_logical3A_365 : vector<16xi32>
          %swap3A = arith.constant 0 : i32
          %swap3A_367 = arith.index_cast %swap3A : i32 to index
          %swap3A_368 = arith.index_cast %mul3A_364 : i32 to index
          %swap3A_369 = tpu.vector_load %arg7[%swap3A_367, %swap3A_368] {strides = array<i32>} : memref<2x80xi32, #tpu.memory_space<vmem>>, vector<16xi32>,
          tpu.vector_store %arg7[%swap3A_367, %swap3A_368], %shift_right_logical3A_366 {strides = array<i32>} : memref<2x80xi32, #tpu.memory_space<vmem>>, vector<16xi32>,
          %and3A = arith.constant 16383 : i32
          %and3A_370 = vector.broadcast %and3A : i32 to vector<16xi32>
          %and3A_371 = arith.andi %get3A_362, %and3A_370 : vector<16xi32>
          %swap3A_372 = arith.constant 0 : i32
          %swap3A_373 = arith.index_cast %swap3A_372 : i32 to index
          %swap3A_374 = arith.index_cast %mul3A_364 : i32 to index
          %swap3A_375 = tpu.vector_load %arg8[%swap3A_373, %swap3A_374] {strides = array<i32>} : memref<2x80xi32, #tpu.memory_space<vmem>>, vector<16xi32>,
          tpu.vector_store %arg8[%swap3A_373, %swap3A_374], %and3A_371 {strides = array<i32>} : memref<2x80xi32, #tpu.memory_space<vmem>>, vector<16xi32>,
          %scan3A_376 = arith.constant 0 : i32
          scf.yield %scan3A_376 : i32
        }
        %scan3A_335 = arith.constant 5 : i32
        %dma_start3A_336 = arith.constant 0 : i32
        %dma_start3A_337 = arith.constant 0 : i32
        %dma_start3A_338 = tpu.memref_slice %arg7[%dma_start3A_336, %dma_start3A_337] : memref<2x80xi32, #tpu.memory_space<vmem>> -> memref<1x80xi32, #tpu.memory_space<vmem>>
        %dma_start3A_339 = tpu.memref_squeeze %dma_start3A_338 : memref<1x80xi32, #tpu.memory_space<vmem>> -> memref<80xi32, #tpu.memory_space<vmem>>
        %dma_start3A_340 = arith.constant 0 : i32
        %dma_start3A_341 = arith.constant 0 : i32
        %dma_start3A_342 = tpu.memref_slice %arg2[%dma_start3A_340, %dma_start3A_341] : memref<10000x128xf32, #tpu.memory_space<hbm>> -> memref<10000x128xf32, #tpu.memory_space<hbm>>
        tpu.enqueue_indirect_dma source(%dma_start3A_342 : memref<10000x128xf32, #tpu.memory_space<hbm>>) target(%arg9 : memref<80x128xf32, #tpu.memory_space<vmem>>) offsets(%dma_start3A_339 : memref<80xi32, #tpu.memory_space<vmem>>) semaphore(%arg14 : memref<!tpu.dma_semaphore, #tpu.memory_space<semaphore_mem>>)
        %add3A_343 = arith.addi %select_n3A_36, %add3A_257 : i32
        %mul3A_344 = arith.constant 40 : i32
        %mul3A_345 = arith.muli %add3A_343, %mul3A_344 : i32
        %dma_start3A_346 = arith.constant 0 : i32
        %dma_start3A_347 = tpu.memref_slice %arg3[%mul3A_345, %dma_start3A_346] : memref<160000x128xi32, #tpu.memory_space<hbm>> -> memref<40x128xi32, #tpu.memory_space<hbm>>
        %dma_start3A_348 = arith.constant 0 : i32
        %dma_start3A_349 = tpu.memref_slice %arg3[%mul3A_345, %dma_start3A_348] : memref<160000x128xi32, #tpu.memory_space<hbm>> -> memref<40x128xi32, #tpu.memory_space<hbm>>
        tpu.enqueue_dma source(%dma_start3A_349 : memref<40x128xi32, #tpu.memory_space<hbm>>) target(%arg11 : memref<40x128xi32, #tpu.memory_space<vmem>>) target_semaphore(%arg16 : memref<!tpu.dma_semaphore, #tpu.memory_space<semaphore_mem>>)
        %add3A_350 = arith.constant 2 : i32
        %add3A_351 = arith.addi %add3A_257, %add3A_350 : i32
        %lt3A_352 = arith.cmpi slt, %add3A_351, %select_n3A : i32
        %convert_element_type3A_353 = arith.extui %lt3A_352 : i1 to i32
        %cond3A_354 = arith.constant 0 : i32
        %cond3A_355 = arith.cmpi ne, %convert_element_type3A_353, %cond3A_354 : i32
        scf.if %cond3A_355 {
          %add3A_356 = arith.constant 2 : i32
          %add3A_357 = arith.addi %add3A_257, %add3A_356 : i32
          %add3A_358 = arith.addi %select_n3A_36, %add3A_357 : i32
          %mul3A_359 = arith.constant 40 : i32
          %mul3A_360 = arith.muli %add3A_358, %mul3A_359 : i32
          %dma_start3A_361 = arith.constant 0 : i32
          %dma_start3A_362 = arith.constant 0 : i32
          %dma_start3A_363 = tpu.memref_slice %arg6[%dma_start3A_361, %dma_start3A_362] : memref<2x80xi32, #tpu.memory_space<vmem>> -> memref<1x40xi32, #tpu.memory_space<vmem>>
          %dma_start3A_364 = tpu.memref_squeeze %dma_start3A_363 : memref<1x40xi32, #tpu.memory_space<vmem>> -> memref<40xi32, #tpu.memory_space<vmem>>
          %dma_start3A_365 = tpu.memref_slice %arg4[%mul3A_360] : memref<320000xi32, #tpu.memory_space<hbm>> -> memref<40xi32, #tpu.memory_space<hbm>>
          %dma_start3A_366 = arith.constant 0 : i32
          %dma_start3A_367 = tpu.memref_slice %arg6[%dma_start3A_361, %dma_start3A_366] : memref<2x80xi32, #tpu.memory_space<vmem>> -> memref<1x40xi32, #tpu.memory_space<vmem>>
          %dma_start3A_368 = tpu.memref_squeeze %dma_start3A_367 : memref<1x40xi32, #tpu.memory_space<vmem>> -> memref<40xi32, #tpu.memory_space<vmem>>
          %dma_start3A_369 = tpu.memref_slice %arg4[%mul3A_360] : memref<320000xi32, #tpu.memory_space<hbm>> -> memref<40xi32, #tpu.memory_space<hbm>>
          tpu.enqueue_dma source(%dma_start3A_369 : memref<40xi32, #tpu.memory_space<hbm>>) target(%dma_start3A_368 : memref<40xi32, #tpu.memory_space<vmem>>) target_semaphore(%arg20 : memref<!tpu.dma_semaphore, #tpu.memory_space<semaphore_mem>>)
          %add3A_370 = arith.addi %select_n3A_36, %add3A_357 : i32
          %mul3A_371 = arith.constant 40 : i32
          %mul3A_372 = arith.muli %add3A_370, %mul3A_371 : i32
          %add3A_373 = arith.constant 160000 : i32
          %add3A_374 = arith.addi %add3A_373, %mul3A_372 : i32
          %dma_start3A_375 = arith.constant 0 : i32
          %dma_start3A_376 = arith.constant 40 : i32
          %dma_start3A_377 = tpu.memref_slice %arg6[%dma_start3A_375, %dma_start3A_376] : memref<2x80xi32, #tpu.memory_space<vmem>> -> memref<1x40xi32, #tpu.memory_space<vmem>>
          %dma_start3A_378 = tpu.memref_squeeze %dma_start3A_377 : memref<1x40xi32, #tpu.memory_space<vmem>> -> memref<40xi32, #tpu.memory_space<vmem>>
          %dma_start3A_379 = tpu.memref_slice %arg4[%add3A_374] : memref<320000xi32, #tpu.memory_space<hbm>> -> memref<40xi32, #tpu.memory_space<hbm>>
          %dma_start3A_380 = arith.constant 40 : i32
          %dma_start3A_381 = tpu.memref_slice %arg6[%dma_start3A_375, %dma_start3A_380] : memref<2x80xi32, #tpu.memory_space<vmem>> -> memref<1x40xi32, #tpu.memory_space<vmem>>
          %dma_start3A_382 = tpu.memref_squeeze %dma_start3A_381 : memref<1x40xi32, #tpu.memory_space<vmem>> -> memref<40xi32, #tpu.memory_space<vmem>>
          %dma_start3A_383 = tpu.memref_slice %arg4[%add3A_374] : memref<320000xi32, #tpu.memory_space<hbm>> -> memref<40xi32, #tpu.memory_space<hbm>>
          tpu.enqueue_dma source(%dma_start3A_383 : memref<40xi32, #tpu.memory_space<hbm>>) target(%dma_start3A_382 : memref<40xi32, #tpu.memory_space<vmem>>) target_semaphore(%arg20 : memref<!tpu.dma_semaphore, #tpu.memory_space<semaphore_mem>>)
        } else {
        }
      } else {
      }
      %mul3A_262 = arith.constant 2 : i32
      %mul3A_263 = arith.muli %while3A_223, %mul3A_262 : i32
      %add3A_264 = arith.constant 1 : i32
      %add3A_265 = arith.addi %mul3A_263, %add3A_264 : i32
      %dma_wait3A_266 = arith.constant 1 : i32
      %dma_wait3A_267 = arith.constant 0 : i32
      %dma_wait3A_268 = tpu.memref_slice %arg7[%dma_wait3A_266, %dma_wait3A_267] : memref<2x80xi32, #tpu.memory_space<vmem>> -> memref<1x80xi32, #tpu.memory_space<vmem>>
      %dma_wait3A_269 = tpu.memref_squeeze %dma_wait3A_268 : memref<1x80xi32, #tpu.memory_space<vmem>> -> memref<80xi32, #tpu.memory_space<vmem>>
      %dma_wait3A_270 = arith.constant 0 : i32
      %dma_wait3A_271 = arith.constant 0 : i32
      %dma_wait3A_272 = tpu.memref_slice %arg2[%dma_wait3A_270, %dma_wait3A_271] : memref<10000x128xf32, #tpu.memory_space<hbm>> -> memref<10000x128xf32, #tpu.memory_space<hbm>>
      tpu.wait_indirect_dma semaphore(%arg15 : memref<!tpu.dma_semaphore, #tpu.memory_space<semaphore_mem>>) src(%dma_wait3A_272 : memref<10000x128xf32, #tpu.memory_space<hbm>>) dst(%arg10 : memref<80x128xf32, #tpu.memory_space<vmem>>)
      %dma_wait3A_273 = arith.constant 0 : i32
      %dma_wait3A_274 = arith.constant 0 : i32
      %dma_wait3A_275 = tpu.memref_slice %arg3[%dma_wait3A_273, %dma_wait3A_274] : memref<160000x128xi32, #tpu.memory_space<hbm>> -> memref<40x128xi32, #tpu.memory_space<hbm>>
      %dma_wait3A_276 = arith.constant 0 : i32
      %dma_wait3A_277 = arith.constant 0 : i32
      %dma_wait3A_278 = tpu.memref_slice %arg3[%dma_wait3A_276, %dma_wait3A_277] : memref<160000x128xi32, #tpu.memory_space<hbm>> -> memref<40x128xi32, #tpu.memory_space<hbm>>
      tpu.wait_dma2 semaphore(%arg17 : memref<!tpu.dma_semaphore, #tpu.memory_space<semaphore_mem>>) src(%dma_wait3A_278 : memref<40x128xi32, #tpu.memory_space<hbm>>) dst(%arg12 : memref<40x128xi32, #tpu.memory_space<vmem>>)
      %scan3A_279 = arith.constant 0 : i32
      %scan3A_280 = arith.constant 0 : i32
      %scan3A_281 = arith.constant 40 : i32
      %scan3A_282 = arith.addi %scan3A_280, %scan3A_281 : i32
      %scan3A_283 = arith.constant 1 : i32
      %scan3A_284 = scf.for %scan3A_300 = %scan3A_280 to %scan3A_282 step %scan3A_283 iter_args(%scan3A_301 = %scan3A_279) -> (i32)  : i32 {
        %get3A = arith.index_cast %scan3A_300 : i32 to index
        %get3A_302 = arith.constant 0 : index
        %get3A_303 = tpu.vector_load %arg12[%get3A, %get3A_302] {strides = array<i32>} : memref<40x128xi32, #tpu.memory_space<vmem>>, vector<16xi32>,
        %bitcast3A = vector.bitcast %get3A_303 : vector<16xi32> to vector<32xbf16>
        %unpack3A = tpu.unpack_subelements %bitcast3A, 0 {pack_format = #tpu.pack_format<interleaved>} : vector<32xbf16> -> vector<16xf32>
        %unpack3A_304 = tpu.unpack_subelements %bitcast3A, 1 {pack_format = #tpu.pack_format<interleaved>} : vector<32xbf16> -> vector<16xf32>
        %get3A_305 = arith.index_cast %scan3A_300 : i32 to index
        %get3A_306 = arith.constant 0 : index
        %get3A_307 = tpu.vector_load %arg10[%get3A_305, %get3A_306] {strides = array<i32>} : memref<80x128xf32, #tpu.memory_space<vmem>>, vector<16xf32>,
        %mul3A_308 = arith.mulf %get3A_307, %unpack3A : vector<16xf32>
        %swap3A = arith.index_cast %scan3A_300 : i32 to index
        %swap3A_309 = arith.constant 0 : index
        %swap3A_310 = tpu.vector_load %arg10[%swap3A, %swap3A_309] {strides = array<i32>} : memref<80x128xf32, #tpu.memory_space<vmem>>, vector<16xf32>,
        tpu.vector_store %arg10[%swap3A, %swap3A_309], %mul3A_308 {strides = array<i32>} : memref<80x128xf32, #tpu.memory_space<vmem>>, vector<16xf32>,
        %add3A_311 = arith.constant 40 : i32
        %add3A_312 = arith.addi %scan3A_300, %add3A_311 : i32
        %get3A_313 = arith.index_cast %add3A_312 : i32 to index
        %get3A_314 = arith.constant 0 : index
        %get3A_315 = tpu.vector_load %arg10[%get3A_313, %get3A_314] {strides = array<i32>} : memref<80x128xf32, #tpu.memory_space<vmem>>, vector<16xf32>,
        %mul3A_316 = arith.mulf %get3A_315, %unpack3A_304 : vector<16xf32>
        %add3A_317 = arith.constant 40 : i32
        %add3A_318 = arith.addi %scan3A_300, %add3A_317 : i32
        %swap3A_319 = arith.index_cast %add3A_318 : i32 to index
        %swap3A_320 = arith.constant 0 : index
        %swap3A_321 = tpu.vector_load %arg10[%swap3A_319, %swap3A_320] {strides = array<i32>} : memref<80x128xf32, #tpu.memory_space<vmem>>, vector<16xf32>,
        tpu.vector_store %arg10[%swap3A_319, %swap3A_320], %mul3A_316 {strides = array<i32>} : memref<80x128xf32, #tpu.memory_space<vmem>>, vector<16xf32>,
        %get3A_322 = arith.index_cast %scan3A_300 : i32 to index
        %get3A_323 = arith.constant 16 : index
        %get3A_324 = tpu.vector_load %arg12[%get3A_322, %get3A_323] {strides = array<i32>} : memref<40x128xi32, #tpu.memory_space<vmem>>, vector<16xi32>,
        %bitcast3A_325 = vector.bitcast %get3A_324 : vector<16xi32> to vector<32xbf16>
        %unpack3A_326 = tpu.unpack_subelements %bitcast3A_325, 0 {pack_format = #tpu.pack_format<interleaved>} : vector<32xbf16> -> vector<16xf32>
        %unpack3A_327 = tpu.unpack_subelements %bitcast3A_325, 1 {pack_format = #tpu.pack_format<interleaved>} : vector<32xbf16> -> vector<16xf32>
        %get3A_328 = arith.index_cast %scan3A_300 : i32 to index
        %get3A_329 = arith.constant 16 : index
        %get3A_330 = tpu.vector_load %arg10[%get3A_328, %get3A_329] {strides = array<i32>} : memref<80x128xf32, #tpu.memory_space<vmem>>, vector<16xf32>,
        %mul3A_331 = arith.mulf %get3A_330, %unpack3A_326 : vector<16xf32>
        %swap3A_332 = arith.index_cast %scan3A_300 : i32 to index
        %swap3A_333 = arith.constant 16 : index
        %swap3A_334 = tpu.vector_load %arg10[%swap3A_332, %swap3A_333] {strides = array<i32>} : memref<80x128xf32, #tpu.memory_space<vmem>>, vector<16xf32>,
        tpu.vector_store %arg10[%swap3A_332, %swap3A_333], %mul3A_331 {strides = array<i32>} : memref<80x128xf32, #tpu.memory_space<vmem>>, vector<16xf32>,
        %add3A_335 = arith.constant 40 : i32
        %add3A_336 = arith.addi %scan3A_300, %add3A_335 : i32
        %get3A_337 = arith.index_cast %add3A_336 : i32 to index
        %get3A_338 = arith.constant 16 : index
        %get3A_339 = tpu.vector_load %arg10[%get3A_337, %get3A_338] {strides = array<i32>} : memref<80x128xf32, #tpu.memory_space<vmem>>, vector<16xf32>,
        %mul3A_340 = arith.mulf %get3A_339, %unpack3A_327 : vector<16xf32>
        %add3A_341 = arith.constant 40 : i32
        %add3A_342 = arith.addi %scan3A_300, %add3A_341 : i32
        %swap3A_343 = arith.index_cast %add3A_342 : i32 to index
        %swap3A_344 = arith.constant 16 : index
        %swap3A_345 = tpu.vector_load %arg10[%swap3A_343, %swap3A_344] {strides = array<i32>} : memref<80x128xf32, #tpu.memory_space<vmem>>, vector<16xf32>,
        tpu.vector_store %arg10[%swap3A_343, %swap3A_344], %mul3A_340 {strides = array<i32>} : memref<80x128xf32, #tpu.memory_space<vmem>>, vector<16xf32>,
        %get3A_346 = arith.index_cast %scan3A_300 : i32 to index
        %get3A_347 = arith.constant 32 : index
        %get3A_348 = tpu.vector_load %arg12[%get3A_346, %get3A_347] {strides = array<i32>} : memref<40x128xi32, #tpu.memory_space<vmem>>, vector<16xi32>,
        %bitcast3A_349 = vector.bitcast %get3A_348 : vector<16xi32> to vector<32xbf16>
        %unpack3A_350 = tpu.unpack_subelements %bitcast3A_349, 0 {pack_format = #tpu.pack_format<interleaved>} : vector<32xbf16> -> vector<16xf32>
        %unpack3A_351 = tpu.unpack_subelements %bitcast3A_349, 1 {pack_format = #tpu.pack_format<interleaved>} : vector<32xbf16> -> vector<16xf32>
        %get3A_352 = arith.index_cast %scan3A_300 : i32 to index
        %get3A_353 = arith.constant 32 : index
        %get3A_354 = tpu.vector_load %arg10[%get3A_352, %get3A_353] {strides = array<i32>} : memref<80x128xf32, #tpu.memory_space<vmem>>, vector<16xf32>,
        %mul3A_355 = arith.mulf %get3A_354, %unpack3A_350 : vector<16xf32>
        %swap3A_356 = arith.index_cast %scan3A_300 : i32 to index
        %swap3A_357 = arith.constant 32 : index
        %swap3A_358 = tpu.vector_load %arg10[%swap3A_356, %swap3A_357] {strides = array<i32>} : memref<80x128xf32, #tpu.memory_space<vmem>>, vector<16xf32>,
        tpu.vector_store %arg10[%swap3A_356, %swap3A_357], %mul3A_355 {strides = array<i32>} : memref<80x128xf32, #tpu.memory_space<vmem>>, vector<16xf32>,
        %add3A_359 = arith.constant 40 : i32
        %add3A_360 = arith.addi %scan3A_300, %add3A_359 : i32
        %get3A_361 = arith.index_cast %add3A_360 : i32 to index
        %get3A_362 = arith.constant 32 : index
        %get3A_363 = tpu.vector_load %arg10[%get3A_361, %get3A_362] {strides = array<i32>} : memref<80x128xf32, #tpu.memory_space<vmem>>, vector<16xf32>,
        %mul3A_364 = arith.mulf %get3A_363, %unpack3A_351 : vector<16xf32>
        %add3A_365 = arith.constant 40 : i32
        %add3A_366 = arith.addi %scan3A_300, %add3A_365 : i32
        %swap3A_367 = arith.index_cast %add3A_366 : i32 to index
        %swap3A_368 = arith.constant 32 : index
        %swap3A_369 = tpu.vector_load %arg10[%swap3A_367, %swap3A_368] {strides = array<i32>} : memref<80x128xf32, #tpu.memory_space<vmem>>, vector<16xf32>,
        tpu.vector_store %arg10[%swap3A_367, %swap3A_368], %mul3A_364 {strides = array<i32>} : memref<80x128xf32, #tpu.memory_space<vmem>>, vector<16xf32>,
        %get3A_370 = arith.index_cast %scan3A_300 : i32 to index
        %get3A_371 = arith.constant 48 : index
        %get3A_372 = tpu.vector_load %arg12[%get3A_370, %get3A_371] {strides = array<i32>} : memref<40x128xi32, #tpu.memory_space<vmem>>, vector<16xi32>,
        %bitcast3A_373 = vector.bitcast %get3A_372 : vector<16xi32> to vector<32xbf16>
        %unpack3A_374 = tpu.unpack_subelements %bitcast3A_373, 0 {pack_format = #tpu.pack_format<interleaved>} : vector<32xbf16> -> vector<16xf32>
        %unpack3A_375 = tpu.unpack_subelements %bitcast3A_373, 1 {pack_format = #tpu.pack_format<interleaved>} : vector<32xbf16> -> vector<16xf32>
        %get3A_376 = arith.index_cast %scan3A_300 : i32 to index
        %get3A_377 = arith.constant 48 : index
        %get3A_378 = tpu.vector_load %arg10[%get3A_376, %get3A_377] {strides = array<i32>} : memref<80x128xf32, #tpu.memory_space<vmem>>, vector<16xf32>,
        %mul3A_379 = arith.mulf %get3A_378, %unpack3A_374 : vector<16xf32>
        %swap3A_380 = arith.index_cast %scan3A_300 : i32 to index
        %swap3A_381 = arith.constant 48 : index
        %swap3A_382 = tpu.vector_load %arg10[%swap3A_380, %swap3A_381] {strides = array<i32>} : memref<80x128xf32, #tpu.memory_space<vmem>>, vector<16xf32>,
        tpu.vector_store %arg10[%swap3A_380, %swap3A_381], %mul3A_379 {strides = array<i32>} : memref<80x128xf32, #tpu.memory_space<vmem>>, vector<16xf32>,
        %add3A_383 = arith.constant 40 : i32
        %add3A_384 = arith.addi %scan3A_300, %add3A_383 : i32
        %get3A_385 = arith.index_cast %add3A_384 : i32 to index
        %get3A_386 = arith.constant 48 : index
        %get3A_387 = tpu.vector_load %arg10[%get3A_385, %get3A_386] {strides = array<i32>} : memref<80x128xf32, #tpu.memory_space<vmem>>, vector<16xf32>,
        %mul3A_388 = arith.mulf %get3A_387, %unpack3A_375 : vector<16xf32>
        %add3A_389 = arith.constant 40 : i32
        %add3A_390 = arith.addi %scan3A_300, %add3A_389 : i32
        %swap3A_391 = arith.index_cast %add3A_390 : i32 to index
        %swap3A_392 = arith.constant 48 : index
        %swap3A_393 = tpu.vector_load %arg10[%swap3A_391, %swap3A_392] {strides = array<i32>} : memref<80x128xf32, #tpu.memory_space<vmem>>, vector<16xf32>,
        tpu.vector_store %arg10[%swap3A_391, %swap3A_392], %mul3A_388 {strides = array<i32>} : memref<80x128xf32, #tpu.memory_space<vmem>>, vector<16xf32>,
        %get3A_394 = arith.index_cast %scan3A_300 : i32 to index
        %get3A_395 = arith.constant 64 : index
        %get3A_396 = tpu.vector_load %arg12[%get3A_394, %get3A_395] {strides = array<i32>} : memref<40x128xi32, #tpu.memory_space<vmem>>, vector<16xi32>,
        %bitcast3A_397 = vector.bitcast %get3A_396 : vector<16xi32> to vector<32xbf16>
        %unpack3A_398 = tpu.unpack_subelements %bitcast3A_397, 0 {pack_format = #tpu.pack_format<interleaved>} : vector<32xbf16> -> vector<16xf32>
        %unpack3A_399 = tpu.unpack_subelements %bitcast3A_397, 1 {pack_format = #tpu.pack_format<interleaved>} : vector<32xbf16> -> vector<16xf32>
        %get3A_400 = arith.index_cast %scan3A_300 : i32 to index
        %get3A_401 = arith.constant 64 : index
        %get3A_402 = tpu.vector_load %arg10[%get3A_400, %get3A_401] {strides = array<i32>} : memref<80x128xf32, #tpu.memory_space<vmem>>, vector<16xf32>,
        %mul3A_403 = arith.mulf %get3A_402, %unpack3A_398 : vector<16xf32>
        %swap3A_404 = arith.index_cast %scan3A_300 : i32 to index
        %swap3A_405 = arith.constant 64 : index
        %swap3A_406 = tpu.vector_load %arg10[%swap3A_404, %swap3A_405] {strides = array<i32>} : memref<80x128xf32, #tpu.memory_space<vmem>>, vector<16xf32>,
        tpu.vector_store %arg10[%swap3A_404, %swap3A_405], %mul3A_403 {strides = array<i32>} : memref<80x128xf32, #tpu.memory_space<vmem>>, vector<16xf32>,
        %add3A_407 = arith.constant 40 : i32
        %add3A_408 = arith.addi %scan3A_300, %add3A_407 : i32
        %get3A_409 = arith.index_cast %add3A_408 : i32 to index
        %get3A_410 = arith.constant 64 : index
        %get3A_411 = tpu.vector_load %arg10[%get3A_409, %get3A_410] {strides = array<i32>} : memref<80x128xf32, #tpu.memory_space<vmem>>, vector<16xf32>,
        %mul3A_412 = arith.mulf %get3A_411, %unpack3A_399 : vector<16xf32>
        %add3A_413 = arith.constant 40 : i32
        %add3A_414 = arith.addi %scan3A_300, %add3A_413 : i32
        %swap3A_415 = arith.index_cast %add3A_414 : i32 to index
        %swap3A_416 = arith.constant 64 : index
        %swap3A_417 = tpu.vector_load %arg10[%swap3A_415, %swap3A_416] {strides = array<i32>} : memref<80x128xf32, #tpu.memory_space<vmem>>, vector<16xf32>,
        tpu.vector_store %arg10[%swap3A_415, %swap3A_416], %mul3A_412 {strides = array<i32>} : memref<80x128xf32, #tpu.memory_space<vmem>>, vector<16xf32>,
        %get3A_418 = arith.index_cast %scan3A_300 : i32 to index
        %get3A_419 = arith.constant 80 : index
        %get3A_420 = tpu.vector_load %arg12[%get3A_418, %get3A_419] {strides = array<i32>} : memref<40x128xi32, #tpu.memory_space<vmem>>, vector<16xi32>,
        %bitcast3A_421 = vector.bitcast %get3A_420 : vector<16xi32> to vector<32xbf16>
        %unpack3A_422 = tpu.unpack_subelements %bitcast3A_421, 0 {pack_format = #tpu.pack_format<interleaved>} : vector<32xbf16> -> vector<16xf32>
        %unpack3A_423 = tpu.unpack_subelements %bitcast3A_421, 1 {pack_format = #tpu.pack_format<interleaved>} : vector<32xbf16> -> vector<16xf32>
        %get3A_424 = arith.index_cast %scan3A_300 : i32 to index
        %get3A_425 = arith.constant 80 : index
        %get3A_426 = tpu.vector_load %arg10[%get3A_424, %get3A_425] {strides = array<i32>} : memref<80x128xf32, #tpu.memory_space<vmem>>, vector<16xf32>,
        %mul3A_427 = arith.mulf %get3A_426, %unpack3A_422 : vector<16xf32>
        %swap3A_428 = arith.index_cast %scan3A_300 : i32 to index
        %swap3A_429 = arith.constant 80 : index
        %swap3A_430 = tpu.vector_load %arg10[%swap3A_428, %swap3A_429] {strides = array<i32>} : memref<80x128xf32, #tpu.memory_space<vmem>>, vector<16xf32>,
        tpu.vector_store %arg10[%swap3A_428, %swap3A_429], %mul3A_427 {strides = array<i32>} : memref<80x128xf32, #tpu.memory_space<vmem>>, vector<16xf32>,
        %add3A_431 = arith.constant 40 : i32
        %add3A_432 = arith.addi %scan3A_300, %add3A_431 : i32
        %get3A_433 = arith.index_cast %add3A_432 : i32 to index
        %get3A_434 = arith.constant 80 : index
        %get3A_435 = tpu.vector_load %arg10[%get3A_433, %get3A_434] {strides = array<i32>} : memref<80x128xf32, #tpu.memory_space<vmem>>, vector<16xf32>,
        %mul3A_436 = arith.mulf %get3A_435, %unpack3A_423 : vector<16xf32>
        %add3A_437 = arith.constant 40 : i32
        %add3A_438 = arith.addi %scan3A_300, %add3A_437 : i32
        %swap3A_439 = arith.index_cast %add3A_438 : i32 to index
        %swap3A_440 = arith.constant 80 : index
        %swap3A_441 = tpu.vector_load %arg10[%swap3A_439, %swap3A_440] {strides = array<i32>} : memref<80x128xf32, #tpu.memory_space<vmem>>, vector<16xf32>,
        tpu.vector_store %arg10[%swap3A_439, %swap3A_440], %mul3A_436 {strides = array<i32>} : memref<80x128xf32, #tpu.memory_space<vmem>>, vector<16xf32>,
        %get3A_442 = arith.index_cast %scan3A_300 : i32 to index
        %get3A_443 = arith.constant 96 : index
        %get3A_444 = tpu.vector_load %arg12[%get3A_442, %get3A_443] {strides = array<i32>} : memref<40x128xi32, #tpu.memory_space<vmem>>, vector<16xi32>,
        %bitcast3A_445 = vector.bitcast %get3A_444 : vector<16xi32> to vector<32xbf16>
        %unpack3A_446 = tpu.unpack_subelements %bitcast3A_445, 0 {pack_format = #tpu.pack_format<interleaved>} : vector<32xbf16> -> vector<16xf32>
        %unpack3A_447 = tpu.unpack_subelements %bitcast3A_445, 1 {pack_format = #tpu.pack_format<interleaved>} : vector<32xbf16> -> vector<16xf32>
        %get3A_448 = arith.index_cast %scan3A_300 : i32 to index
        %get3A_449 = arith.constant 96 : index
        %get3A_450 = tpu.vector_load %arg10[%get3A_448, %get3A_449] {strides = array<i32>} : memref<80x128xf32, #tpu.memory_space<vmem>>, vector<16xf32>,
        %mul3A_451 = arith.mulf %get3A_450, %unpack3A_446 : vector<16xf32>
        %swap3A_452 = arith.index_cast %scan3A_300 : i32 to index
        %swap3A_453 = arith.constant 96 : index
        %swap3A_454 = tpu.vector_load %arg10[%swap3A_452, %swap3A_453] {strides = array<i32>} : memref<80x128xf32, #tpu.memory_space<vmem>>, vector<16xf32>,
        tpu.vector_store %arg10[%swap3A_452, %swap3A_453], %mul3A_451 {strides = array<i32>} : memref<80x128xf32, #tpu.memory_space<vmem>>, vector<16xf32>,
        %add3A_455 = arith.constant 40 : i32
        %add3A_456 = arith.addi %scan3A_300, %add3A_455 : i32
        %get3A_457 = arith.index_cast %add3A_456 : i32 to index
        %get3A_458 = arith.constant 96 : index
        %get3A_459 = tpu.vector_load %arg10[%get3A_457, %get3A_458] {strides = array<i32>} : memref<80x128xf32, #tpu.memory_space<vmem>>, vector<16xf32>,
        %mul3A_460 = arith.mulf %get3A_459, %unpack3A_447 : vector<16xf32>
        %add3A_461 = arith.constant 40 : i32
        %add3A_462 = arith.addi %scan3A_300, %add3A_461 : i32
        %swap3A_463 = arith.index_cast %add3A_462 : i32 to index
        %swap3A_464 = arith.constant 96 : index
        %swap3A_465 = tpu.vector_load %arg10[%swap3A_463, %swap3A_464] {strides = array<i32>} : memref<80x128xf32, #tpu.memory_space<vmem>>, vector<16xf32>,
        tpu.vector_store %arg10[%swap3A_463, %swap3A_464], %mul3A_460 {strides = array<i32>} : memref<80x128xf32, #tpu.memory_space<vmem>>, vector<16xf32>,
        %get3A_466 = arith.index_cast %scan3A_300 : i32 to index
        %get3A_467 = arith.constant 112 : index
        %get3A_468 = tpu.vector_load %arg12[%get3A_466, %get3A_467] {strides = array<i32>} : memref<40x128xi32, #tpu.memory_space<vmem>>, vector<16xi32>,
        %bitcast3A_469 = vector.bitcast %get3A_468 : vector<16xi32> to vector<32xbf16>
        %unpack3A_470 = tpu.unpack_subelements %bitcast3A_469, 0 {pack_format = #tpu.pack_format<interleaved>} : vector<32xbf16> -> vector<16xf32>
        %unpack3A_471 = tpu.unpack_subelements %bitcast3A_469, 1 {pack_format = #tpu.pack_format<interleaved>} : vector<32xbf16> -> vector<16xf32>
        %get3A_472 = arith.index_cast %scan3A_300 : i32 to index
        %get3A_473 = arith.constant 112 : index
        %get3A_474 = tpu.vector_load %arg10[%get3A_472, %get3A_473] {strides = array<i32>} : memref<80x128xf32, #tpu.memory_space<vmem>>, vector<16xf32>,
        %mul3A_475 = arith.mulf %get3A_474, %unpack3A_470 : vector<16xf32>
        %swap3A_476 = arith.index_cast %scan3A_300 : i32 to index
        %swap3A_477 = arith.constant 112 : index
        %swap3A_478 = tpu.vector_load %arg10[%swap3A_476, %swap3A_477] {strides = array<i32>} : memref<80x128xf32, #tpu.memory_space<vmem>>, vector<16xf32>,
        tpu.vector_store %arg10[%swap3A_476, %swap3A_477], %mul3A_475 {strides = array<i32>} : memref<80x128xf32, #tpu.memory_space<vmem>>, vector<16xf32>,
        %add3A_479 = arith.constant 40 : i32
        %add3A_480 = arith.addi %scan3A_300, %add3A_479 : i32
        %get3A_481 = arith.index_cast %add3A_480 : i32 to index
        %get3A_482 = arith.constant 112 : index
        %get3A_483 = tpu.vector_load %arg10[%get3A_481, %get3A_482] {strides = array<i32>} : memref<80x128xf32, #tpu.memory_space<vmem>>, vector<16xf32>,
        %mul3A_484 = arith.mulf %get3A_483, %unpack3A_471 : vector<16xf32>
        %add3A_485 = arith.constant 40 : i32
        %add3A_486 = arith.addi %scan3A_300, %add3A_485 : i32
        %swap3A_487 = arith.index_cast %add3A_486 : i32 to index
        %swap3A_488 = arith.constant 112 : index
        %swap3A_489 = tpu.vector_load %arg10[%swap3A_487, %swap3A_488] {strides = array<i32>} : memref<80x128xf32, #tpu.memory_space<vmem>>, vector<16xf32>,
        tpu.vector_store %arg10[%swap3A_487, %swap3A_488], %mul3A_484 {strides = array<i32>} : memref<80x128xf32, #tpu.memory_space<vmem>>, vector<16xf32>,
        %scan3A_490 = arith.constant 0 : i32
        scf.yield %scan3A_490 : i32
      }
      %scan3A_285 = arith.constant 40 : i32
      %dma_start3A_286 = arith.constant 1 : i32
      %dma_start3A_287 = arith.constant 0 : i32
      %dma_start3A_288 = tpu.memref_slice %arg8[%dma_start3A_286, %dma_start3A_287] : memref<2x80xi32, #tpu.memory_space<vmem>> -> memref<1x80xi32, #tpu.memory_space<vmem>>
      %dma_start3A_289 = tpu.memref_squeeze %dma_start3A_288 : memref<1x80xi32, #tpu.memory_space<vmem>> -> memref<80xi32, #tpu.memory_space<vmem>>
      %dma_start3A_290 = arith.constant 0 : i32
      %dma_start3A_291 = arith.constant 0 : i32
      %dma_start3A_292 = tpu.memref_slice %arg13[%dma_start3A_290, %dma_start3A_291] : memref<10000x128xf32, #tpu.memory_space<vmem_shared>> -> memref<10000x128xf32, #tpu.memory_space<vmem_shared>>
      tpu.enqueue_indirect_dma source(%arg10 : memref<80x128xf32, #tpu.memory_space<vmem>>) target(%dma_start3A_292 : memref<10000x128xf32, #tpu.memory_space<vmem_shared>>) offsets(%dma_start3A_289 : memref<80xi32, #tpu.memory_space<vmem>>) semaphore(%arg19 : memref<!tpu.dma_semaphore, #tpu.memory_space<semaphore_mem>>) {add = true}
      %add3A_293 = arith.constant 2 : i32
      %add3A_294 = arith.addi %add3A_265, %add3A_293 : i32
      %lt3A_295 = arith.cmpi slt, %add3A_294, %select_n3A : i32
      %convert_element_type3A_296 = arith.extui %lt3A_295 : i1 to i32
      %cond3A_297 = arith.constant 0 : i32
      %cond3A_298 = arith.cmpi ne, %convert_element_type3A_296, %cond3A_297 : i32
      scf.if %cond3A_298 {
        %dma_wait3A_300 = arith.constant 1 : i32
        %dma_wait3A_301 = arith.constant 0 : i32
        %dma_wait3A_302 = tpu.memref_slice %arg8[%dma_wait3A_300, %dma_wait3A_301] : memref<2x80xi32, #tpu.memory_space<vmem>> -> memref<1x80xi32, #tpu.memory_space<vmem>>
        %dma_wait3A_303 = tpu.memref_squeeze %dma_wait3A_302 : memref<1x80xi32, #tpu.memory_space<vmem>> -> memref<80xi32, #tpu.memory_space<vmem>>
        %dma_wait3A_304 = arith.constant 0 : i32
        %dma_wait3A_305 = arith.constant 0 : i32
        %dma_wait3A_306 = tpu.memref_slice %arg13[%dma_wait3A_304, %dma_wait3A_305] : memref<10000x128xf32, #tpu.memory_space<vmem_shared>> -> memref<10000x128xf32, #tpu.memory_space<vmem_shared>>
        tpu.wait_indirect_dma semaphore(%arg19 : memref<!tpu.dma_semaphore, #tpu.memory_space<semaphore_mem>>) src(%arg10 : memref<80x128xf32, #tpu.memory_space<vmem>>) dst(%dma_wait3A_306 : memref<10000x128xf32, #tpu.memory_space<vmem_shared>>)
        %dma_wait3A_307 = arith.constant 1 : i32
        %dma_wait3A_308 = arith.constant 0 : i32
        %dma_wait3A_309 = tpu.memref_slice %arg6[%dma_wait3A_307, %dma_wait3A_308] : memref<2x80xi32, #tpu.memory_space<vmem>> -> memref<1x40xi32, #tpu.memory_space<vmem>>
        %dma_wait3A_310 = tpu.memref_squeeze %dma_wait3A_309 : memref<1x40xi32, #tpu.memory_space<vmem>> -> memref<40xi32, #tpu.memory_space<vmem>>
        %dma_wait3A_311 = arith.constant 0 : i32
        %dma_wait3A_312 = tpu.memref_slice %arg4[%dma_wait3A_311] : memref<320000xi32, #tpu.memory_space<hbm>> -> memref<40xi32, #tpu.memory_space<hbm>>
        %dma_wait3A_313 = arith.constant 0 : i32
        %dma_wait3A_314 = tpu.memref_slice %arg6[%dma_wait3A_307, %dma_wait3A_313] : memref<2x80xi32, #tpu.memory_space<vmem>> -> memref<1x40xi32, #tpu.memory_space<vmem>>
        %dma_wait3A_315 = tpu.memref_squeeze %dma_wait3A_314 : memref<1x40xi32, #tpu.memory_space<vmem>> -> memref<40xi32, #tpu.memory_space<vmem>>
        %dma_wait3A_316 = arith.constant 0 : i32
        %dma_wait3A_317 = tpu.memref_slice %arg4[%dma_wait3A_316] : memref<320000xi32, #tpu.memory_space<hbm>> -> memref<40xi32, #tpu.memory_space<hbm>>
        tpu.wait_dma2 semaphore(%arg21 : memref<!tpu.dma_semaphore, #tpu.memory_space<semaphore_mem>>) src(%dma_wait3A_317 : memref<40xi32, #tpu.memory_space<hbm>>) dst(%dma_wait3A_315 : memref<40xi32, #tpu.memory_space<vmem>>)
        %dma_wait3A_318 = arith.constant 1 : i32
        %dma_wait3A_319 = arith.constant 40 : i32
        %dma_wait3A_320 = tpu.memref_slice %arg6[%dma_wait3A_318, %dma_wait3A_319] : memref<2x80xi32, #tpu.memory_space<vmem>> -> memref<1x40xi32, #tpu.memory_space<vmem>>
        %dma_wait3A_321 = tpu.memref_squeeze %dma_wait3A_320 : memref<1x40xi32, #tpu.memory_space<vmem>> -> memref<40xi32, #tpu.memory_space<vmem>>
        %dma_wait3A_322 = arith.constant 0 : i32
        %dma_wait3A_323 = tpu.memref_slice %arg4[%dma_wait3A_322] : memref<320000xi32, #tpu.memory_space<hbm>> -> memref<40xi32, #tpu.memory_space<hbm>>
        %dma_wait3A_324 = arith.constant 40 : i32
        %dma_wait3A_325 = tpu.memref_slice %arg6[%dma_wait3A_318, %dma_wait3A_324] : memref<2x80xi32, #tpu.memory_space<vmem>> -> memref<1x40xi32, #tpu.memory_space<vmem>>
        %dma_wait3A_326 = tpu.memref_squeeze %dma_wait3A_325 : memref<1x40xi32, #tpu.memory_space<vmem>> -> memref<40xi32, #tpu.memory_space<vmem>>
        %dma_wait3A_327 = arith.constant 0 : i32
        %dma_wait3A_328 = tpu.memref_slice %arg4[%dma_wait3A_327] : memref<320000xi32, #tpu.memory_space<hbm>> -> memref<40xi32, #tpu.memory_space<hbm>>
        tpu.wait_dma2 semaphore(%arg21 : memref<!tpu.dma_semaphore, #tpu.memory_space<semaphore_mem>>) src(%dma_wait3A_328 : memref<40xi32, #tpu.memory_space<hbm>>) dst(%dma_wait3A_326 : memref<40xi32, #tpu.memory_space<vmem>>)
        %scan3A_329 = arith.constant 0 : i32
        %scan3A_330 = arith.constant 0 : i32
        %scan3A_331 = arith.constant 5 : i32
        %scan3A_332 = arith.addi %scan3A_330, %scan3A_331 : i32
        %scan3A_333 = arith.constant 1 : i32
        %scan3A_334 = scf.for %scan3A_356 = %scan3A_330 to %scan3A_332 step %scan3A_333 iter_args(%scan3A_357 = %scan3A_329) -> (i32)  : i32 {
          %mul3A_358 = arith.constant 16 : i32
          %mul3A_359 = arith.muli %scan3A_356, %mul3A_358 : i32
          %get3A = arith.constant 1 : i32
          %get3A_360 = arith.index_cast %get3A : i32 to index
          %get3A_361 = arith.index_cast %mul3A_359 : i32 to index
          %get3A_362 = tpu.vector_load %arg6[%get3A_360, %get3A_361] {strides = array<i32>} : memref<2x80xi32, #tpu.memory_space<vmem>>, vector<16xi32>,
          %mul3A_363 = arith.constant 16 : i32
          %mul3A_364 = arith.muli %scan3A_356, %mul3A_363 : i32
          %shift_right_logical3A = arith.constant 14 : i32
          %shift_right_logical3A_365 = vector.broadcast %shift_right_logical3A : i32 to vector<16xi32>
          %shift_right_logical3A_366 = arith.shrui %get3A_362, %shift_right_logical3A_365 : vector<16xi32>
          %swap3A = arith.constant 1 : i32
          %swap3A_367 = arith.index_cast %swap3A : i32 to index
          %swap3A_368 = arith.index_cast %mul3A_364 : i32 to index
          %swap3A_369 = tpu.vector_load %arg7[%swap3A_367, %swap3A_368] {strides = array<i32>} : memref<2x80xi32, #tpu.memory_space<vmem>>, vector<16xi32>,
          tpu.vector_store %arg7[%swap3A_367, %swap3A_368], %shift_right_logical3A_366 {strides = array<i32>} : memref<2x80xi32, #tpu.memory_space<vmem>>, vector<16xi32>,
          %and3A = arith.constant 16383 : i32
          %and3A_370 = vector.broadcast %and3A : i32 to vector<16xi32>
          %and3A_371 = arith.andi %get3A_362, %and3A_370 : vector<16xi32>
          %swap3A_372 = arith.constant 1 : i32
          %swap3A_373 = arith.index_cast %swap3A_372 : i32 to index
          %swap3A_374 = arith.index_cast %mul3A_364 : i32 to index
          %swap3A_375 = tpu.vector_load %arg8[%swap3A_373, %swap3A_374] {strides = array<i32>} : memref<2x80xi32, #tpu.memory_space<vmem>>, vector<16xi32>,
          tpu.vector_store %arg8[%swap3A_373, %swap3A_374], %and3A_371 {strides = array<i32>} : memref<2x80xi32, #tpu.memory_space<vmem>>, vector<16xi32>,
          %scan3A_376 = arith.constant 0 : i32
          scf.yield %scan3A_376 : i32
        }
        %scan3A_335 = arith.constant 5 : i32
        %dma_start3A_336 = arith.constant 1 : i32
        %dma_start3A_337 = arith.constant 0 : i32
        %dma_start3A_338 = tpu.memref_slice %arg7[%dma_start3A_336, %dma_start3A_337] : memref<2x80xi32, #tpu.memory_space<vmem>> -> memref<1x80xi32, #tpu.memory_space<vmem>>
        %dma_start3A_339 = tpu.memref_squeeze %dma_start3A_338 : memref<1x80xi32, #tpu.memory_space<vmem>> -> memref<80xi32, #tpu.memory_space<vmem>>
        %dma_start3A_340 = arith.constant 0 : i32
        %dma_start3A_341 = arith.constant 0 : i32
        %dma_start3A_342 = tpu.memref_slice %arg2[%dma_start3A_340, %dma_start3A_341] : memref<10000x128xf32, #tpu.memory_space<hbm>> -> memref<10000x128xf32, #tpu.memory_space<hbm>>
        tpu.enqueue_indirect_dma source(%dma_start3A_342 : memref<10000x128xf32, #tpu.memory_space<hbm>>) target(%arg10 : memref<80x128xf32, #tpu.memory_space<vmem>>) offsets(%dma_start3A_339 : memref<80xi32, #tpu.memory_space<vmem>>) semaphore(%arg15 : memref<!tpu.dma_semaphore, #tpu.memory_space<semaphore_mem>>)
        %add3A_343 = arith.addi %select_n3A_36, %add3A_294 : i32
        %mul3A_344 = arith.constant 40 : i32
        %mul3A_345 = arith.muli %add3A_343, %mul3A_344 : i32
        %dma_start3A_346 = arith.constant 0 : i32
        %dma_start3A_347 = tpu.memref_slice %arg3[%mul3A_345, %dma_start3A_346] : memref<160000x128xi32, #tpu.memory_space<hbm>> -> memref<40x128xi32, #tpu.memory_space<hbm>>
        %dma_start3A_348 = arith.constant 0 : i32
        %dma_start3A_349 = tpu.memref_slice %arg3[%mul3A_345, %dma_start3A_348] : memref<160000x128xi32, #tpu.memory_space<hbm>> -> memref<40x128xi32, #tpu.memory_space<hbm>>
        tpu.enqueue_dma source(%dma_start3A_349 : memref<40x128xi32, #tpu.memory_space<hbm>>) target(%arg12 : memref<40x128xi32, #tpu.memory_space<vmem>>) target_semaphore(%arg17 : memref<!tpu.dma_semaphore, #tpu.memory_space<semaphore_mem>>)
        %add3A_350 = arith.constant 2 : i32
        %add3A_351 = arith.addi %add3A_294, %add3A_350 : i32
        %lt3A_352 = arith.cmpi slt, %add3A_351, %select_n3A : i32
        %convert_element_type3A_353 = arith.extui %lt3A_352 : i1 to i32
        %cond3A_354 = arith.constant 0 : i32
        %cond3A_355 = arith.cmpi ne, %convert_element_type3A_353, %cond3A_354 : i32
        scf.if %cond3A_355 {
          %add3A_356 = arith.constant 2 : i32
          %add3A_357 = arith.addi %add3A_294, %add3A_356 : i32
          %add3A_358 = arith.addi %select_n3A_36, %add3A_357 : i32
          %mul3A_359 = arith.constant 40 : i32
          %mul3A_360 = arith.muli %add3A_358, %mul3A_359 : i32
          %dma_start3A_361 = arith.constant 1 : i32
          %dma_start3A_362 = arith.constant 0 : i32
          %dma_start3A_363 = tpu.memref_slice %arg6[%dma_start3A_361, %dma_start3A_362] : memref<2x80xi32, #tpu.memory_space<vmem>> -> memref<1x40xi32, #tpu.memory_space<vmem>>
          %dma_start3A_364 = tpu.memref_squeeze %dma_start3A_363 : memref<1x40xi32, #tpu.memory_space<vmem>> -> memref<40xi32, #tpu.memory_space<vmem>>
          %dma_start3A_365 = tpu.memref_slice %arg4[%mul3A_360] : memref<320000xi32, #tpu.memory_space<hbm>> -> memref<40xi32, #tpu.memory_space<hbm>>
          %dma_start3A_366 = arith.constant 0 : i32
          %dma_start3A_367 = tpu.memref_slice %arg6[%dma_start3A_361, %dma_start3A_366] : memref<2x80xi32, #tpu.memory_space<vmem>> -> memref<1x40xi32, #tpu.memory_space<vmem>>
          %dma_start3A_368 = tpu.memref_squeeze %dma_start3A_367 : memref<1x40xi32, #tpu.memory_space<vmem>> -> memref<40xi32, #tpu.memory_space<vmem>>
          %dma_start3A_369 = tpu.memref_slice %arg4[%mul3A_360] : memref<320000xi32, #tpu.memory_space<hbm>> -> memref<40xi32, #tpu.memory_space<hbm>>
          tpu.enqueue_dma source(%dma_start3A_369 : memref<40xi32, #tpu.memory_space<hbm>>) target(%dma_start3A_368 : memref<40xi32, #tpu.memory_space<vmem>>) target_semaphore(%arg21 : memref<!tpu.dma_semaphore, #tpu.memory_space<semaphore_mem>>)
          %add3A_370 = arith.addi %select_n3A_36, %add3A_357 : i32
          %mul3A_371 = arith.constant 40 : i32
          %mul3A_372 = arith.muli %add3A_370, %mul3A_371 : i32
          %add3A_373 = arith.constant 160000 : i32
          %add3A_374 = arith.addi %add3A_373, %mul3A_372 : i32
          %dma_start3A_375 = arith.constant 1 : i32
          %dma_start3A_376 = arith.constant 40 : i32
          %dma_start3A_377 = tpu.memref_slice %arg6[%dma_start3A_375, %dma_start3A_376] : memref<2x80xi32, #tpu.memory_space<vmem>> -> memref<1x40xi32, #tpu.memory_space<vmem>>
          %dma_start3A_378 = tpu.memref_squeeze %dma_start3A_377 : memref<1x40xi32, #tpu.memory_space<vmem>> -> memref<40xi32, #tpu.memory_space<vmem>>
          %dma_start3A_379 = tpu.memref_slice %arg4[%add3A_374] : memref<320000xi32, #tpu.memory_space<hbm>> -> memref<40xi32, #tpu.memory_space<hbm>>
          %dma_start3A_380 = arith.constant 40 : i32
          %dma_start3A_381 = tpu.memref_slice %arg6[%dma_start3A_375, %dma_start3A_380] : memref<2x80xi32, #tpu.memory_space<vmem>> -> memref<1x40xi32, #tpu.memory_space<vmem>>
          %dma_start3A_382 = tpu.memref_squeeze %dma_start3A_381 : memref<1x40xi32, #tpu.memory_space<vmem>> -> memref<40xi32, #tpu.memory_space<vmem>>
          %dma_start3A_383 = tpu.memref_slice %arg4[%add3A_374] : memref<320000xi32, #tpu.memory_space<hbm>> -> memref<40xi32, #tpu.memory_space<hbm>>
          tpu.enqueue_dma source(%dma_start3A_383 : memref<40xi32, #tpu.memory_space<hbm>>) target(%dma_start3A_382 : memref<40xi32, #tpu.memory_space<vmem>>) target_semaphore(%arg21 : memref<!tpu.dma_semaphore, #tpu.memory_space<semaphore_mem>>)
        } else {
        }
      } else {
      }
      %while3A_299 = arith.constant 0 : i32
      scf.yield %while3A_299 : i32
    }
    %while3A_206 = arith.constant 1 : i32
    %while3A_207 = scf.for %while3A_223 = %while3A_203 to %while3A_199 step %while3A_206 iter_args(%while3A_224 = %while3A_205) -> (i32)  : i32 {
      %mul3A_225 = arith.constant 2 : i32
      %mul3A_226 = arith.muli %while3A_223, %mul3A_225 : i32
      %add3A_227 = arith.constant 0 : i32
      %add3A_228 = arith.addi %mul3A_226, %add3A_227 : i32
      %dma_wait3A_229 = arith.constant 0 : i32
      %dma_wait3A_230 = arith.constant 0 : i32
      %dma_wait3A_231 = tpu.memref_slice %arg7[%dma_wait3A_229, %dma_wait3A_230] : memref<2x80xi32, #tpu.memory_space<vmem>> -> memref<1x80xi32, #tpu.memory_space<vmem>>
      %dma_wait3A_232 = tpu.memref_squeeze %dma_wait3A_231 : memref<1x80xi32, #tpu.memory_space<vmem>> -> memref<80xi32, #tpu.memory_space<vmem>>
      %dma_wait3A_233 = arith.constant 0 : i32
      %dma_wait3A_234 = arith.constant 0 : i32
      %dma_wait3A_235 = tpu.memref_slice %arg2[%dma_wait3A_233, %dma_wait3A_234] : memref<10000x128xf32, #tpu.memory_space<hbm>> -> memref<10000x128xf32, #tpu.memory_space<hbm>>
      tpu.wait_indirect_dma semaphore(%arg14 : memref<!tpu.dma_semaphore, #tpu.memory_space<semaphore_mem>>) src(%dma_wait3A_235 : memref<10000x128xf32, #tpu.memory_space<hbm>>) dst(%arg9 : memref<80x128xf32, #tpu.memory_space<vmem>>)
      %dma_wait3A_236 = arith.constant 0 : i32
      %dma_wait3A_237 = arith.constant 0 : i32
      %dma_wait3A_238 = tpu.memref_slice %arg3[%dma_wait3A_236, %dma_wait3A_237] : memref<160000x128xi32, #tpu.memory_space<hbm>> -> memref<40x128xi32, #tpu.memory_space<hbm>>
      %dma_wait3A_239 = arith.constant 0 : i32
      %dma_wait3A_240 = arith.constant 0 : i32
      %dma_wait3A_241 = tpu.memref_slice %arg3[%dma_wait3A_239, %dma_wait3A_240] : memref<160000x128xi32, #tpu.memory_space<hbm>> -> memref<40x128xi32, #tpu.memory_space<hbm>>
      tpu.wait_dma2 semaphore(%arg16 : memref<!tpu.dma_semaphore, #tpu.memory_space<semaphore_mem>>) src(%dma_wait3A_241 : memref<40x128xi32, #tpu.memory_space<hbm>>) dst(%arg11 : memref<40x128xi32, #tpu.memory_space<vmem>>)
      %scan3A_242 = arith.constant 0 : i32
      %scan3A_243 = arith.constant 0 : i32
      %scan3A_244 = arith.constant 40 : i32
      %scan3A_245 = arith.addi %scan3A_243, %scan3A_244 : i32
      %scan3A_246 = arith.constant 1 : i32
      %scan3A_247 = scf.for %scan3A_300 = %scan3A_243 to %scan3A_245 step %scan3A_246 iter_args(%scan3A_301 = %scan3A_242) -> (i32)  : i32 {
        %get3A = arith.index_cast %scan3A_300 : i32 to index
        %get3A_302 = arith.constant 0 : index
        %get3A_303 = tpu.vector_load %arg11[%get3A, %get3A_302] {strides = array<i32>} : memref<40x128xi32, #tpu.memory_space<vmem>>, vector<16xi32>,
        %bitcast3A = vector.bitcast %get3A_303 : vector<16xi32> to vector<32xbf16>
        %unpack3A = tpu.unpack_subelements %bitcast3A, 0 {pack_format = #tpu.pack_format<interleaved>} : vector<32xbf16> -> vector<16xf32>
        %unpack3A_304 = tpu.unpack_subelements %bitcast3A, 1 {pack_format = #tpu.pack_format<interleaved>} : vector<32xbf16> -> vector<16xf32>
        %get3A_305 = arith.index_cast %scan3A_300 : i32 to index
        %get3A_306 = arith.constant 0 : index
        %get3A_307 = tpu.vector_load %arg9[%get3A_305, %get3A_306] {strides = array<i32>} : memref<80x128xf32, #tpu.memory_space<vmem>>, vector<16xf32>,
        %mul3A_308 = arith.mulf %get3A_307, %unpack3A : vector<16xf32>
        %swap3A = arith.index_cast %scan3A_300 : i32 to index
        %swap3A_309 = arith.constant 0 : index
        %swap3A_310 = tpu.vector_load %arg9[%swap3A, %swap3A_309] {strides = array<i32>} : memref<80x128xf32, #tpu.memory_space<vmem>>, vector<16xf32>,
        tpu.vector_store %arg9[%swap3A, %swap3A_309], %mul3A_308 {strides = array<i32>} : memref<80x128xf32, #tpu.memory_space<vmem>>, vector<16xf32>,
        %add3A_311 = arith.constant 40 : i32
        %add3A_312 = arith.addi %scan3A_300, %add3A_311 : i32
        %get3A_313 = arith.index_cast %add3A_312 : i32 to index
        %get3A_314 = arith.constant 0 : index
        %get3A_315 = tpu.vector_load %arg9[%get3A_313, %get3A_314] {strides = array<i32>} : memref<80x128xf32, #tpu.memory_space<vmem>>, vector<16xf32>,
        %mul3A_316 = arith.mulf %get3A_315, %unpack3A_304 : vector<16xf32>
        %add3A_317 = arith.constant 40 : i32
        %add3A_318 = arith.addi %scan3A_300, %add3A_317 : i32
        %swap3A_319 = arith.index_cast %add3A_318 : i32 to index
        %swap3A_320 = arith.constant 0 : index
        %swap3A_321 = tpu.vector_load %arg9[%swap3A_319, %swap3A_320] {strides = array<i32>} : memref<80x128xf32, #tpu.memory_space<vmem>>, vector<16xf32>,
        tpu.vector_store %arg9[%swap3A_319, %swap3A_320], %mul3A_316 {strides = array<i32>} : memref<80x128xf32, #tpu.memory_space<vmem>>, vector<16xf32>,
        %get3A_322 = arith.index_cast %scan3A_300 : i32 to index
        %get3A_323 = arith.constant 16 : index
        %get3A_324 = tpu.vector_load %arg11[%get3A_322, %get3A_323] {strides = array<i32>} : memref<40x128xi32, #tpu.memory_space<vmem>>, vector<16xi32>,
        %bitcast3A_325 = vector.bitcast %get3A_324 : vector<16xi32> to vector<32xbf16>
        %unpack3A_326 = tpu.unpack_subelements %bitcast3A_325, 0 {pack_format = #tpu.pack_format<interleaved>} : vector<32xbf16> -> vector<16xf32>
        %unpack3A_327 = tpu.unpack_subelements %bitcast3A_325, 1 {pack_format = #tpu.pack_format<interleaved>} : vector<32xbf16> -> vector<16xf32>
        %get3A_328 = arith.index_cast %scan3A_300 : i32 to index
        %get3A_329 = arith.constant 16 : index
        %get3A_330 = tpu.vector_load %arg9[%get3A_328, %get3A_329] {strides = array<i32>} : memref<80x128xf32, #tpu.memory_space<vmem>>, vector<16xf32>,
        %mul3A_331 = arith.mulf %get3A_330, %unpack3A_326 : vector<16xf32>
        %swap3A_332 = arith.index_cast %scan3A_300 : i32 to index
        %swap3A_333 = arith.constant 16 : index
        %swap3A_334 = tpu.vector_load %arg9[%swap3A_332, %swap3A_333] {strides = array<i32>} : memref<80x128xf32, #tpu.memory_space<vmem>>, vector<16xf32>,
        tpu.vector_store %arg9[%swap3A_332, %swap3A_333], %mul3A_331 {strides = array<i32>} : memref<80x128xf32, #tpu.memory_space<vmem>>, vector<16xf32>,
        %add3A_335 = arith.constant 40 : i32
        %add3A_336 = arith.addi %scan3A_300, %add3A_335 : i32
        %get3A_337 = arith.index_cast %add3A_336 : i32 to index
        %get3A_338 = arith.constant 16 : index
        %get3A_339 = tpu.vector_load %arg9[%get3A_337, %get3A_338] {strides = array<i32>} : memref<80x128xf32, #tpu.memory_space<vmem>>, vector<16xf32>,
        %mul3A_340 = arith.mulf %get3A_339, %unpack3A_327 : vector<16xf32>
        %add3A_341 = arith.constant 40 : i32
        %add3A_342 = arith.addi %scan3A_300, %add3A_341 : i32
        %swap3A_343 = arith.index_cast %add3A_342 : i32 to index
        %swap3A_344 = arith.constant 16 : index
        %swap3A_345 = tpu.vector_load %arg9[%swap3A_343, %swap3A_344] {strides = array<i32>} : memref<80x128xf32, #tpu.memory_space<vmem>>, vector<16xf32>,
        tpu.vector_store %arg9[%swap3A_343, %swap3A_344], %mul3A_340 {strides = array<i32>} : memref<80x128xf32, #tpu.memory_space<vmem>>, vector<16xf32>,
        %get3A_346 = arith.index_cast %scan3A_300 : i32 to index
        %get3A_347 = arith.constant 32 : index
        %get3A_348 = tpu.vector_load %arg11[%get3A_346, %get3A_347] {strides = array<i32>} : memref<40x128xi32, #tpu.memory_space<vmem>>, vector<16xi32>,
        %bitcast3A_349 = vector.bitcast %get3A_348 : vector<16xi32> to vector<32xbf16>
        %unpack3A_350 = tpu.unpack_subelements %bitcast3A_349, 0 {pack_format = #tpu.pack_format<interleaved>} : vector<32xbf16> -> vector<16xf32>
        %unpack3A_351 = tpu.unpack_subelements %bitcast3A_349, 1 {pack_format = #tpu.pack_format<interleaved>} : vector<32xbf16> -> vector<16xf32>
        %get3A_352 = arith.index_cast %scan3A_300 : i32 to index
        %get3A_353 = arith.constant 32 : index
        %get3A_354 = tpu.vector_load %arg9[%get3A_352, %get3A_353] {strides = array<i32>} : memref<80x128xf32, #tpu.memory_space<vmem>>, vector<16xf32>,
        %mul3A_355 = arith.mulf %get3A_354, %unpack3A_350 : vector<16xf32>
        %swap3A_356 = arith.index_cast %scan3A_300 : i32 to index
        %swap3A_357 = arith.constant 32 : index
        %swap3A_358 = tpu.vector_load %arg9[%swap3A_356, %swap3A_357] {strides = array<i32>} : memref<80x128xf32, #tpu.memory_space<vmem>>, vector<16xf32>,
        tpu.vector_store %arg9[%swap3A_356, %swap3A_357], %mul3A_355 {strides = array<i32>} : memref<80x128xf32, #tpu.memory_space<vmem>>, vector<16xf32>,
        %add3A_359 = arith.constant 40 : i32
        %add3A_360 = arith.addi %scan3A_300, %add3A_359 : i32
        %get3A_361 = arith.index_cast %add3A_360 : i32 to index
        %get3A_362 = arith.constant 32 : index
        %get3A_363 = tpu.vector_load %arg9[%get3A_361, %get3A_362] {strides = array<i32>} : memref<80x128xf32, #tpu.memory_space<vmem>>, vector<16xf32>,
        %mul3A_364 = arith.mulf %get3A_363, %unpack3A_351 : vector<16xf32>
        %add3A_365 = arith.constant 40 : i32
        %add3A_366 = arith.addi %scan3A_300, %add3A_365 : i32
        %swap3A_367 = arith.index_cast %add3A_366 : i32 to index
        %swap3A_368 = arith.constant 32 : index
        %swap3A_369 = tpu.vector_load %arg9[%swap3A_367, %swap3A_368] {strides = array<i32>} : memref<80x128xf32, #tpu.memory_space<vmem>>, vector<16xf32>,
        tpu.vector_store %arg9[%swap3A_367, %swap3A_368], %mul3A_364 {strides = array<i32>} : memref<80x128xf32, #tpu.memory_space<vmem>>, vector<16xf32>,
        %get3A_370 = arith.index_cast %scan3A_300 : i32 to index
        %get3A_371 = arith.constant 48 : index
        %get3A_372 = tpu.vector_load %arg11[%get3A_370, %get3A_371] {strides = array<i32>} : memref<40x128xi32, #tpu.memory_space<vmem>>, vector<16xi32>,
        %bitcast3A_373 = vector.bitcast %get3A_372 : vector<16xi32> to vector<32xbf16>
        %unpack3A_374 = tpu.unpack_subelements %bitcast3A_373, 0 {pack_format = #tpu.pack_format<interleaved>} : vector<32xbf16> -> vector<16xf32>
        %unpack3A_375 = tpu.unpack_subelements %bitcast3A_373, 1 {pack_format = #tpu.pack_format<interleaved>} : vector<32xbf16> -> vector<16xf32>
        %get3A_376 = arith.index_cast %scan3A_300 : i32 to index
        %get3A_377 = arith.constant 48 : index
        %get3A_378 = tpu.vector_load %arg9[%get3A_376, %get3A_377] {strides = array<i32>} : memref<80x128xf32, #tpu.memory_space<vmem>>, vector<16xf32>,
        %mul3A_379 = arith.mulf %get3A_378, %unpack3A_374 : vector<16xf32>
        %swap3A_380 = arith.index_cast %scan3A_300 : i32 to index
        %swap3A_381 = arith.constant 48 : index
        %swap3A_382 = tpu.vector_load %arg9[%swap3A_380, %swap3A_381] {strides = array<i32>} : memref<80x128xf32, #tpu.memory_space<vmem>>, vector<16xf32>,
        tpu.vector_store %arg9[%swap3A_380, %swap3A_381], %mul3A_379 {strides = array<i32>} : memref<80x128xf32, #tpu.memory_space<vmem>>, vector<16xf32>,
        %add3A_383 = arith.constant 40 : i32
        %add3A_384 = arith.addi %scan3A_300, %add3A_383 : i32
        %get3A_385 = arith.index_cast %add3A_384 : i32 to index
        %get3A_386 = arith.constant 48 : index
        %get3A_387 = tpu.vector_load %arg9[%get3A_385, %get3A_386] {strides = array<i32>} : memref<80x128xf32, #tpu.memory_space<vmem>>, vector<16xf32>,
        %mul3A_388 = arith.mulf %get3A_387, %unpack3A_375 : vector<16xf32>
        %add3A_389 = arith.constant 40 : i32
        %add3A_390 = arith.addi %scan3A_300, %add3A_389 : i32
        %swap3A_391 = arith.index_cast %add3A_390 : i32 to index
        %swap3A_392 = arith.constant 48 : index
        %swap3A_393 = tpu.vector_load %arg9[%swap3A_391, %swap3A_392] {strides = array<i32>} : memref<80x128xf32, #tpu.memory_space<vmem>>, vector<16xf32>,
        tpu.vector_store %arg9[%swap3A_391, %swap3A_392], %mul3A_388 {strides = array<i32>} : memref<80x128xf32, #tpu.memory_space<vmem>>, vector<16xf32>,
        %get3A_394 = arith.index_cast %scan3A_300 : i32 to index
        %get3A_395 = arith.constant 64 : index
        %get3A_396 = tpu.vector_load %arg11[%get3A_394, %get3A_395] {strides = array<i32>} : memref<40x128xi32, #tpu.memory_space<vmem>>, vector<16xi32>,
        %bitcast3A_397 = vector.bitcast %get3A_396 : vector<16xi32> to vector<32xbf16>
        %unpack3A_398 = tpu.unpack_subelements %bitcast3A_397, 0 {pack_format = #tpu.pack_format<interleaved>} : vector<32xbf16> -> vector<16xf32>
        %unpack3A_399 = tpu.unpack_subelements %bitcast3A_397, 1 {pack_format = #tpu.pack_format<interleaved>} : vector<32xbf16> -> vector<16xf32>
        %get3A_400 = arith.index_cast %scan3A_300 : i32 to index
        %get3A_401 = arith.constant 64 : index
        %get3A_402 = tpu.vector_load %arg9[%get3A_400, %get3A_401] {strides = array<i32>} : memref<80x128xf32, #tpu.memory_space<vmem>>, vector<16xf32>,
        %mul3A_403 = arith.mulf %get3A_402, %unpack3A_398 : vector<16xf32>
        %swap3A_404 = arith.index_cast %scan3A_300 : i32 to index
        %swap3A_405 = arith.constant 64 : index
        %swap3A_406 = tpu.vector_load %arg9[%swap3A_404, %swap3A_405] {strides = array<i32>} : memref<80x128xf32, #tpu.memory_space<vmem>>, vector<16xf32>,
        tpu.vector_store %arg9[%swap3A_404, %swap3A_405], %mul3A_403 {strides = array<i32>} : memref<80x128xf32, #tpu.memory_space<vmem>>, vector<16xf32>,
        %add3A_407 = arith.constant 40 : i32
        %add3A_408 = arith.addi %scan3A_300, %add3A_407 : i32
        %get3A_409 = arith.index_cast %add3A_408 : i32 to index
        %get3A_410 = arith.constant 64 : index
        %get3A_411 = tpu.vector_load %arg9[%get3A_409, %get3A_410] {strides = array<i32>} : memref<80x128xf32, #tpu.memory_space<vmem>>, vector<16xf32>,
        %mul3A_412 = arith.mulf %get3A_411, %unpack3A_399 : vector<16xf32>
        %add3A_413 = arith.constant 40 : i32
        %add3A_414 = arith.addi %scan3A_300, %add3A_413 : i32
        %swap3A_415 = arith.index_cast %add3A_414 : i32 to index
        %swap3A_416 = arith.constant 64 : index
        %swap3A_417 = tpu.vector_load %arg9[%swap3A_415, %swap3A_416] {strides = array<i32>} : memref<80x128xf32, #tpu.memory_space<vmem>>, vector<16xf32>,
        tpu.vector_store %arg9[%swap3A_415, %swap3A_416], %mul3A_412 {strides = array<i32>} : memref<80x128xf32, #tpu.memory_space<vmem>>, vector<16xf32>,
        %get3A_418 = arith.index_cast %scan3A_300 : i32 to index
        %get3A_419 = arith.constant 80 : index
        %get3A_420 = tpu.vector_load %arg11[%get3A_418, %get3A_419] {strides = array<i32>} : memref<40x128xi32, #tpu.memory_space<vmem>>, vector<16xi32>,
        %bitcast3A_421 = vector.bitcast %get3A_420 : vector<16xi32> to vector<32xbf16>
        %unpack3A_422 = tpu.unpack_subelements %bitcast3A_421, 0 {pack_format = #tpu.pack_format<interleaved>} : vector<32xbf16> -> vector<16xf32>
        %unpack3A_423 = tpu.unpack_subelements %bitcast3A_421, 1 {pack_format = #tpu.pack_format<interleaved>} : vector<32xbf16> -> vector<16xf32>
        %get3A_424 = arith.index_cast %scan3A_300 : i32 to index
        %get3A_425 = arith.constant 80 : index
        %get3A_426 = tpu.vector_load %arg9[%get3A_424, %get3A_425] {strides = array<i32>} : memref<80x128xf32, #tpu.memory_space<vmem>>, vector<16xf32>,
        %mul3A_427 = arith.mulf %get3A_426, %unpack3A_422 : vector<16xf32>
        %swap3A_428 = arith.index_cast %scan3A_300 : i32 to index
        %swap3A_429 = arith.constant 80 : index
        %swap3A_430 = tpu.vector_load %arg9[%swap3A_428, %swap3A_429] {strides = array<i32>} : memref<80x128xf32, #tpu.memory_space<vmem>>, vector<16xf32>,
        tpu.vector_store %arg9[%swap3A_428, %swap3A_429], %mul3A_427 {strides = array<i32>} : memref<80x128xf32, #tpu.memory_space<vmem>>, vector<16xf32>,
        %add3A_431 = arith.constant 40 : i32
        %add3A_432 = arith.addi %scan3A_300, %add3A_431 : i32
        %get3A_433 = arith.index_cast %add3A_432 : i32 to index
        %get3A_434 = arith.constant 80 : index
        %get3A_435 = tpu.vector_load %arg9[%get3A_433, %get3A_434] {strides = array<i32>} : memref<80x128xf32, #tpu.memory_space<vmem>>, vector<16xf32>,
        %mul3A_436 = arith.mulf %get3A_435, %unpack3A_423 : vector<16xf32>
        %add3A_437 = arith.constant 40 : i32
        %add3A_438 = arith.addi %scan3A_300, %add3A_437 : i32
        %swap3A_439 = arith.index_cast %add3A_438 : i32 to index
        %swap3A_440 = arith.constant 80 : index
        %swap3A_441 = tpu.vector_load %arg9[%swap3A_439, %swap3A_440] {strides = array<i32>} : memref<80x128xf32, #tpu.memory_space<vmem>>, vector<16xf32>,
        tpu.vector_store %arg9[%swap3A_439, %swap3A_440], %mul3A_436 {strides = array<i32>} : memref<80x128xf32, #tpu.memory_space<vmem>>, vector<16xf32>,
        %get3A_442 = arith.index_cast %scan3A_300 : i32 to index
        %get3A_443 = arith.constant 96 : index
        %get3A_444 = tpu.vector_load %arg11[%get3A_442, %get3A_443] {strides = array<i32>} : memref<40x128xi32, #tpu.memory_space<vmem>>, vector<16xi32>,
        %bitcast3A_445 = vector.bitcast %get3A_444 : vector<16xi32> to vector<32xbf16>
        %unpack3A_446 = tpu.unpack_subelements %bitcast3A_445, 0 {pack_format = #tpu.pack_format<interleaved>} : vector<32xbf16> -> vector<16xf32>
        %unpack3A_447 = tpu.unpack_subelements %bitcast3A_445, 1 {pack_format = #tpu.pack_format<interleaved>} : vector<32xbf16> -> vector<16xf32>
        %get3A_448 = arith.index_cast %scan3A_300 : i32 to index
        %get3A_449 = arith.constant 96 : index
        %get3A_450 = tpu.vector_load %arg9[%get3A_448, %get3A_449] {strides = array<i32>} : memref<80x128xf32, #tpu.memory_space<vmem>>, vector<16xf32>,
        %mul3A_451 = arith.mulf %get3A_450, %unpack3A_446 : vector<16xf32>
        %swap3A_452 = arith.index_cast %scan3A_300 : i32 to index
        %swap3A_453 = arith.constant 96 : index
        %swap3A_454 = tpu.vector_load %arg9[%swap3A_452, %swap3A_453] {strides = array<i32>} : memref<80x128xf32, #tpu.memory_space<vmem>>, vector<16xf32>,
        tpu.vector_store %arg9[%swap3A_452, %swap3A_453], %mul3A_451 {strides = array<i32>} : memref<80x128xf32, #tpu.memory_space<vmem>>, vector<16xf32>,
        %add3A_455 = arith.constant 40 : i32
        %add3A_456 = arith.addi %scan3A_300, %add3A_455 : i32
        %get3A_457 = arith.index_cast %add3A_456 : i32 to index
        %get3A_458 = arith.constant 96 : index
        %get3A_459 = tpu.vector_load %arg9[%get3A_457, %get3A_458] {strides = array<i32>} : memref<80x128xf32, #tpu.memory_space<vmem>>, vector<16xf32>,
        %mul3A_460 = arith.mulf %get3A_459, %unpack3A_447 : vector<16xf32>
        %add3A_461 = arith.constant 40 : i32
        %add3A_462 = arith.addi %scan3A_300, %add3A_461 : i32
        %swap3A_463 = arith.index_cast %add3A_462 : i32 to index
        %swap3A_464 = arith.constant 96 : index
        %swap3A_465 = tpu.vector_load %arg9[%swap3A_463, %swap3A_464] {strides = array<i32>} : memref<80x128xf32, #tpu.memory_space<vmem>>, vector<16xf32>,
        tpu.vector_store %arg9[%swap3A_463, %swap3A_464], %mul3A_460 {strides = array<i32>} : memref<80x128xf32, #tpu.memory_space<vmem>>, vector<16xf32>,
        %get3A_466 = arith.index_cast %scan3A_300 : i32 to index
        %get3A_467 = arith.constant 112 : index
        %get3A_468 = tpu.vector_load %arg11[%get3A_466, %get3A_467] {strides = array<i32>} : memref<40x128xi32, #tpu.memory_space<vmem>>, vector<16xi32>,
        %bitcast3A_469 = vector.bitcast %get3A_468 : vector<16xi32> to vector<32xbf16>
        %unpack3A_470 = tpu.unpack_subelements %bitcast3A_469, 0 {pack_format = #tpu.pack_format<interleaved>} : vector<32xbf16> -> vector<16xf32>
        %unpack3A_471 = tpu.unpack_subelements %bitcast3A_469, 1 {pack_format = #tpu.pack_format<interleaved>} : vector<32xbf16> -> vector<16xf32>
        %get3A_472 = arith.index_cast %scan3A_300 : i32 to index
        %get3A_473 = arith.constant 112 : index
        %get3A_474 = tpu.vector_load %arg9[%get3A_472, %get3A_473] {strides = array<i32>} : memref<80x128xf32, #tpu.memory_space<vmem>>, vector<16xf32>,
        %mul3A_475 = arith.mulf %get3A_474, %unpack3A_470 : vector<16xf32>
        %swap3A_476 = arith.index_cast %scan3A_300 : i32 to index
        %swap3A_477 = arith.constant 112 : index
        %swap3A_478 = tpu.vector_load %arg9[%swap3A_476, %swap3A_477] {strides = array<i32>} : memref<80x128xf32, #tpu.memory_space<vmem>>, vector<16xf32>,
        tpu.vector_store %arg9[%swap3A_476, %swap3A_477], %mul3A_475 {strides = array<i32>} : memref<80x128xf32, #tpu.memory_space<vmem>>, vector<16xf32>,
        %add3A_479 = arith.constant 40 : i32
        %add3A_480 = arith.addi %scan3A_300, %add3A_479 : i32
        %get3A_481 = arith.index_cast %add3A_480 : i32 to index
        %get3A_482 = arith.constant 112 : index
        %get3A_483 = tpu.vector_load %arg9[%get3A_481, %get3A_482] {strides = array<i32>} : memref<80x128xf32, #tpu.memory_space<vmem>>, vector<16xf32>,
        %mul3A_484 = arith.mulf %get3A_483, %unpack3A_471 : vector<16xf32>
        %add3A_485 = arith.constant 40 : i32
        %add3A_486 = arith.addi %scan3A_300, %add3A_485 : i32
        %swap3A_487 = arith.index_cast %add3A_486 : i32 to index
        %swap3A_488 = arith.constant 112 : index
        %swap3A_489 = tpu.vector_load %arg9[%swap3A_487, %swap3A_488] {strides = array<i32>} : memref<80x128xf32, #tpu.memory_space<vmem>>, vector<16xf32>,
        tpu.vector_store %arg9[%swap3A_487, %swap3A_488], %mul3A_484 {strides = array<i32>} : memref<80x128xf32, #tpu.memory_space<vmem>>, vector<16xf32>,
        %scan3A_490 = arith.constant 0 : i32
        scf.yield %scan3A_490 : i32
      }
      %scan3A_248 = arith.constant 40 : i32
      %dma_start3A_249 = arith.constant 0 : i32
      %dma_start3A_250 = arith.constant 0 : i32
      %dma_start3A_251 = tpu.memref_slice %arg8[%dma_start3A_249, %dma_start3A_250] : memref<2x80xi32, #tpu.memory_space<vmem>> -> memref<1x80xi32, #tpu.memory_space<vmem>>
      %dma_start3A_252 = tpu.memref_squeeze %dma_start3A_251 : memref<1x80xi32, #tpu.memory_space<vmem>> -> memref<80xi32, #tpu.memory_space<vmem>>
      %dma_start3A_253 = arith.constant 0 : i32
      %dma_start3A_254 = arith.constant 0 : i32
      %dma_start3A_255 = tpu.memref_slice %arg13[%dma_start3A_253, %dma_start3A_254] : memref<10000x128xf32, #tpu.memory_space<vmem_shared>> -> memref<10000x128xf32, #tpu.memory_space<vmem_shared>>
      tpu.enqueue_indirect_dma source(%arg9 : memref<80x128xf32, #tpu.memory_space<vmem>>) target(%dma_start3A_255 : memref<10000x128xf32, #tpu.memory_space<vmem_shared>>) offsets(%dma_start3A_252 : memref<80xi32, #tpu.memory_space<vmem>>) semaphore(%arg18 : memref<!tpu.dma_semaphore, #tpu.memory_space<semaphore_mem>>) {add = true}
      %add3A_256 = arith.constant 2 : i32
      %add3A_257 = arith.addi %add3A_228, %add3A_256 : i32
      %lt3A_258 = arith.cmpi slt, %add3A_257, %select_n3A : i32
      %convert_element_type3A_259 = arith.extui %lt3A_258 : i1 to i32
      %cond3A_260 = arith.constant 0 : i32
      %cond3A_261 = arith.cmpi ne, %convert_element_type3A_259, %cond3A_260 : i32
      scf.if %cond3A_261 {
        %dma_wait3A_300 = arith.constant 0 : i32
        %dma_wait3A_301 = arith.constant 0 : i32
        %dma_wait3A_302 = tpu.memref_slice %arg8[%dma_wait3A_300, %dma_wait3A_301] : memref<2x80xi32, #tpu.memory_space<vmem>> -> memref<1x80xi32, #tpu.memory_space<vmem>>
        %dma_wait3A_303 = tpu.memref_squeeze %dma_wait3A_302 : memref<1x80xi32, #tpu.memory_space<vmem>> -> memref<80xi32, #tpu.memory_space<vmem>>
        %dma_wait3A_304 = arith.constant 0 : i32
        %dma_wait3A_305 = arith.constant 0 : i32
        %dma_wait3A_306 = tpu.memref_slice %arg13[%dma_wait3A_304, %dma_wait3A_305] : memref<10000x128xf32, #tpu.memory_space<vmem_shared>> -> memref<10000x128xf32, #tpu.memory_space<vmem_shared>>
        tpu.wait_indirect_dma semaphore(%arg18 : memref<!tpu.dma_semaphore, #tpu.memory_space<semaphore_mem>>) src(%arg9 : memref<80x128xf32, #tpu.memory_space<vmem>>) dst(%dma_wait3A_306 : memref<10000x128xf32, #tpu.memory_space<vmem_shared>>)
        %dma_wait3A_307 = arith.constant 0 : i32
        %dma_wait3A_308 = arith.constant 0 : i32
        %dma_wait3A_309 = tpu.memref_slice %arg6[%dma_wait3A_307, %dma_wait3A_308] : memref<2x80xi32, #tpu.memory_space<vmem>> -> memref<1x40xi32, #tpu.memory_space<vmem>>
        %dma_wait3A_310 = tpu.memref_squeeze %dma_wait3A_309 : memref<1x40xi32, #tpu.memory_space<vmem>> -> memref<40xi32, #tpu.memory_space<vmem>>
        %dma_wait3A_311 = arith.constant 0 : i32
        %dma_wait3A_312 = tpu.memref_slice %arg4[%dma_wait3A_311] : memref<320000xi32, #tpu.memory_space<hbm>> -> memref<40xi32, #tpu.memory_space<hbm>>
        %dma_wait3A_313 = arith.constant 0 : i32
        %dma_wait3A_314 = tpu.memref_slice %arg6[%dma_wait3A_307, %dma_wait3A_313] : memref<2x80xi32, #tpu.memory_space<vmem>> -> memref<1x40xi32, #tpu.memory_space<vmem>>
        %dma_wait3A_315 = tpu.memref_squeeze %dma_wait3A_314 : memref<1x40xi32, #tpu.memory_space<vmem>> -> memref<40xi32, #tpu.memory_space<vmem>>
        %dma_wait3A_316 = arith.constant 0 : i32
        %dma_wait3A_317 = tpu.memref_slice %arg4[%dma_wait3A_316] : memref<320000xi32, #tpu.memory_space<hbm>> -> memref<40xi32, #tpu.memory_space<hbm>>
        tpu.wait_dma2 semaphore(%arg20 : memref<!tpu.dma_semaphore, #tpu.memory_space<semaphore_mem>>) src(%dma_wait3A_317 : memref<40xi32, #tpu.memory_space<hbm>>) dst(%dma_wait3A_315 : memref<40xi32, #tpu.memory_space<vmem>>)
        %dma_wait3A_318 = arith.constant 0 : i32
        %dma_wait3A_319 = arith.constant 40 : i32
        %dma_wait3A_320 = tpu.memref_slice %arg6[%dma_wait3A_318, %dma_wait3A_319] : memref<2x80xi32, #tpu.memory_space<vmem>> -> memref<1x40xi32, #tpu.memory_space<vmem>>
        %dma_wait3A_321 = tpu.memref_squeeze %dma_wait3A_320 : memref<1x40xi32, #tpu.memory_space<vmem>> -> memref<40xi32, #tpu.memory_space<vmem>>
        %dma_wait3A_322 = arith.constant 0 : i32
        %dma_wait3A_323 = tpu.memref_slice %arg4[%dma_wait3A_322] : memref<320000xi32, #tpu.memory_space<hbm>> -> memref<40xi32, #tpu.memory_space<hbm>>
        %dma_wait3A_324 = arith.constant 40 : i32
        %dma_wait3A_325 = tpu.memref_slice %arg6[%dma_wait3A_318, %dma_wait3A_324] : memref<2x80xi32, #tpu.memory_space<vmem>> -> memref<1x40xi32, #tpu.memory_space<vmem>>
        %dma_wait3A_326 = tpu.memref_squeeze %dma_wait3A_325 : memref<1x40xi32, #tpu.memory_space<vmem>> -> memref<40xi32, #tpu.memory_space<vmem>>
        %dma_wait3A_327 = arith.constant 0 : i32
        %dma_wait3A_328 = tpu.memref_slice %arg4[%dma_wait3A_327] : memref<320000xi32, #tpu.memory_space<hbm>> -> memref<40xi32, #tpu.memory_space<hbm>>
        tpu.wait_dma2 semaphore(%arg20 : memref<!tpu.dma_semaphore, #tpu.memory_space<semaphore_mem>>) src(%dma_wait3A_328 : memref<40xi32, #tpu.memory_space<hbm>>) dst(%dma_wait3A_326 : memref<40xi32, #tpu.memory_space<vmem>>)
        %scan3A_329 = arith.constant 0 : i32
        %scan3A_330 = arith.constant 0 : i32
        %scan3A_331 = arith.constant 5 : i32
        %scan3A_332 = arith.addi %scan3A_330, %scan3A_331 : i32
        %scan3A_333 = arith.constant 1 : i32
        %scan3A_334 = scf.for %scan3A_356 = %scan3A_330 to %scan3A_332 step %scan3A_333 iter_args(%scan3A_357 = %scan3A_329) -> (i32)  : i32 {
          %mul3A_358 = arith.constant 16 : i32
          %mul3A_359 = arith.muli %scan3A_356, %mul3A_358 : i32
          %get3A = arith.constant 0 : i32
          %get3A_360 = arith.index_cast %get3A : i32 to index
          %get3A_361 = arith.index_cast %mul3A_359 : i32 to index
          %get3A_362 = tpu.vector_load %arg6[%get3A_360, %get3A_361] {strides = array<i32>} : memref<2x80xi32, #tpu.memory_space<vmem>>, vector<16xi32>,
          %mul3A_363 = arith.constant 16 : i32
          %mul3A_364 = arith.muli %scan3A_356, %mul3A_363 : i32
          %shift_right_logical3A = arith.constant 14 : i32
          %shift_right_logical3A_365 = vector.broadcast %shift_right_logical3A : i32 to vector<16xi32>
          %shift_right_logical3A_366 = arith.shrui %get3A_362, %shift_right_logical3A_365 : vector<16xi32>
          %swap3A = arith.constant 0 : i32
          %swap3A_367 = arith.index_cast %swap3A : i32 to index
          %swap3A_368 = arith.index_cast %mul3A_364 : i32 to index
          %swap3A_369 = tpu.vector_load %arg7[%swap3A_367, %swap3A_368] {strides = array<i32>} : memref<2x80xi32, #tpu.memory_space<vmem>>, vector<16xi32>,
          tpu.vector_store %arg7[%swap3A_367, %swap3A_368], %shift_right_logical3A_366 {strides = array<i32>} : memref<2x80xi32, #tpu.memory_space<vmem>>, vector<16xi32>,
          %and3A = arith.constant 16383 : i32
          %and3A_370 = vector.broadcast %and3A : i32 to vector<16xi32>
          %and3A_371 = arith.andi %get3A_362, %and3A_370 : vector<16xi32>
          %swap3A_372 = arith.constant 0 : i32
          %swap3A_373 = arith.index_cast %swap3A_372 : i32 to index
          %swap3A_374 = arith.index_cast %mul3A_364 : i32 to index
          %swap3A_375 = tpu.vector_load %arg8[%swap3A_373, %swap3A_374] {strides = array<i32>} : memref<2x80xi32, #tpu.memory_space<vmem>>, vector<16xi32>,
          tpu.vector_store %arg8[%swap3A_373, %swap3A_374], %and3A_371 {strides = array<i32>} : memref<2x80xi32, #tpu.memory_space<vmem>>, vector<16xi32>,
          %scan3A_376 = arith.constant 0 : i32
          scf.yield %scan3A_376 : i32
        }
        %scan3A_335 = arith.constant 5 : i32
        %dma_start3A_336 = arith.constant 0 : i32
        %dma_start3A_337 = arith.constant 0 : i32
        %dma_start3A_338 = tpu.memref_slice %arg7[%dma_start3A_336, %dma_start3A_337] : memref<2x80xi32, #tpu.memory_space<vmem>> -> memref<1x80xi32, #tpu.memory_space<vmem>>
        %dma_start3A_339 = tpu.memref_squeeze %dma_start3A_338 : memref<1x80xi32, #tpu.memory_space<vmem>> -> memref<80xi32, #tpu.memory_space<vmem>>
        %dma_start3A_340 = arith.constant 0 : i32
        %dma_start3A_341 = arith.constant 0 : i32
        %dma_start3A_342 = tpu.memref_slice %arg2[%dma_start3A_340, %dma_start3A_341] : memref<10000x128xf32, #tpu.memory_space<hbm>> -> memref<10000x128xf32, #tpu.memory_space<hbm>>
        tpu.enqueue_indirect_dma source(%dma_start3A_342 : memref<10000x128xf32, #tpu.memory_space<hbm>>) target(%arg9 : memref<80x128xf32, #tpu.memory_space<vmem>>) offsets(%dma_start3A_339 : memref<80xi32, #tpu.memory_space<vmem>>) semaphore(%arg14 : memref<!tpu.dma_semaphore, #tpu.memory_space<semaphore_mem>>)
        %add3A_343 = arith.addi %select_n3A_36, %add3A_257 : i32
        %mul3A_344 = arith.constant 40 : i32
        %mul3A_345 = arith.muli %add3A_343, %mul3A_344 : i32
        %dma_start3A_346 = arith.constant 0 : i32
        %dma_start3A_347 = tpu.memref_slice %arg3[%mul3A_345, %dma_start3A_346] : memref<160000x128xi32, #tpu.memory_space<hbm>> -> memref<40x128xi32, #tpu.memory_space<hbm>>
        %dma_start3A_348 = arith.constant 0 : i32
        %dma_start3A_349 = tpu.memref_slice %arg3[%mul3A_345, %dma_start3A_348] : memref<160000x128xi32, #tpu.memory_space<hbm>> -> memref<40x128xi32, #tpu.memory_space<hbm>>
        tpu.enqueue_dma source(%dma_start3A_349 : memref<40x128xi32, #tpu.memory_space<hbm>>) target(%arg11 : memref<40x128xi32, #tpu.memory_space<vmem>>) target_semaphore(%arg16 : memref<!tpu.dma_semaphore, #tpu.memory_space<semaphore_mem>>)
        %add3A_350 = arith.constant 2 : i32
        %add3A_351 = arith.addi %add3A_257, %add3A_350 : i32
        %lt3A_352 = arith.cmpi slt, %add3A_351, %select_n3A : i32
        %convert_element_type3A_353 = arith.extui %lt3A_352 : i1 to i32
        %cond3A_354 = arith.constant 0 : i32
        %cond3A_355 = arith.cmpi ne, %convert_element_type3A_353, %cond3A_354 : i32
        scf.if %cond3A_355 {
          %add3A_356 = arith.constant 2 : i32
          %add3A_357 = arith.addi %add3A_257, %add3A_356 : i32
          %add3A_358 = arith.addi %select_n3A_36, %add3A_357 : i32
          %mul3A_359 = arith.constant 40 : i32
          %mul3A_360 = arith.muli %add3A_358, %mul3A_359 : i32
          %dma_start3A_361 = arith.constant 0 : i32
          %dma_start3A_362 = arith.constant 0 : i32
          %dma_start3A_363 = tpu.memref_slice %arg6[%dma_start3A_361, %dma_start3A_362] : memref<2x80xi32, #tpu.memory_space<vmem>> -> memref<1x40xi32, #tpu.memory_space<vmem>>
          %dma_start3A_364 = tpu.memref_squeeze %dma_start3A_363 : memref<1x40xi32, #tpu.memory_space<vmem>> -> memref<40xi32, #tpu.memory_space<vmem>>
          %dma_start3A_365 = tpu.memref_slice %arg4[%mul3A_360] : memref<320000xi32, #tpu.memory_space<hbm>> -> memref<40xi32, #tpu.memory_space<hbm>>
          %dma_start3A_366 = arith.constant 0 : i32
          %dma_start3A_367 = tpu.memref_slice %arg6[%dma_start3A_361, %dma_start3A_366] : memref<2x80xi32, #tpu.memory_space<vmem>> -> memref<1x40xi32, #tpu.memory_space<vmem>>
          %dma_start3A_368 = tpu.memref_squeeze %dma_start3A_367 : memref<1x40xi32, #tpu.memory_space<vmem>> -> memref<40xi32, #tpu.memory_space<vmem>>
          %dma_start3A_369 = tpu.memref_slice %arg4[%mul3A_360] : memref<320000xi32, #tpu.memory_space<hbm>> -> memref<40xi32, #tpu.memory_space<hbm>>
          tpu.enqueue_dma source(%dma_start3A_369 : memref<40xi32, #tpu.memory_space<hbm>>) target(%dma_start3A_368 : memref<40xi32, #tpu.memory_space<vmem>>) target_semaphore(%arg20 : memref<!tpu.dma_semaphore, #tpu.memory_space<semaphore_mem>>)
          %add3A_370 = arith.addi %select_n3A_36, %add3A_357 : i32
          %mul3A_371 = arith.constant 40 : i32
          %mul3A_372 = arith.muli %add3A_370, %mul3A_371 : i32
          %add3A_373 = arith.constant 160000 : i32
          %add3A_374 = arith.addi %add3A_373, %mul3A_372 : i32
          %dma_start3A_375 = arith.constant 0 : i32
          %dma_start3A_376 = arith.constant 40 : i32
          %dma_start3A_377 = tpu.memref_slice %arg6[%dma_start3A_375, %dma_start3A_376] : memref<2x80xi32, #tpu.memory_space<vmem>> -> memref<1x40xi32, #tpu.memory_space<vmem>>
          %dma_start3A_378 = tpu.memref_squeeze %dma_start3A_377 : memref<1x40xi32, #tpu.memory_space<vmem>> -> memref<40xi32, #tpu.memory_space<vmem>>
          %dma_start3A_379 = tpu.memref_slice %arg4[%add3A_374] : memref<320000xi32, #tpu.memory_space<hbm>> -> memref<40xi32, #tpu.memory_space<hbm>>
          %dma_start3A_380 = arith.constant 40 : i32
          %dma_start3A_381 = tpu.memref_slice %arg6[%dma_start3A_375, %dma_start3A_380] : memref<2x80xi32, #tpu.memory_space<vmem>> -> memref<1x40xi32, #tpu.memory_space<vmem>>
          %dma_start3A_382 = tpu.memref_squeeze %dma_start3A_381 : memref<1x40xi32, #tpu.memory_space<vmem>> -> memref<40xi32, #tpu.memory_space<vmem>>
          %dma_start3A_383 = tpu.memref_slice %arg4[%add3A_374] : memref<320000xi32, #tpu.memory_space<hbm>> -> memref<40xi32, #tpu.memory_space<hbm>>
          tpu.enqueue_dma source(%dma_start3A_383 : memref<40xi32, #tpu.memory_space<hbm>>) target(%dma_start3A_382 : memref<40xi32, #tpu.memory_space<vmem>>) target_semaphore(%arg20 : memref<!tpu.dma_semaphore, #tpu.memory_space<semaphore_mem>>)
        } else {
        }
      } else {
      }
      %mul3A_262 = arith.constant 2 : i32
      %mul3A_263 = arith.muli %while3A_223, %mul3A_262 : i32
      %add3A_264 = arith.constant 1 : i32
      %add3A_265 = arith.addi %mul3A_263, %add3A_264 : i32
      %dma_wait3A_266 = arith.constant 1 : i32
      %dma_wait3A_267 = arith.constant 0 : i32
      %dma_wait3A_268 = tpu.memref_slice %arg7[%dma_wait3A_266, %dma_wait3A_267] : memref<2x80xi32, #tpu.memory_space<vmem>> -> memref<1x80xi32, #tpu.memory_space<vmem>>
      %dma_wait3A_269 = tpu.memref_squeeze %dma_wait3A_268 : memref<1x80xi32, #tpu.memory_space<vmem>> -> memref<80xi32, #tpu.memory_space<vmem>>
      %dma_wait3A_270 = arith.constant 0 : i32
      %dma_wait3A_271 = arith.constant 0 : i32
      %dma_wait3A_272 = tpu.memref_slice %arg2[%dma_wait3A_270, %dma_wait3A_271] : memref<10000x128xf32, #tpu.memory_space<hbm>> -> memref<10000x128xf32, #tpu.memory_space<hbm>>
      tpu.wait_indirect_dma semaphore(%arg15 : memref<!tpu.dma_semaphore, #tpu.memory_space<semaphore_mem>>) src(%dma_wait3A_272 : memref<10000x128xf32, #tpu.memory_space<hbm>>) dst(%arg10 : memref<80x128xf32, #tpu.memory_space<vmem>>)
      %dma_wait3A_273 = arith.constant 0 : i32
      %dma_wait3A_274 = arith.constant 0 : i32
      %dma_wait3A_275 = tpu.memref_slice %arg3[%dma_wait3A_273, %dma_wait3A_274] : memref<160000x128xi32, #tpu.memory_space<hbm>> -> memref<40x128xi32, #tpu.memory_space<hbm>>
      %dma_wait3A_276 = arith.constant 0 : i32
      %dma_wait3A_277 = arith.constant 0 : i32
      %dma_wait3A_278 = tpu.memref_slice %arg3[%dma_wait3A_276, %dma_wait3A_277] : memref<160000x128xi32, #tpu.memory_space<hbm>> -> memref<40x128xi32, #tpu.memory_space<hbm>>
      tpu.wait_dma2 semaphore(%arg17 : memref<!tpu.dma_semaphore, #tpu.memory_space<semaphore_mem>>) src(%dma_wait3A_278 : memref<40x128xi32, #tpu.memory_space<hbm>>) dst(%arg12 : memref<40x128xi32, #tpu.memory_space<vmem>>)
      %scan3A_279 = arith.constant 0 : i32
      %scan3A_280 = arith.constant 0 : i32
      %scan3A_281 = arith.constant 40 : i32
      %scan3A_282 = arith.addi %scan3A_280, %scan3A_281 : i32
      %scan3A_283 = arith.constant 1 : i32
      %scan3A_284 = scf.for %scan3A_300 = %scan3A_280 to %scan3A_282 step %scan3A_283 iter_args(%scan3A_301 = %scan3A_279) -> (i32)  : i32 {
        %get3A = arith.index_cast %scan3A_300 : i32 to index
        %get3A_302 = arith.constant 0 : index
        %get3A_303 = tpu.vector_load %arg12[%get3A, %get3A_302] {strides = array<i32>} : memref<40x128xi32, #tpu.memory_space<vmem>>, vector<16xi32>,
        %bitcast3A = vector.bitcast %get3A_303 : vector<16xi32> to vector<32xbf16>
        %unpack3A = tpu.unpack_subelements %bitcast3A, 0 {pack_format = #tpu.pack_format<interleaved>} : vector<32xbf16> -> vector<16xf32>
        %unpack3A_304 = tpu.unpack_subelements %bitcast3A, 1 {pack_format = #tpu.pack_format<interleaved>} : vector<32xbf16> -> vector<16xf32>
        %get3A_305 = arith.index_cast %scan3A_300 : i32 to index
        %get3A_306 = arith.constant 0 : index
        %get3A_307 = tpu.vector_load %arg10[%get3A_305, %get3A_306] {strides = array<i32>} : memref<80x128xf32, #tpu.memory_space<vmem>>, vector<16xf32>,
        %mul3A_308 = arith.mulf %get3A_307, %unpack3A : vector<16xf32>
        %swap3A = arith.index_cast %scan3A_300 : i32 to index
        %swap3A_309 = arith.constant 0 : index
        %swap3A_310 = tpu.vector_load %arg10[%swap3A, %swap3A_309] {strides = array<i32>} : memref<80x128xf32, #tpu.memory_space<vmem>>, vector<16xf32>,
        tpu.vector_store %arg10[%swap3A, %swap3A_309], %mul3A_308 {strides = array<i32>} : memref<80x128xf32, #tpu.memory_space<vmem>>, vector<16xf32>,
        %add3A_311 = arith.constant 40 : i32
        %add3A_312 = arith.addi %scan3A_300, %add3A_311 : i32
        %get3A_313 = arith.index_cast %add3A_312 : i32 to index
        %get3A_314 = arith.constant 0 : index
        %get3A_315 = tpu.vector_load %arg10[%get3A_313, %get3A_314] {strides = array<i32>} : memref<80x128xf32, #tpu.memory_space<vmem>>, vector<16xf32>,
        %mul3A_316 = arith.mulf %get3A_315, %unpack3A_304 : vector<16xf32>
        %add3A_317 = arith.constant 40 : i32
        %add3A_318 = arith.addi %scan3A_300, %add3A_317 : i32
        %swap3A_319 = arith.index_cast %add3A_318 : i32 to index
        %swap3A_320 = arith.constant 0 : index
        %swap3A_321 = tpu.vector_load %arg10[%swap3A_319, %swap3A_320] {strides = array<i32>} : memref<80x128xf32, #tpu.memory_space<vmem>>, vector<16xf32>,
        tpu.vector_store %arg10[%swap3A_319, %swap3A_320], %mul3A_316 {strides = array<i32>} : memref<80x128xf32, #tpu.memory_space<vmem>>, vector<16xf32>,
        %get3A_322 = arith.index_cast %scan3A_300 : i32 to index
        %get3A_323 = arith.constant 16 : index
        %get3A_324 = tpu.vector_load %arg12[%get3A_322, %get3A_323] {strides = array<i32>} : memref<40x128xi32, #tpu.memory_space<vmem>>, vector<16xi32>,
        %bitcast3A_325 = vector.bitcast %get3A_324 : vector<16xi32> to vector<32xbf16>
        %unpack3A_326 = tpu.unpack_subelements %bitcast3A_325, 0 {pack_format = #tpu.pack_format<interleaved>} : vector<32xbf16> -> vector<16xf32>
        %unpack3A_327 = tpu.unpack_subelements %bitcast3A_325, 1 {pack_format = #tpu.pack_format<interleaved>} : vector<32xbf16> -> vector<16xf32>
        %get3A_328 = arith.index_cast %scan3A_300 : i32 to index
        %get3A_329 = arith.constant 16 : index
        %get3A_330 = tpu.vector_load %arg10[%get3A_328, %get3A_329] {strides = array<i32>} : memref<80x128xf32, #tpu.memory_space<vmem>>, vector<16xf32>,
        %mul3A_331 = arith.mulf %get3A_330, %unpack3A_326 : vector<16xf32>
        %swap3A_332 = arith.index_cast %scan3A_300 : i32 to index
        %swap3A_333 = arith.constant 16 : index
        %swap3A_334 = tpu.vector_load %arg10[%swap3A_332, %swap3A_333] {strides = array<i32>} : memref<80x128xf32, #tpu.memory_space<vmem>>, vector<16xf32>,
        tpu.vector_store %arg10[%swap3A_332, %swap3A_333], %mul3A_331 {strides = array<i32>} : memref<80x128xf32, #tpu.memory_space<vmem>>, vector<16xf32>,
        %add3A_335 = arith.constant 40 : i32
        %add3A_336 = arith.addi %scan3A_300, %add3A_335 : i32
        %get3A_337 = arith.index_cast %add3A_336 : i32 to index
        %get3A_338 = arith.constant 16 : index
        %get3A_339 = tpu.vector_load %arg10[%get3A_337, %get3A_338] {strides = array<i32>} : memref<80x128xf32, #tpu.memory_space<vmem>>, vector<16xf32>,
        %mul3A_340 = arith.mulf %get3A_339, %unpack3A_327 : vector<16xf32>
        %add3A_341 = arith.constant 40 : i32
        %add3A_342 = arith.addi %scan3A_300, %add3A_341 : i32
        %swap3A_343 = arith.index_cast %add3A_342 : i32 to index
        %swap3A_344 = arith.constant 16 : index
        %swap3A_345 = tpu.vector_load %arg10[%swap3A_343, %swap3A_344] {strides = array<i32>} : memref<80x128xf32, #tpu.memory_space<vmem>>, vector<16xf32>,
        tpu.vector_store %arg10[%swap3A_343, %swap3A_344], %mul3A_340 {strides = array<i32>} : memref<80x128xf32, #tpu.memory_space<vmem>>, vector<16xf32>,
        %get3A_346 = arith.index_cast %scan3A_300 : i32 to index
        %get3A_347 = arith.constant 32 : index
        %get3A_348 = tpu.vector_load %arg12[%get3A_346, %get3A_347] {strides = array<i32>} : memref<40x128xi32, #tpu.memory_space<vmem>>, vector<16xi32>,
        %bitcast3A_349 = vector.bitcast %get3A_348 : vector<16xi32> to vector<32xbf16>
        %unpack3A_350 = tpu.unpack_subelements %bitcast3A_349, 0 {pack_format = #tpu.pack_format<interleaved>} : vector<32xbf16> -> vector<16xf32>
        %unpack3A_351 = tpu.unpack_subelements %bitcast3A_349, 1 {pack_format = #tpu.pack_format<interleaved>} : vector<32xbf16> -> vector<16xf32>
        %get3A_352 = arith.index_cast %scan3A_300 : i32 to index
        %get3A_353 = arith.constant 32 : index
        %get3A_354 = tpu.vector_load %arg10[%get3A_352, %get3A_353] {strides = array<i32>} : memref<80x128xf32, #tpu.memory_space<vmem>>, vector<16xf32>,
        %mul3A_355 = arith.mulf %get3A_354, %unpack3A_350 : vector<16xf32>
        %swap3A_356 = arith.index_cast %scan3A_300 : i32 to index
        %swap3A_357 = arith.constant 32 : index
        %swap3A_358 = tpu.vector_load %arg10[%swap3A_356, %swap3A_357] {strides = array<i32>} : memref<80x128xf32, #tpu.memory_space<vmem>>, vector<16xf32>,
        tpu.vector_store %arg10[%swap3A_356, %swap3A_357], %mul3A_355 {strides = array<i32>} : memref<80x128xf32, #tpu.memory_space<vmem>>, vector<16xf32>,
        %add3A_359 = arith.constant 40 : i32
        %add3A_360 = arith.addi %scan3A_300, %add3A_359 : i32
        %get3A_361 = arith.index_cast %add3A_360 : i32 to index
        %get3A_362 = arith.constant 32 : index
        %get3A_363 = tpu.vector_load %arg10[%get3A_361, %get3A_362] {strides = array<i32>} : memref<80x128xf32, #tpu.memory_space<vmem>>, vector<16xf32>,
        %mul3A_364 = arith.mulf %get3A_363, %unpack3A_351 : vector<16xf32>
        %add3A_365 = arith.constant 40 : i32
        %add3A_366 = arith.addi %scan3A_300, %add3A_365 : i32
        %swap3A_367 = arith.index_cast %add3A_366 : i32 to index
        %swap3A_368 = arith.constant 32 : index
        %swap3A_369 = tpu.vector_load %arg10[%swap3A_367, %swap3A_368] {strides = array<i32>} : memref<80x128xf32, #tpu.memory_space<vmem>>, vector<16xf32>,
        tpu.vector_store %arg10[%swap3A_367, %swap3A_368], %mul3A_364 {strides = array<i32>} : memref<80x128xf32, #tpu.memory_space<vmem>>, vector<16xf32>,
        %get3A_370 = arith.index_cast %scan3A_300 : i32 to index
        %get3A_371 = arith.constant 48 : index
        %get3A_372 = tpu.vector_load %arg12[%get3A_370, %get3A_371] {strides = array<i32>} : memref<40x128xi32, #tpu.memory_space<vmem>>, vector<16xi32>,
        %bitcast3A_373 = vector.bitcast %get3A_372 : vector<16xi32> to vector<32xbf16>
        %unpack3A_374 = tpu.unpack_subelements %bitcast3A_373, 0 {pack_format = #tpu.pack_format<interleaved>} : vector<32xbf16> -> vector<16xf32>
        %unpack3A_375 = tpu.unpack_subelements %bitcast3A_373, 1 {pack_format = #tpu.pack_format<interleaved>} : vector<32xbf16> -> vector<16xf32>
        %get3A_376 = arith.index_cast %scan3A_300 : i32 to index
        %get3A_377 = arith.constant 48 : index
        %get3A_378 = tpu.vector_load %arg10[%get3A_376, %get3A_377] {strides = array<i32>} : memref<80x128xf32, #tpu.memory_space<vmem>>, vector<16xf32>,
        %mul3A_379 = arith.mulf %get3A_378, %unpack3A_374 : vector<16xf32>
        %swap3A_380 = arith.index_cast %scan3A_300 : i32 to index
        %swap3A_381 = arith.constant 48 : index
        %swap3A_382 = tpu.vector_load %arg10[%swap3A_380, %swap3A_381] {strides = array<i32>} : memref<80x128xf32, #tpu.memory_space<vmem>>, vector<16xf32>,
        tpu.vector_store %arg10[%swap3A_380, %swap3A_381], %mul3A_379 {strides = array<i32>} : memref<80x128xf32, #tpu.memory_space<vmem>>, vector<16xf32>,
        %add3A_383 = arith.constant 40 : i32
        %add3A_384 = arith.addi %scan3A_300, %add3A_383 : i32
        %get3A_385 = arith.index_cast %add3A_384 : i32 to index
        %get3A_386 = arith.constant 48 : index
        %get3A_387 = tpu.vector_load %arg10[%get3A_385, %get3A_386] {strides = array<i32>} : memref<80x128xf32, #tpu.memory_space<vmem>>, vector<16xf32>,
        %mul3A_388 = arith.mulf %get3A_387, %unpack3A_375 : vector<16xf32>
        %add3A_389 = arith.constant 40 : i32
        %add3A_390 = arith.addi %scan3A_300, %add3A_389 : i32
        %swap3A_391 = arith.index_cast %add3A_390 : i32 to index
        %swap3A_392 = arith.constant 48 : index
        %swap3A_393 = tpu.vector_load %arg10[%swap3A_391, %swap3A_392] {strides = array<i32>} : memref<80x128xf32, #tpu.memory_space<vmem>>, vector<16xf32>,
        tpu.vector_store %arg10[%swap3A_391, %swap3A_392], %mul3A_388 {strides = array<i32>} : memref<80x128xf32, #tpu.memory_space<vmem>>, vector<16xf32>,
        %get3A_394 = arith.index_cast %scan3A_300 : i32 to index
        %get3A_395 = arith.constant 64 : index
        %get3A_396 = tpu.vector_load %arg12[%get3A_394, %get3A_395] {strides = array<i32>} : memref<40x128xi32, #tpu.memory_space<vmem>>, vector<16xi32>,
        %bitcast3A_397 = vector.bitcast %get3A_396 : vector<16xi32> to vector<32xbf16>
        %unpack3A_398 = tpu.unpack_subelements %bitcast3A_397, 0 {pack_format = #tpu.pack_format<interleaved>} : vector<32xbf16> -> vector<16xf32>
        %unpack3A_399 = tpu.unpack_subelements %bitcast3A_397, 1 {pack_format = #tpu.pack_format<interleaved>} : vector<32xbf16> -> vector<16xf32>
        %get3A_400 = arith.index_cast %scan3A_300 : i32 to index
        %get3A_401 = arith.constant 64 : index
        %get3A_402 = tpu.vector_load %arg10[%get3A_400, %get3A_401] {strides = array<i32>} : memref<80x128xf32, #tpu.memory_space<vmem>>, vector<16xf32>,
        %mul3A_403 = arith.mulf %get3A_402, %unpack3A_398 : vector<16xf32>
        %swap3A_404 = arith.index_cast %scan3A_300 : i32 to index
        %swap3A_405 = arith.constant 64 : index
        %swap3A_406 = tpu.vector_load %arg10[%swap3A_404, %swap3A_405] {strides = array<i32>} : memref<80x128xf32, #tpu.memory_space<vmem>>, vector<16xf32>,
        tpu.vector_store %arg10[%swap3A_404, %swap3A_405], %mul3A_403 {strides = array<i32>} : memref<80x128xf32, #tpu.memory_space<vmem>>, vector<16xf32>,
        %add3A_407 = arith.constant 40 : i32
        %add3A_408 = arith.addi %scan3A_300, %add3A_407 : i32
        %get3A_409 = arith.index_cast %add3A_408 : i32 to index
        %get3A_410 = arith.constant 64 : index
        %get3A_411 = tpu.vector_load %arg10[%get3A_409, %get3A_410] {strides = array<i32>} : memref<80x128xf32, #tpu.memory_space<vmem>>, vector<16xf32>,
        %mul3A_412 = arith.mulf %get3A_411, %unpack3A_399 : vector<16xf32>
        %add3A_413 = arith.constant 40 : i32
        %add3A_414 = arith.addi %scan3A_300, %add3A_413 : i32
        %swap3A_415 = arith.index_cast %add3A_414 : i32 to index
        %swap3A_416 = arith.constant 64 : index
        %swap3A_417 = tpu.vector_load %arg10[%swap3A_415, %swap3A_416] {strides = array<i32>} : memref<80x128xf32, #tpu.memory_space<vmem>>, vector<16xf32>,
        tpu.vector_store %arg10[%swap3A_415, %swap3A_416], %mul3A_412 {strides = array<i32>} : memref<80x128xf32, #tpu.memory_space<vmem>>, vector<16xf32>,
        %get3A_418 = arith.index_cast %scan3A_300 : i32 to index
        %get3A_419 = arith.constant 80 : index
        %get3A_420 = tpu.vector_load %arg12[%get3A_418, %get3A_419] {strides = array<i32>} : memref<40x128xi32, #tpu.memory_space<vmem>>, vector<16xi32>,
        %bitcast3A_421 = vector.bitcast %get3A_420 : vector<16xi32> to vector<32xbf16>
        %unpack3A_422 = tpu.unpack_subelements %bitcast3A_421, 0 {pack_format = #tpu.pack_format<interleaved>} : vector<32xbf16> -> vector<16xf32>
        %unpack3A_423 = tpu.unpack_subelements %bitcast3A_421, 1 {pack_format = #tpu.pack_format<interleaved>} : vector<32xbf16> -> vector<16xf32>
        %get3A_424 = arith.index_cast %scan3A_300 : i32 to index
        %get3A_425 = arith.constant 80 : index
        %get3A_426 = tpu.vector_load %arg10[%get3A_424, %get3A_425] {strides = array<i32>} : memref<80x128xf32, #tpu.memory_space<vmem>>, vector<16xf32>,
        %mul3A_427 = arith.mulf %get3A_426, %unpack3A_422 : vector<16xf32>
        %swap3A_428 = arith.index_cast %scan3A_300 : i32 to index
        %swap3A_429 = arith.constant 80 : index
        %swap3A_430 = tpu.vector_load %arg10[%swap3A_428, %swap3A_429] {strides = array<i32>} : memref<80x128xf32, #tpu.memory_space<vmem>>, vector<16xf32>,
        tpu.vector_store %arg10[%swap3A_428, %swap3A_429], %mul3A_427 {strides = array<i32>} : memref<80x128xf32, #tpu.memory_space<vmem>>, vector<16xf32>,
        %add3A_431 = arith.constant 40 : i32
        %add3A_432 = arith.addi %scan3A_300, %add3A_431 : i32
        %get3A_433 = arith.index_cast %add3A_432 : i32 to index
        %get3A_434 = arith.constant 80 : index
        %get3A_435 = tpu.vector_load %arg10[%get3A_433, %get3A_434] {strides = array<i32>} : memref<80x128xf32, #tpu.memory_space<vmem>>, vector<16xf32>,
        %mul3A_436 = arith.mulf %get3A_435, %unpack3A_423 : vector<16xf32>
        %add3A_437 = arith.constant 40 : i32
        %add3A_438 = arith.addi %scan3A_300, %add3A_437 : i32
        %swap3A_439 = arith.index_cast %add3A_438 : i32 to index
        %swap3A_440 = arith.constant 80 : index
        %swap3A_441 = tpu.vector_load %arg10[%swap3A_439, %swap3A_440] {strides = array<i32>} : memref<80x128xf32, #tpu.memory_space<vmem>>, vector<16xf32>,
        tpu.vector_store %arg10[%swap3A_439, %swap3A_440], %mul3A_436 {strides = array<i32>} : memref<80x128xf32, #tpu.memory_space<vmem>>, vector<16xf32>,
        %get3A_442 = arith.index_cast %scan3A_300 : i32 to index
        %get3A_443 = arith.constant 96 : index
        %get3A_444 = tpu.vector_load %arg12[%get3A_442, %get3A_443] {strides = array<i32>} : memref<40x128xi32, #tpu.memory_space<vmem>>, vector<16xi32>,
        %bitcast3A_445 = vector.bitcast %get3A_444 : vector<16xi32> to vector<32xbf16>
        %unpack3A_446 = tpu.unpack_subelements %bitcast3A_445, 0 {pack_format = #tpu.pack_format<interleaved>} : vector<32xbf16> -> vector<16xf32>
        %unpack3A_447 = tpu.unpack_subelements %bitcast3A_445, 1 {pack_format = #tpu.pack_format<interleaved>} : vector<32xbf16> -> vector<16xf32>
        %get3A_448 = arith.index_cast %scan3A_300 : i32 to index
        %get3A_449 = arith.constant 96 : index
        %get3A_450 = tpu.vector_load %arg10[%get3A_448, %get3A_449] {strides = array<i32>} : memref<80x128xf32, #tpu.memory_space<vmem>>, vector<16xf32>,
        %mul3A_451 = arith.mulf %get3A_450, %unpack3A_446 : vector<16xf32>
        %swap3A_452 = arith.index_cast %scan3A_300 : i32 to index
        %swap3A_453 = arith.constant 96 : index
        %swap3A_454 = tpu.vector_load %arg10[%swap3A_452, %swap3A_453] {strides = array<i32>} : memref<80x128xf32, #tpu.memory_space<vmem>>, vector<16xf32>,
        tpu.vector_store %arg10[%swap3A_452, %swap3A_453], %mul3A_451 {strides = array<i32>} : memref<80x128xf32, #tpu.memory_space<vmem>>, vector<16xf32>,
        %add3A_455 = arith.constant 40 : i32
        %add3A_456 = arith.addi %scan3A_300, %add3A_455 : i32
        %get3A_457 = arith.index_cast %add3A_456 : i32 to index
        %get3A_458 = arith.constant 96 : index
        %get3A_459 = tpu.vector_load %arg10[%get3A_457, %get3A_458] {strides = array<i32>} : memref<80x128xf32, #tpu.memory_space<vmem>>, vector<16xf32>,
        %mul3A_460 = arith.mulf %get3A_459, %unpack3A_447 : vector<16xf32>
        %add3A_461 = arith.constant 40 : i32
        %add3A_462 = arith.addi %scan3A_300, %add3A_461 : i32
        %swap3A_463 = arith.index_cast %add3A_462 : i32 to index
        %swap3A_464 = arith.constant 96 : index
        %swap3A_465 = tpu.vector_load %arg10[%swap3A_463, %swap3A_464] {strides = array<i32>} : memref<80x128xf32, #tpu.memory_space<vmem>>, vector<16xf32>,
        tpu.vector_store %arg10[%swap3A_463, %swap3A_464], %mul3A_460 {strides = array<i32>} : memref<80x128xf32, #tpu.memory_space<vmem>>, vector<16xf32>,
        %get3A_466 = arith.index_cast %scan3A_300 : i32 to index
        %get3A_467 = arith.constant 112 : index
        %get3A_468 = tpu.vector_load %arg12[%get3A_466, %get3A_467] {strides = array<i32>} : memref<40x128xi32, #tpu.memory_space<vmem>>, vector<16xi32>,
        %bitcast3A_469 = vector.bitcast %get3A_468 : vector<16xi32> to vector<32xbf16>
        %unpack3A_470 = tpu.unpack_subelements %bitcast3A_469, 0 {pack_format = #tpu.pack_format<interleaved>} : vector<32xbf16> -> vector<16xf32>
        %unpack3A_471 = tpu.unpack_subelements %bitcast3A_469, 1 {pack_format = #tpu.pack_format<interleaved>} : vector<32xbf16> -> vector<16xf32>
        %get3A_472 = arith.index_cast %scan3A_300 : i32 to index
        %get3A_473 = arith.constant 112 : index
        %get3A_474 = tpu.vector_load %arg10[%get3A_472, %get3A_473] {strides = array<i32>} : memref<80x128xf32, #tpu.memory_space<vmem>>, vector<16xf32>,
        %mul3A_475 = arith.mulf %get3A_474, %unpack3A_470 : vector<16xf32>
        %swap3A_476 = arith.index_cast %scan3A_300 : i32 to index
        %swap3A_477 = arith.constant 112 : index
        %swap3A_478 = tpu.vector_load %arg10[%swap3A_476, %swap3A_477] {strides = array<i32>} : memref<80x128xf32, #tpu.memory_space<vmem>>, vector<16xf32>,
        tpu.vector_store %arg10[%swap3A_476, %swap3A_477], %mul3A_475 {strides = array<i32>} : memref<80x128xf32, #tpu.memory_space<vmem>>, vector<16xf32>,
        %add3A_479 = arith.constant 40 : i32
        %add3A_480 = arith.addi %scan3A_300, %add3A_479 : i32
        %get3A_481 = arith.index_cast %add3A_480 : i32 to index
        %get3A_482 = arith.constant 112 : index
        %get3A_483 = tpu.vector_load %arg10[%get3A_481, %get3A_482] {strides = array<i32>} : memref<80x128xf32, #tpu.memory_space<vmem>>, vector<16xf32>,
        %mul3A_484 = arith.mulf %get3A_483, %unpack3A_471 : vector<16xf32>
        %add3A_485 = arith.constant 40 : i32
        %add3A_486 = arith.addi %scan3A_300, %add3A_485 : i32
        %swap3A_487 = arith.index_cast %add3A_486 : i32 to index
        %swap3A_488 = arith.constant 112 : index
        %swap3A_489 = tpu.vector_load %arg10[%swap3A_487, %swap3A_488] {strides = array<i32>} : memref<80x128xf32, #tpu.memory_space<vmem>>, vector<16xf32>,
        tpu.vector_store %arg10[%swap3A_487, %swap3A_488], %mul3A_484 {strides = array<i32>} : memref<80x128xf32, #tpu.memory_space<vmem>>, vector<16xf32>,
        %scan3A_490 = arith.constant 0 : i32
        scf.yield %scan3A_490 : i32
      }
      %scan3A_285 = arith.constant 40 : i32
      %dma_start3A_286 = arith.constant 1 : i32
      %dma_start3A_287 = arith.constant 0 : i32
      %dma_start3A_288 = tpu.memref_slice %arg8[%dma_start3A_286, %dma_start3A_287] : memref<2x80xi32, #tpu.memory_space<vmem>> -> memref<1x80xi32, #tpu.memory_space<vmem>>
      %dma_start3A_289 = tpu.memref_squeeze %dma_start3A_288 : memref<1x80xi32, #tpu.memory_space<vmem>> -> memref<80xi32, #tpu.memory_space<vmem>>
      %dma_start3A_290 = arith.constant 0 : i32
      %dma_start3A_291 = arith.constant 0 : i32
      %dma_start3A_292 = tpu.memref_slice %arg13[%dma_start3A_290, %dma_start3A_291] : memref<10000x128xf32, #tpu.memory_space<vmem_shared>> -> memref<10000x128xf32, #tpu.memory_space<vmem_shared>>
      tpu.enqueue_indirect_dma source(%arg10 : memref<80x128xf32, #tpu.memory_space<vmem>>) target(%dma_start3A_292 : memref<10000x128xf32, #tpu.memory_space<vmem_shared>>) offsets(%dma_start3A_289 : memref<80xi32, #tpu.memory_space<vmem>>) semaphore(%arg19 : memref<!tpu.dma_semaphore, #tpu.memory_space<semaphore_mem>>) {add = true}
      %add3A_293 = arith.constant 2 : i32
      %add3A_294 = arith.addi %add3A_265, %add3A_293 : i32
      %lt3A_295 = arith.cmpi slt, %add3A_294, %select_n3A : i32
      %convert_element_type3A_296 = arith.extui %lt3A_295 : i1 to i32
      %cond3A_297 = arith.constant 0 : i32
      %cond3A_298 = arith.cmpi ne, %convert_element_type3A_296, %cond3A_297 : i32
      scf.if %cond3A_298 {
        %dma_wait3A_300 = arith.constant 1 : i32
        %dma_wait3A_301 = arith.constant 0 : i32
        %dma_wait3A_302 = tpu.memref_slice %arg8[%dma_wait3A_300, %dma_wait3A_301] : memref<2x80xi32, #tpu.memory_space<vmem>> -> memref<1x80xi32, #tpu.memory_space<vmem>>
        %dma_wait3A_303 = tpu.memref_squeeze %dma_wait3A_302 : memref<1x80xi32, #tpu.memory_space<vmem>> -> memref<80xi32, #tpu.memory_space<vmem>>
        %dma_wait3A_304 = arith.constant 0 : i32
        %dma_wait3A_305 = arith.constant 0 : i32
        %dma_wait3A_306 = tpu.memref_slice %arg13[%dma_wait3A_304, %dma_wait3A_305] : memref<10000x128xf32, #tpu.memory_space<vmem_shared>> -> memref<10000x128xf32, #tpu.memory_space<vmem_shared>>
        tpu.wait_indirect_dma semaphore(%arg19 : memref<!tpu.dma_semaphore, #tpu.memory_space<semaphore_mem>>) src(%arg10 : memref<80x128xf32, #tpu.memory_space<vmem>>) dst(%dma_wait3A_306 : memref<10000x128xf32, #tpu.memory_space<vmem_shared>>)
        %dma_wait3A_307 = arith.constant 1 : i32
        %dma_wait3A_308 = arith.constant 0 : i32
        %dma_wait3A_309 = tpu.memref_slice %arg6[%dma_wait3A_307, %dma_wait3A_308] : memref<2x80xi32, #tpu.memory_space<vmem>> -> memref<1x40xi32, #tpu.memory_space<vmem>>
        %dma_wait3A_310 = tpu.memref_squeeze %dma_wait3A_309 : memref<1x40xi32, #tpu.memory_space<vmem>> -> memref<40xi32, #tpu.memory_space<vmem>>
        %dma_wait3A_311 = arith.constant 0 : i32
        %dma_wait3A_312 = tpu.memref_slice %arg4[%dma_wait3A_311] : memref<320000xi32, #tpu.memory_space<hbm>> -> memref<40xi32, #tpu.memory_space<hbm>>
        %dma_wait3A_313 = arith.constant 0 : i32
        %dma_wait3A_314 = tpu.memref_slice %arg6[%dma_wait3A_307, %dma_wait3A_313] : memref<2x80xi32, #tpu.memory_space<vmem>> -> memref<1x40xi32, #tpu.memory_space<vmem>>
        %dma_wait3A_315 = tpu.memref_squeeze %dma_wait3A_314 : memref<1x40xi32, #tpu.memory_space<vmem>> -> memref<40xi32, #tpu.memory_space<vmem>>
        %dma_wait3A_316 = arith.constant 0 : i32
        %dma_wait3A_317 = tpu.memref_slice %arg4[%dma_wait3A_316] : memref<320000xi32, #tpu.memory_space<hbm>> -> memref<40xi32, #tpu.memory_space<hbm>>
        tpu.wait_dma2 semaphore(%arg21 : memref<!tpu.dma_semaphore, #tpu.memory_space<semaphore_mem>>) src(%dma_wait3A_317 : memref<40xi32, #tpu.memory_space<hbm>>) dst(%dma_wait3A_315 : memref<40xi32, #tpu.memory_space<vmem>>)
        %dma_wait3A_318 = arith.constant 1 : i32
        %dma_wait3A_319 = arith.constant 40 : i32
        %dma_wait3A_320 = tpu.memref_slice %arg6[%dma_wait3A_318, %dma_wait3A_319] : memref<2x80xi32, #tpu.memory_space<vmem>> -> memref<1x40xi32, #tpu.memory_space<vmem>>
        %dma_wait3A_321 = tpu.memref_squeeze %dma_wait3A_320 : memref<1x40xi32, #tpu.memory_space<vmem>> -> memref<40xi32, #tpu.memory_space<vmem>>
        %dma_wait3A_322 = arith.constant 0 : i32
        %dma_wait3A_323 = tpu.memref_slice %arg4[%dma_wait3A_322] : memref<320000xi32, #tpu.memory_space<hbm>> -> memref<40xi32, #tpu.memory_space<hbm>>
        %dma_wait3A_324 = arith.constant 40 : i32
        %dma_wait3A_325 = tpu.memref_slice %arg6[%dma_wait3A_318, %dma_wait3A_324] : memref<2x80xi32, #tpu.memory_space<vmem>> -> memref<1x40xi32, #tpu.memory_space<vmem>>
        %dma_wait3A_326 = tpu.memref_squeeze %dma_wait3A_325 : memref<1x40xi32, #tpu.memory_space<vmem>> -> memref<40xi32, #tpu.memory_space<vmem>>
        %dma_wait3A_327 = arith.constant 0 : i32
        %dma_wait3A_328 = tpu.memref_slice %arg4[%dma_wait3A_327] : memref<320000xi32, #tpu.memory_space<hbm>> -> memref<40xi32, #tpu.memory_space<hbm>>
        tpu.wait_dma2 semaphore(%arg21 : memref<!tpu.dma_semaphore, #tpu.memory_space<semaphore_mem>>) src(%dma_wait3A_328 : memref<40xi32, #tpu.memory_space<hbm>>) dst(%dma_wait3A_326 : memref<40xi32, #tpu.memory_space<vmem>>)
        %scan3A_329 = arith.constant 0 : i32
        %scan3A_330 = arith.constant 0 : i32
        %scan3A_331 = arith.constant 5 : i32
        %scan3A_332 = arith.addi %scan3A_330, %scan3A_331 : i32
        %scan3A_333 = arith.constant 1 : i32
        %scan3A_334 = scf.for %scan3A_356 = %scan3A_330 to %scan3A_332 step %scan3A_333 iter_args(%scan3A_357 = %scan3A_329) -> (i32)  : i32 {
          %mul3A_358 = arith.constant 16 : i32
          %mul3A_359 = arith.muli %scan3A_356, %mul3A_358 : i32
          %get3A = arith.constant 1 : i32
          %get3A_360 = arith.index_cast %get3A : i32 to index
          %get3A_361 = arith.index_cast %mul3A_359 : i32 to index
          %get3A_362 = tpu.vector_load %arg6[%get3A_360, %get3A_361] {strides = array<i32>} : memref<2x80xi32, #tpu.memory_space<vmem>>, vector<16xi32>,
          %mul3A_363 = arith.constant 16 : i32
          %mul3A_364 = arith.muli %scan3A_356, %mul3A_363 : i32
          %shift_right_logical3A = arith.constant 14 : i32
          %shift_right_logical3A_365 = vector.broadcast %shift_right_logical3A : i32 to vector<16xi32>
          %shift_right_logical3A_366 = arith.shrui %get3A_362, %shift_right_logical3A_365 : vector<16xi32>
          %swap3A = arith.constant 1 : i32
          %swap3A_367 = arith.index_cast %swap3A : i32 to index
          %swap3A_368 = arith.index_cast %mul3A_364 : i32 to index
          %swap3A_369 = tpu.vector_load %arg7[%swap3A_367, %swap3A_368] {strides = array<i32>} : memref<2x80xi32, #tpu.memory_space<vmem>>, vector<16xi32>,
          tpu.vector_store %arg7[%swap3A_367, %swap3A_368], %shift_right_logical3A_366 {strides = array<i32>} : memref<2x80xi32, #tpu.memory_space<vmem>>, vector<16xi32>,
          %and3A = arith.constant 16383 : i32
          %and3A_370 = vector.broadcast %and3A : i32 to vector<16xi32>
          %and3A_371 = arith.andi %get3A_362, %and3A_370 : vector<16xi32>
          %swap3A_372 = arith.constant 1 : i32
          %swap3A_373 = arith.index_cast %swap3A_372 : i32 to index
          %swap3A_374 = arith.index_cast %mul3A_364 : i32 to index
          %swap3A_375 = tpu.vector_load %arg8[%swap3A_373, %swap3A_374] {strides = array<i32>} : memref<2x80xi32, #tpu.memory_space<vmem>>, vector<16xi32>,
          tpu.vector_store %arg8[%swap3A_373, %swap3A_374], %and3A_371 {strides = array<i32>} : memref<2x80xi32, #tpu.memory_space<vmem>>, vector<16xi32>,
          %scan3A_376 = arith.constant 0 : i32
          scf.yield %scan3A_376 : i32
        }
        %scan3A_335 = arith.constant 5 : i32
        %dma_start3A_336 = arith.constant 1 : i32
        %dma_start3A_337 = arith.constant 0 : i32
        %dma_start3A_338 = tpu.memref_slice %arg7[%dma_start3A_336, %dma_start3A_337] : memref<2x80xi32, #tpu.memory_space<vmem>> -> memref<1x80xi32, #tpu.memory_space<vmem>>
        %dma_start3A_339 = tpu.memref_squeeze %dma_start3A_338 : memref<1x80xi32, #tpu.memory_space<vmem>> -> memref<80xi32, #tpu.memory_space<vmem>>
        %dma_start3A_340 = arith.constant 0 : i32
        %dma_start3A_341 = arith.constant 0 : i32
        %dma_start3A_342 = tpu.memref_slice %arg2[%dma_start3A_340, %dma_start3A_341] : memref<10000x128xf32, #tpu.memory_space<hbm>> -> memref<10000x128xf32, #tpu.memory_space<hbm>>
        tpu.enqueue_indirect_dma source(%dma_start3A_342 : memref<10000x128xf32, #tpu.memory_space<hbm>>) target(%arg10 : memref<80x128xf32, #tpu.memory_space<vmem>>) offsets(%dma_start3A_339 : memref<80xi32, #tpu.memory_space<vmem>>) semaphore(%arg15 : memref<!tpu.dma_semaphore, #tpu.memory_space<semaphore_mem>>)
        %add3A_343 = arith.addi %select_n3A_36, %add3A_294 : i32
        %mul3A_344 = arith.constant 40 : i32
        %mul3A_345 = arith.muli %add3A_343, %mul3A_344 : i32
        %dma_start3A_346 = arith.constant 0 : i32
        %dma_start3A_347 = tpu.memref_slice %arg3[%mul3A_345, %dma_start3A_346] : memref<160000x128xi32, #tpu.memory_space<hbm>> -> memref<40x128xi32, #tpu.memory_space<hbm>>
        %dma_start3A_348 = arith.constant 0 : i32
        %dma_start3A_349 = tpu.memref_slice %arg3[%mul3A_345, %dma_start3A_348] : memref<160000x128xi32, #tpu.memory_space<hbm>> -> memref<40x128xi32, #tpu.memory_space<hbm>>
        tpu.enqueue_dma source(%dma_start3A_349 : memref<40x128xi32, #tpu.memory_space<hbm>>) target(%arg12 : memref<40x128xi32, #tpu.memory_space<vmem>>) target_semaphore(%arg17 : memref<!tpu.dma_semaphore, #tpu.memory_space<semaphore_mem>>)
        %add3A_350 = arith.constant 2 : i32
        %add3A_351 = arith.addi %add3A_294, %add3A_350 : i32
        %lt3A_352 = arith.cmpi slt, %add3A_351, %select_n3A : i32
        %convert_element_type3A_353 = arith.extui %lt3A_352 : i1 to i32
        %cond3A_354 = arith.constant 0 : i32
        %cond3A_355 = arith.cmpi ne, %convert_element_type3A_353, %cond3A_354 : i32
        scf.if %cond3A_355 {
          %add3A_356 = arith.constant 2 : i32
          %add3A_357 = arith.addi %add3A_294, %add3A_356 : i32
          %add3A_358 = arith.addi %select_n3A_36, %add3A_357 : i32
          %mul3A_359 = arith.constant 40 : i32
          %mul3A_360 = arith.muli %add3A_358, %mul3A_359 : i32
          %dma_start3A_361 = arith.constant 1 : i32
          %dma_start3A_362 = arith.constant 0 : i32
          %dma_start3A_363 = tpu.memref_slice %arg6[%dma_start3A_361, %dma_start3A_362] : memref<2x80xi32, #tpu.memory_space<vmem>> -> memref<1x40xi32, #tpu.memory_space<vmem>>
          %dma_start3A_364 = tpu.memref_squeeze %dma_start3A_363 : memref<1x40xi32, #tpu.memory_space<vmem>> -> memref<40xi32, #tpu.memory_space<vmem>>
          %dma_start3A_365 = tpu.memref_slice %arg4[%mul3A_360] : memref<320000xi32, #tpu.memory_space<hbm>> -> memref<40xi32, #tpu.memory_space<hbm>>
          %dma_start3A_366 = arith.constant 0 : i32
          %dma_start3A_367 = tpu.memref_slice %arg6[%dma_start3A_361, %dma_start3A_366] : memref<2x80xi32, #tpu.memory_space<vmem>> -> memref<1x40xi32, #tpu.memory_space<vmem>>
          %dma_start3A_368 = tpu.memref_squeeze %dma_start3A_367 : memref<1x40xi32, #tpu.memory_space<vmem>> -> memref<40xi32, #tpu.memory_space<vmem>>
          %dma_start3A_369 = tpu.memref_slice %arg4[%mul3A_360] : memref<320000xi32, #tpu.memory_space<hbm>> -> memref<40xi32, #tpu.memory_space<hbm>>
          tpu.enqueue_dma source(%dma_start3A_369 : memref<40xi32, #tpu.memory_space<hbm>>) target(%dma_start3A_368 : memref<40xi32, #tpu.memory_space<vmem>>) target_semaphore(%arg21 : memref<!tpu.dma_semaphore, #tpu.memory_space<semaphore_mem>>)
          %add3A_370 = arith.addi %select_n3A_36, %add3A_357 : i32
          %mul3A_371 = arith.constant 40 : i32
          %mul3A_372 = arith.muli %add3A_370, %mul3A_371 : i32
          %add3A_373 = arith.constant 160000 : i32
          %add3A_374 = arith.addi %add3A_373, %mul3A_372 : i32
          %dma_start3A_375 = arith.constant 1 : i32
          %dma_start3A_376 = arith.constant 40 : i32
          %dma_start3A_377 = tpu.memref_slice %arg6[%dma_start3A_375, %dma_start3A_376] : memref<2x80xi32, #tpu.memory_space<vmem>> -> memref<1x40xi32, #tpu.memory_space<vmem>>
          %dma_start3A_378 = tpu.memref_squeeze %dma_start3A_377 : memref<1x40xi32, #tpu.memory_space<vmem>> -> memref<40xi32, #tpu.memory_space<vmem>>
          %dma_start3A_379 = tpu.memref_slice %arg4[%add3A_374] : memref<320000xi32, #tpu.memory_space<hbm>> -> memref<40xi32, #tpu.memory_space<hbm>>
          %dma_start3A_380 = arith.constant 40 : i32
          %dma_start3A_381 = tpu.memref_slice %arg6[%dma_start3A_375, %dma_start3A_380] : memref<2x80xi32, #tpu.memory_space<vmem>> -> memref<1x40xi32, #tpu.memory_space<vmem>>
          %dma_start3A_382 = tpu.memref_squeeze %dma_start3A_381 : memref<1x40xi32, #tpu.memory_space<vmem>> -> memref<40xi32, #tpu.memory_space<vmem>>
          %dma_start3A_383 = tpu.memref_slice %arg4[%add3A_374] : memref<320000xi32, #tpu.memory_space<hbm>> -> memref<40xi32, #tpu.memory_space<hbm>>
          tpu.enqueue_dma source(%dma_start3A_383 : memref<40xi32, #tpu.memory_space<hbm>>) target(%dma_start3A_382 : memref<40xi32, #tpu.memory_space<vmem>>) target_semaphore(%arg21 : memref<!tpu.dma_semaphore, #tpu.memory_space<semaphore_mem>>)
        } else {
        }
      } else {
      }
      %while3A_299 = arith.constant 0 : i32
      scf.yield %while3A_299 : i32
    }
    %dma_wait3A_208 = arith.constant 0 : i32
    %dma_wait3A_209 = arith.constant 0 : i32
    %dma_wait3A_210 = tpu.memref_slice %arg8[%dma_wait3A_208, %dma_wait3A_209] : memref<2x80xi32, #tpu.memory_space<vmem>> -> memref<1x80xi32, #tpu.memory_space<vmem>>
    %dma_wait3A_211 = tpu.memref_squeeze %dma_wait3A_210 : memref<1x80xi32, #tpu.memory_space<vmem>> -> memref<80xi32, #tpu.memory_space<vmem>>
    %dma_wait3A_212 = arith.constant 0 : i32
    %dma_wait3A_213 = arith.constant 0 : i32
    %dma_wait3A_214 = tpu.memref_slice %arg13[%dma_wait3A_212, %dma_wait3A_213] : memref<10000x128xf32, #tpu.memory_space<vmem_shared>> -> memref<10000x128xf32, #tpu.memory_space<vmem_shared>>
    tpu.wait_indirect_dma semaphore(%arg18 : memref<!tpu.dma_semaphore, #tpu.memory_space<semaphore_mem>>) src(%arg9 : memref<80x128xf32, #tpu.memory_space<vmem>>) dst(%dma_wait3A_214 : memref<10000x128xf32, #tpu.memory_space<vmem_shared>>)
    %dma_wait3A_215 = arith.constant 1 : i32
    %dma_wait3A_216 = arith.constant 0 : i32
    %dma_wait3A_217 = tpu.memref_slice %arg8[%dma_wait3A_215, %dma_wait3A_216] : memref<2x80xi32, #tpu.memory_space<vmem>> -> memref<1x80xi32, #tpu.memory_space<vmem>>
    %dma_wait3A_218 = tpu.memref_squeeze %dma_wait3A_217 : memref<1x80xi32, #tpu.memory_space<vmem>> -> memref<80xi32, #tpu.memory_space<vmem>>
    %dma_wait3A_219 = arith.constant 0 : i32
    %dma_wait3A_220 = arith.constant 0 : i32
    %dma_wait3A_221 = tpu.memref_slice %arg13[%dma_wait3A_219, %dma_wait3A_220] : memref<10000x128xf32, #tpu.memory_space<vmem_shared>> -> memref<10000x128xf32, #tpu.memory_space<vmem_shared>>
    tpu.wait_indirect_dma semaphore(%arg19 : memref<!tpu.dma_semaphore, #tpu.memory_space<semaphore_mem>>) src(%arg10 : memref<80x128xf32, #tpu.memory_space<vmem>>) dst(%dma_wait3A_221 : memref<10000x128xf32, #tpu.memory_space<vmem_shared>>)
    %barrier3A_222 = arith.constant 0 : index
    tpu.barrier barrier_id(%barrier3A_222)
    "tpu.region"() ({
      %run_scoped3A = tpu.sem_alloc : memref<!tpu.dma_semaphore, #tpu.memory_space<semaphore_mem>>
      %dma_start3A_223 = arith.constant 0 : i32
      %dma_start3A_224 = tpu.memref_slice %arg5[%arg0, %min3A_9, %dma_start3A_223] : memref<2x10000x128xf32, #tpu.memory_space<hbm>> -> memref<1x632x128xf32, #tpu.memory_space<hbm>>
      %dma_start3A_225 = tpu.memref_squeeze %dma_start3A_224 : memref<1x632x128xf32, #tpu.memory_space<hbm>> -> memref<632x128xf32, #tpu.memory_space<hbm>>
      %dma_start3A_226 = arith.constant 0 : i32
      %dma_start3A_227 = tpu.memref_slice %arg13[%min3A_9, %dma_start3A_226] : memref<10000x128xf32, #tpu.memory_space<vmem_shared>> -> memref<632x128xf32, #tpu.memory_space<vmem_shared>>
      tpu.enqueue_dma source(%dma_start3A_227 : memref<632x128xf32, #tpu.memory_space<vmem_shared>>) target(%dma_start3A_225 : memref<632x128xf32, #tpu.memory_space<hbm>>) target_semaphore(%run_scoped3A : memref<!tpu.dma_semaphore, #tpu.memory_space<semaphore_mem>>)
      %dma_wait3A_228 = arith.constant 0 : i32
      %dma_wait3A_229 = tpu.memref_slice %arg5[%arg0, %min3A_9, %dma_wait3A_228] : memref<2x10000x128xf32, #tpu.memory_space<hbm>> -> memref<1x632x128xf32, #tpu.memory_space<hbm>>
      %dma_wait3A_230 = tpu.memref_squeeze %dma_wait3A_229 : memref<1x632x128xf32, #tpu.memory_space<hbm>> -> memref<632x128xf32, #tpu.memory_space<hbm>>
      %dma_wait3A_231 = arith.constant 0 : i32
      %dma_wait3A_232 = tpu.memref_slice %arg13[%min3A_9, %dma_wait3A_231] : memref<10000x128xf32, #tpu.memory_space<vmem_shared>> -> memref<632x128xf32, #tpu.memory_space<vmem_shared>>
      tpu.wait_dma2 semaphore(%run_scoped3A : memref<!tpu.dma_semaphore, #tpu.memory_space<semaphore_mem>>) src(%dma_wait3A_232 : memref<632x128xf32, #tpu.memory_space<vmem_shared>>) dst(%dma_wait3A_230 : memref<632x128xf32, #tpu.memory_space<hbm>>)
      tpu.yield
    }) : () -> ()
    return
  }
}

module attributes {stable_mosaic.version = 14 : i64} {
  func.func @_mm_node_body(%arg0: i32, %arg1: memref<2000x128xf32, #tpu.memory_space<vmem>>, %arg2: memref<128x128xf32, #tpu.memory_space<vmem>>, %arg3: memref<2000x128xf32, #tpu.memory_space<vmem>>) attributes {dimension_semantics = [#tpu.dimension_semantics<arbitrary>], iteration_bounds = array<i64: 5>, scalar_prefetch = 0 : i64, scratch_operands = 0 : i64, tpu.core_type = #tpu.core_type<tc>, window_params = [{transform_indices = @transform_0, window_bounds = array<i64: 2000, 128>}, {pipeline_mode = #tpu.pipeline_mode<synchronous>, transform_indices = @transform_1, window_bounds = array<i64: 128, 128>}, {transform_indices = @transform_2, window_bounds = array<i64: 2000, 128>}]} {
    %get3A = arith.constant 0 : index
    %get3A_0 = arith.constant 0 : index
    %get3A_1 = vector.load %arg1[%get3A, %get3A_0] : memref<2000x128xf32, #tpu.memory_space<vmem>>, vector<2000x128xf32>
    %get3A_2 = arith.constant 0 : index
    %get3A_3 = arith.constant 0 : index
    %get3A_4 = vector.load %arg2[%get3A_2, %get3A_3] : memref<128x128xf32, #tpu.memory_space<vmem>>, vector<128x128xf32>
    %dot_general3A = arith.constant dense<0.000000e+00> : vector<2000x128xf32>
    %dot_general3A_5 = tpu.matmul %get3A_1, %get3A_4, %dot_general3A {dimension_numbers = #tpu.dot_dimension_numbers<[1], [0], [0], [1], [0, 0, 1, 1], [], []>, transpose_lhs_hint = false} : vector<2000x128xf32>, vector<128x128xf32>, vector<2000x128xf32> -> vector<2000x128xf32>
    %swap3A = arith.constant 0 : index
    %swap3A_6 = arith.constant 0 : index
    %swap3A_7 = vector.load %arg3[%swap3A, %swap3A_6] : memref<2000x128xf32, #tpu.memory_space<vmem>>, vector<2000x128xf32>
    tpu.vector_store %arg3[%swap3A, %swap3A_6], %dot_general3A_5 {strides = array<i32>} : memref<2000x128xf32, #tpu.memory_space<vmem>>, vector<2000x128xf32>,
    return
  }
  func.func @transform_0(%arg0: i32) -> (i32, i32) {
    %c0_i32 = arith.constant 0 : i32
    %c0_i32_0 = arith.constant 0 : i32
    return %arg0, %c0_i32 : i32, i32
  }
  func.func @transform_1(%arg0: i32) -> (i32, i32) {
    %c0_i32 = arith.constant 0 : i32
    %c0_i32_0 = arith.constant 0 : i32
    %c0_i32_1 = arith.constant 0 : i32
    return %c0_i32, %c0_i32_0 : i32, i32
  }
  func.func @transform_2(%arg0: i32) -> (i32, i32) {
    %c0_i32 = arith.constant 0 : i32
    %c0_i32_0 = arith.constant 0 : i32
    return %arg0, %c0_i32 : i32, i32
  }
}

module attributes {stable_mosaic.version = 14 : i64} {
  func.func @_edge_body(%arg0: i32, %arg1: memref<2000x16xf32, #tpu.memory_space<vmem>>, %arg2: memref<2000x16xf32, #tpu.memory_space<vmem>>, %arg3: memref<16x128xf32, #tpu.memory_space<vmem>>, %arg4: memref<1x128xf32, #tpu.memory_space<vmem>>, %arg5: memref<128x128xf32, #tpu.memory_space<vmem>>, %arg6: memref<1x128xf32, #tpu.memory_space<vmem>>, %arg7: memref<2000x128xi32, #tpu.memory_space<vmem>>) attributes {dimension_semantics = [#tpu.dimension_semantics<arbitrary>], iteration_bounds = array<i64: 80>, scalar_prefetch = 0 : i64, scratch_operands = 0 : i64, tpu.core_type = #tpu.core_type<tc>, window_params = [{transform_indices = @transform_0, window_bounds = array<i64: 2000, 16>}, {transform_indices = @transform_1, window_bounds = array<i64: 2000, 16>}, {pipeline_mode = #tpu.pipeline_mode<synchronous>, transform_indices = @transform_2, window_bounds = array<i64: 16, 128>}, {pipeline_mode = #tpu.pipeline_mode<synchronous>, transform_indices = @transform_3, window_bounds = array<i64: 1, 128>}, {pipeline_mode = #tpu.pipeline_mode<synchronous>, transform_indices = @transform_4, window_bounds = array<i64: 128, 128>}, {pipeline_mode = #tpu.pipeline_mode<synchronous>, transform_indices = @transform_5, window_bounds = array<i64: 1, 128>}, {transform_indices = @transform_6, window_bounds = array<i64: 2000, 128>}]} {
    %get3A = arith.constant 0 : index
    %get3A_0 = arith.constant 0 : index
    %get3A_1 = vector.load %arg1[%get3A, %get3A_0] : memref<2000x16xf32, #tpu.memory_space<vmem>>, vector<2000x16xf32>
    %get3A_2 = arith.constant 0 : index
    %get3A_3 = arith.constant 0 : index
    %get3A_4 = vector.load %arg3[%get3A_2, %get3A_3] : memref<16x128xf32, #tpu.memory_space<vmem>>, vector<16x128xf32>
    %get3A_5 = arith.constant 0 : index
    %get3A_6 = arith.constant 0 : index
    %get3A_7 = vector.load %arg4[%get3A_5, %get3A_6] : memref<1x128xf32, #tpu.memory_space<vmem>>, vector<1x128xf32>
    %get3A_8 = arith.constant 0 : index
    %get3A_9 = arith.constant 0 : index
    %get3A_10 = vector.load %arg5[%get3A_8, %get3A_9] : memref<128x128xf32, #tpu.memory_space<vmem>>, vector<128x128xf32>
    %get3A_11 = arith.constant 0 : index
    %get3A_12 = arith.constant 0 : index
    %get3A_13 = vector.load %arg6[%get3A_11, %get3A_12] : memref<1x128xf32, #tpu.memory_space<vmem>>, vector<1x128xf32>
    %dot_general3A = arith.constant dense<0.000000e+00> : vector<2000x128xf32>
    %dot_general3A_14 = tpu.matmul %get3A_1, %get3A_4, %dot_general3A {dimension_numbers = #tpu.dot_dimension_numbers<[1], [0], [0], [1], [0, 0, 1, 1], [], []>, transpose_lhs_hint = false} : vector<2000x16xf32>, vector<16x128xf32>, vector<2000x128xf32> -> vector<2000x128xf32>
    %add3A = vector.broadcast %get3A_7 : vector<1x128xf32> to vector<2000x128xf32>
    %add3A_15 = arith.addf %dot_general3A_14, %add3A : vector<2000x128xf32>
    %ge3A = arith.constant 0.000000e+00 : f32
    %ge3A_16 = vector.broadcast %ge3A : f32 to vector<2000x128xf32>
    %ge3A_17 = arith.cmpf oge, %add3A_15, %ge3A_16 : vector<2000x128xf32>
    %mul3A = arith.constant 0.00999999977 : f32
    %mul3A_18 = vector.broadcast %mul3A : f32 to vector<2000x128xf32>
    %mul3A_19 = arith.mulf %add3A_15, %mul3A_18 : vector<2000x128xf32>
    %select_n3A = arith.select %ge3A_17, %add3A_15, %mul3A_19 : vector<2000x128xi1>, vector<2000x128xf32>
    %dot_general3A_20 = arith.constant dense<0.000000e+00> : vector<2000x128xf32>
    %dot_general3A_21 = tpu.matmul %select_n3A, %get3A_10, %dot_general3A_20 {dimension_numbers = #tpu.dot_dimension_numbers<[1], [0], [0], [1], [0, 0, 1, 1], [], []>, transpose_lhs_hint = false} : vector<2000x128xf32>, vector<128x128xf32>, vector<2000x128xf32> -> vector<2000x128xf32>
    %add3A_22 = vector.broadcast %get3A_13 : vector<1x128xf32> to vector<2000x128xf32>
    %add3A_23 = arith.addf %dot_general3A_21, %add3A_22 : vector<2000x128xf32>
    %ge3A_24 = arith.constant 0.000000e+00 : f32
    %ge3A_25 = vector.broadcast %ge3A_24 : f32 to vector<2000x128xf32>
    %ge3A_26 = arith.cmpf oge, %add3A_23, %ge3A_25 : vector<2000x128xf32>
    %mul3A_27 = arith.constant 0.00999999977 : f32
    %mul3A_28 = vector.broadcast %mul3A_27 : f32 to vector<2000x128xf32>
    %mul3A_29 = arith.mulf %add3A_23, %mul3A_28 : vector<2000x128xf32>
    %select_n3A_30 = arith.select %ge3A_26, %add3A_23, %mul3A_29 : vector<2000x128xi1>, vector<2000x128xf32>
    %get3A_31 = arith.constant 0 : index
    %get3A_32 = arith.constant 0 : index
    %get3A_33 = vector.load %arg2[%get3A_31, %get3A_32] : memref<2000x16xf32, #tpu.memory_space<vmem>>, vector<2000x16xf32>
    %get3A_34 = arith.constant 0 : index
    %get3A_35 = arith.constant 0 : index
    %get3A_36 = vector.load %arg3[%get3A_34, %get3A_35] : memref<16x128xf32, #tpu.memory_space<vmem>>, vector<16x128xf32>
    %get3A_37 = arith.constant 0 : index
    %get3A_38 = arith.constant 0 : index
    %get3A_39 = vector.load %arg4[%get3A_37, %get3A_38] : memref<1x128xf32, #tpu.memory_space<vmem>>, vector<1x128xf32>
    %get3A_40 = arith.constant 0 : index
    %get3A_41 = arith.constant 0 : index
    %get3A_42 = vector.load %arg5[%get3A_40, %get3A_41] : memref<128x128xf32, #tpu.memory_space<vmem>>, vector<128x128xf32>
    %get3A_43 = arith.constant 0 : index
    %get3A_44 = arith.constant 0 : index
    %get3A_45 = vector.load %arg6[%get3A_43, %get3A_44] : memref<1x128xf32, #tpu.memory_space<vmem>>, vector<1x128xf32>
    %dot_general3A_46 = arith.constant dense<0.000000e+00> : vector<2000x128xf32>
    %dot_general3A_47 = tpu.matmul %get3A_33, %get3A_36, %dot_general3A_46 {dimension_numbers = #tpu.dot_dimension_numbers<[1], [0], [0], [1], [0, 0, 1, 1], [], []>, transpose_lhs_hint = false} : vector<2000x16xf32>, vector<16x128xf32>, vector<2000x128xf32> -> vector<2000x128xf32>
    %add3A_48 = vector.broadcast %get3A_39 : vector<1x128xf32> to vector<2000x128xf32>
    %add3A_49 = arith.addf %dot_general3A_47, %add3A_48 : vector<2000x128xf32>
    %ge3A_50 = arith.constant 0.000000e+00 : f32
    %ge3A_51 = vector.broadcast %ge3A_50 : f32 to vector<2000x128xf32>
    %ge3A_52 = arith.cmpf oge, %add3A_49, %ge3A_51 : vector<2000x128xf32>
    %mul3A_53 = arith.constant 0.00999999977 : f32
    %mul3A_54 = vector.broadcast %mul3A_53 : f32 to vector<2000x128xf32>
    %mul3A_55 = arith.mulf %add3A_49, %mul3A_54 : vector<2000x128xf32>
    %select_n3A_56 = arith.select %ge3A_52, %add3A_49, %mul3A_55 : vector<2000x128xi1>, vector<2000x128xf32>
    %dot_general3A_57 = arith.constant dense<0.000000e+00> : vector<2000x128xf32>
    %dot_general3A_58 = tpu.matmul %select_n3A_56, %get3A_42, %dot_general3A_57 {dimension_numbers = #tpu.dot_dimension_numbers<[1], [0], [0], [1], [0, 0, 1, 1], [], []>, transpose_lhs_hint = false} : vector<2000x128xf32>, vector<128x128xf32>, vector<2000x128xf32> -> vector<2000x128xf32>
    %add3A_59 = vector.broadcast %get3A_45 : vector<1x128xf32> to vector<2000x128xf32>
    %add3A_60 = arith.addf %dot_general3A_58, %add3A_59 : vector<2000x128xf32>
    %ge3A_61 = arith.constant 0.000000e+00 : f32
    %ge3A_62 = vector.broadcast %ge3A_61 : f32 to vector<2000x128xf32>
    %ge3A_63 = arith.cmpf oge, %add3A_60, %ge3A_62 : vector<2000x128xf32>
    %mul3A_64 = arith.constant 0.00999999977 : f32
    %mul3A_65 = vector.broadcast %mul3A_64 : f32 to vector<2000x128xf32>
    %mul3A_66 = arith.mulf %add3A_60, %mul3A_65 : vector<2000x128xf32>
    %select_n3A_67 = arith.select %ge3A_63, %add3A_60, %mul3A_66 : vector<2000x128xi1>, vector<2000x128xf32>
    %convert_element_type3A = arith.truncf %select_n3A_30 : vector<2000x128xf32> to vector<2000x128xbf16>
    %bitcast_convert_type3A = tpu.bitcast %convert_element_type3A : vector<2000x128xbf16> -> vector<2000x128xi16>
    %convert_element_type3A_68 = arith.extui %bitcast_convert_type3A : vector<2000x128xi16> to vector<2000x128xi32>
    %convert_element_type3A_69 = arith.truncf %select_n3A_67 : vector<2000x128xf32> to vector<2000x128xbf16>
    %bitcast_convert_type3A_70 = tpu.bitcast %convert_element_type3A_69 : vector<2000x128xbf16> -> vector<2000x128xi16>
    %convert_element_type3A_71 = arith.extui %bitcast_convert_type3A_70 : vector<2000x128xi16> to vector<2000x128xi32>
    %shift_left3A = arith.constant 16 : i32
    %shift_left3A_72 = vector.broadcast %shift_left3A : i32 to vector<2000x128xi32>
    %shift_left3A_73 = arith.shli %convert_element_type3A_71, %shift_left3A_72 : vector<2000x128xi32>
    %or3A = arith.ori %convert_element_type3A_68, %shift_left3A_73 : vector<2000x128xi32>
    %bitcast_convert_type3A_74 = tpu.bitcast %or3A : vector<2000x128xi32> -> vector<2000x128xi32>
    %swap3A = arith.constant 0 : index
    %swap3A_75 = arith.constant 0 : index
    %swap3A_76 = vector.load %arg7[%swap3A, %swap3A_75] : memref<2000x128xi32, #tpu.memory_space<vmem>>, vector<2000x128xi32>
    tpu.vector_store %arg7[%swap3A, %swap3A_75], %bitcast_convert_type3A_74 {strides = array<i32>} : memref<2000x128xi32, #tpu.memory_space<vmem>>, vector<2000x128xi32>,
    return
  }
  func.func @transform_0(%arg0: i32) -> (i32, i32) {
    %c0_i32 = arith.constant 0 : i32
    %c0_i32_0 = arith.constant 0 : i32
    return %arg0, %c0_i32 : i32, i32
  }
  func.func @transform_1(%arg0: i32) -> (i32, i32) {
    %add3A = arith.constant 80 : i32
    %add3A_0 = arith.addi %arg0, %add3A : i32
    %c0_i32 = arith.constant 0 : i32
    %c0_i32_1 = arith.constant 0 : i32
    return %add3A_0, %c0_i32 : i32, i32
  }
  func.func @transform_2(%arg0: i32) -> (i32, i32) {
    %c0_i32 = arith.constant 0 : i32
    %c0_i32_0 = arith.constant 0 : i32
    %c0_i32_1 = arith.constant 0 : i32
    return %c0_i32, %c0_i32_0 : i32, i32
  }
  func.func @transform_3(%arg0: i32) -> (i32, i32) {
    %c0_i32 = arith.constant 0 : i32
    %c0_i32_0 = arith.constant 0 : i32
    %c0_i32_1 = arith.constant 0 : i32
    return %c0_i32, %c0_i32_0 : i32, i32
  }
  func.func @transform_4(%arg0: i32) -> (i32, i32) {
    %c0_i32 = arith.constant 0 : i32
    %c0_i32_0 = arith.constant 0 : i32
    %c0_i32_1 = arith.constant 0 : i32
    return %c0_i32, %c0_i32_0 : i32, i32
  }
  func.func @transform_5(%arg0: i32) -> (i32, i32) {
    %c0_i32 = arith.constant 0 : i32
    %c0_i32_0 = arith.constant 0 : i32
    %c0_i32_1 = arith.constant 0 : i32
    return %c0_i32, %c0_i32_0 : i32, i32
  }
  func.func @transform_6(%arg0: i32) -> (i32, i32) {
    %c0_i32 = arith.constant 0 : i32
    %c0_i32_0 = arith.constant 0 : i32
    return %arg0, %c0_i32 : i32, i32
  }
}

module attributes {stable_mosaic.version = 14 : i64} {
  func.func @_psum_body(%arg0: i32, %arg1: memref<2x2000x128xf32, #tpu.memory_space<vmem>>, %arg2: memref<2000x128xf32, #tpu.memory_space<vmem>>) attributes {dimension_semantics = [#tpu.dimension_semantics<arbitrary>], iteration_bounds = array<i64: 5>, scalar_prefetch = 0 : i64, scratch_operands = 0 : i64, tpu.core_type = #tpu.core_type<tc>, window_params = [{transform_indices = @transform_0, window_bounds = array<i64: 2, 2000, 128>}, {transform_indices = @transform_1, window_bounds = array<i64: 2000, 128>}]} {
    %get3A = arith.constant 0 : index
    %get3A_0 = arith.constant 0 : index
    %get3A_1 = arith.constant 0 : index
    %get3A_2 = vector.load %arg1[%get3A, %get3A_0, %get3A_1] : memref<2x2000x128xf32, #tpu.memory_space<vmem>>, vector<1x2000x128xf32>
    %get3A_3 = vector.shape_cast %get3A_2 : vector<1x2000x128xf32> to vector<2000x128xf32>
    %get3A_4 = arith.constant 1 : index
    %get3A_5 = arith.constant 0 : index
    %get3A_6 = arith.constant 0 : index
    %get3A_7 = vector.load %arg1[%get3A_4, %get3A_5, %get3A_6] : memref<2x2000x128xf32, #tpu.memory_space<vmem>>, vector<1x2000x128xf32>
    %get3A_8 = vector.shape_cast %get3A_7 : vector<1x2000x128xf32> to vector<2000x128xf32>
    %add3A = arith.addf %get3A_3, %get3A_8 : vector<2000x128xf32>
    %swap3A = arith.constant 0 : index
    %swap3A_9 = arith.constant 0 : index
    %swap3A_10 = vector.load %arg2[%swap3A, %swap3A_9] : memref<2000x128xf32, #tpu.memory_space<vmem>>, vector<2000x128xf32>
    tpu.vector_store %arg2[%swap3A, %swap3A_9], %add3A {strides = array<i32>} : memref<2000x128xf32, #tpu.memory_space<vmem>>, vector<2000x128xf32>,
    return
  }
  func.func @transform_0(%arg0: i32) -> (i32, i32, i32) {
    %c0_i32 = arith.constant 0 : i32
    %c0_i32_0 = arith.constant 0 : i32
    %c0_i32_1 = arith.constant 0 : i32
    return %c0_i32, %arg0, %c0_i32_0 : i32, i32, i32
  }
  func.func @transform_1(%arg0: i32) -> (i32, i32) {
    %c0_i32 = arith.constant 0 : i32
    %c0_i32_0 = arith.constant 0 : i32
    return %arg0, %c0_i32 : i32, i32
  }
}

</mosaic_0001>

<sc_bundles>
// kernel: kernel.6.cloned.1.call-start
scs
__scs_entry_jumppad:
0x0: {  	(pc) =	sbr.rel $0x88, $3  }
0x1: {  	(tag) =	ssettag $0x0;
	lr =	simm.s32 $0x1  }
0x2: {  	[smem:$0x3F98] =	sst lr;
	_ =	strace $0xD0000000  }
0x3: {  	_ = 	snop  }
0x4: {  	_ = 	snop  }
0x5: {  	_ = 	snop  }
0x6: {  	_ = 	snop  }
0x7: {  	_ = 	snop  }
__scs_overlays_trampoline_lowered:
0x8: {  	[smem:$0x3FA7] =	sst s0  }
0x9: {  	[smem:$0x3FA8] =	sst s1  }
0xa: {  	[smem:$0x3FA9] =	sst s2  }
0xb: {  	[smem:$0x3FAA] =	sst s3  }
0xc: {  	[smem:$0x3FAB] =	sst s4  }
0xd: {  	[smem:$0x3FAC] =	sst s5  }
0xe: {  	[smem:$0x3FAD] =	sst s6  }
0xf: {  	[smem:$0x3FAE] =	sst s7  }
0x10: {  	[smem:$0x3FAF] =	sst s8  }
0x11: {  	[smem:$0x3FB0] =	sst s9;
	s0 =	simm.s32 @!p0 $0x0  }
0x12: {  	s1 =	sld [smem:$0x3F96];
	s0 =	simm.s32 @p0 $0x1  }
0x13: {  	[smem:$0x3FB1] =	sst s0;
	s0 =	simm.s32 @!p1 $0x0  }
0x14: {  	s2 =	sld [smem:$0x3F95];
	s0 =	simm.s32 @p1 $0x1  }
0x15: {  	[smem:$0x3FB2] =	sst s0;
	s0 =	simm.s32 @!p2 $0x0  }
0x16: {  	s3 =	sld [smem:$0x3FDB];
	s0 =	simm.s32 @p2 $0x1  }
0x17: {  	s4 =	simm.s32 $0x1BF5;
	[smem:$0x3FB4] =	sst s0  }
0x18: {  	s0 =	sld [smem:$0x3F97];
	_ =	swait.ge [sflag:s4], $0x0  }
0x19: {  	s7 =	sld [smem:$0x3F98]  }
0x1a: {  	s8 =	sadd.s32 $0xFFFFE003, lr  }
0x1b: {  	s9 =	sadd.s32 $0xFFFFFEF7, lr;
	s5 =	simm.s32 $0xFFFFFFFF;
	p2 =	slt.u32 s8, $0xFFFFF086  }
0x1c: {  	p1 =	slt.u32 s9, $0xF7A;
	s5 =	simm.s32 @!p2 $0x0  }
0x1d: {  	s5 =	simm.s32 @p1 $0x1;
	p0 =	seq.s32 s7, s2  }
0x1e: {  	s7 =	smul.u32 @!p0 $0xF7A, s2;
	p2 =	seq.s32 @!p0 s5, $0x0  }
0x1f: {  	s9 =	smul.u32 $0xF7A, s1;
	s8 =	simm.s32 @!p0 $0x1BF5;
	p2 =	por !p2, p0  }
0x20: {  	[sflag:s8] =	ssyncset.s32 @!p0 $0xFFFFF086;
	s6 =	sadd.s32 @!p0 s3, s7;
	s7 =	simm.s32 @!p0 $0x108  }
0x21: {  	s3 =	sadd.s32 s3, s9;
	s6 =	sadd.s32 @!p0 $0x88, s6;
	s7 =	simm.s32 @p2 $0x1082  }
0x22: {  	[simem:s7], [sflag:s8] =	dma.local @!p0 [hbm:s6], $0xF7A  }
0x23: {  	s9 =	sor.u32 $0xD0000000, s2;
	s6 =	simm.s32 $0x108;
	_ =	swait.ge @!p0 [sflag:s8], $0x0  }
0x24: {  	s3 =	sadd.s32 $0x88, s3;
	s6 =	simm.s32 @!p1 $0x1082;
	[sflag:s4] =	ssyncset.s32 $0xFFFFF086  }
0x25: {  	[simem:s6], [sflag:s4] =	dma.local [hbm:s3], $0xF7A  }
0x26: {  	[smem:$0x3F98] =	sst s1;
	(tag) =	ssettag s2;
	_ =	strace s9  }
0x27: {  	s1 =	sld [smem:$0x3FA8]  }
0x28: {  	s2 =	sld [smem:$0x3FA9]  }
0x29: {  	s4 =	sld [smem:$0x3FAB]  }
0x2a: {  	p0 =	seq.s32 s5, $0x0;
	s5 =	sld [smem:$0x3FAC]  }
0x2b: {  	s6 =	sld [smem:$0x3FAD]  }
0x2c: {  	s7 =	sld [smem:$0x3FAE]  }
0x2d: {  	s3 =	simm.s32 $0x108;
	s8 =	sld [smem:$0x3FAF]  }
0x2e: {  	s3 =	simm.s32 @!p0 $0x1082;
	s9 =	sld [smem:$0x3FB0]  }
0x2f: {  	lr =	sadd.s32 s0, s3;
	s0 =	sld [smem:$0x3FA7]  }
0x30: {  	s3 =	sld [smem:$0x3FAA]  }
0x31: {  	[smem:$0x3FB3] =	sst s10  }
0x32: {  	s10 =	sld [smem:$0x3FB1];
	_ =	sdelay $0x3  }
0x33: {  	p0 =	seq.s32 s10, $0x1;
	s10 =	sld [smem:$0x3FB3];
	_ =	sdelay $0x3  }
0x34: {  	[smem:$0x3FB3] =	sst s10  }
0x35: {  	s10 =	sld [smem:$0x3FB2];
	_ =	sdelay $0x3  }
0x36: {  	p1 =	seq.s32 s10, $0x1;
	s10 =	sld [smem:$0x3FB3];
	_ =	sdelay $0x3  }
0x37: {  	[smem:$0x3FB3] =	sst s10  }
0x38: {  	s10 =	sld [smem:$0x3FB4]  }
0x39: {  	_ = 	snop;
	(pc) =	sbr.ind lr, $3  }
0x3a: {  	_ = 	snop  }
0x3b: {  	_ = 	snop  }
0x3c: {  	p2 =	seq.s32 s10, $0x1;
	s10 =	sld [smem:$0x3FB3]  }
0x3d: {  	_ =	shalt  }
0x3e: {  	_ =	shalt  }
0x3f: {  	_ =	shalt  }
0x40: {  	_ =	shalt  }
0x41: {  	_ =	shalt  }
0x42: {  	_ =	shalt  }
0x43: {  	_ =	shalt  }
0x44: {  	_ =	shalt  }
0x45: {  	_ =	shalt  }
0x46: {  	_ =	shalt  }
0x47: {  	_ =	shalt  }
0x48: {  	_ =	shalt  }
0x49: {  	_ =	shalt  }
0x4a: {  	_ =	shalt  }
0x4b: {  	_ =	shalt  }
0x4c: {  	_ =	shalt  }
0x4d: {  	_ =	shalt  }
0x4e: {  	_ =	shalt  }
0x4f: {  	_ =	shalt  }
0x50: {  	_ =	shalt  }
0x51: {  	_ =	shalt  }
0x52: {  	_ =	shalt  }
0x53: {  	_ =	shalt  }
0x54: {  	_ =	shalt  }
0x55: {  	_ =	shalt  }
0x56: {  	_ =	shalt  }
0x57: {  	_ =	shalt  }
0x58: {  	_ =	shalt  }
0x59: {  	_ =	shalt  }
0x5a: {  	_ =	shalt  }
0x5b: {  	_ =	shalt  }
0x5c: {  	_ =	shalt  }
0x5d: {  	_ =	shalt  }
0x5e: {  	_ =	shalt  }
0x5f: {  	_ =	shalt  }
0x60: {  	_ =	shalt  }
0x61: {  	_ =	shalt  }
0x62: {  	_ =	shalt  }
0x63: {  	_ =	shalt  }
0x64: {  	_ =	shalt  }
0x65: {  	_ =	shalt  }
0x66: {  	_ =	shalt  }
0x67: {  	_ =	shalt  }
0x68: {  	_ =	shalt  }
0x69: {  	_ =	shalt  }
0x6a: {  	_ =	shalt  }
0x6b: {  	_ =	shalt  }
0x6c: {  	_ =	shalt  }
0x6d: {  	_ =	shalt  }
0x6e: {  	_ =	shalt  }
0x6f: {  	_ =	shalt  }
0x70: {  	_ =	shalt  }
0x71: {  	_ =	shalt  }
0x72: {  	_ =	shalt  }
0x73: {  	_ =	shalt  }
0x74: {  	_ =	shalt  }
0x75: {  	_ =	shalt  }
0x76: {  	_ =	shalt  }
0x77: {  	_ =	shalt  }
0x78: {  	_ =	shalt  }
0x79: {  	_ =	shalt  }
0x7a: {  	_ =	shalt  }
0x7b: {  	_ =	shalt  }
0x7c: {  	_ =	shalt  }
0x7d: {  	_ =	shalt  }
0x7e: {  	_ =	shalt  }
0x7f: {  	_ =	shalt  }
0x80: {  	_ =	shalt  }
0x81: {  	_ =	shalt  }
0x82: {  	_ =	shalt  }
0x83: {  	_ =	shalt  }
0x84: {  	_ =	shalt  }
0x85: {  	_ =	shalt  }
0x86: {  	_ =	shalt  }
0x87: {  	_ =	shalt  }
.Lfunc_end0:
.L_simem_size_0:
called_computation_lowered:
.L_overlay_start_0:
0x88: {  	s2 =	sld [smem:$0x3FD9]  }
0x89: {  	s3 =	sld [smem:$0x3FFE];
	_ =	sdelay $0x1  }
0x8a: {  	s1 =	srdreg.scid  }
0x8b: {  	s0 =	sand.u32 $0x1, s1  }
0x8c: {  	s17 =	sshll.u32 s0, $0xA;
	s2 =	sadd.s32 s3, s2  }
0x8d: {  	s2 =	sadd.s32 s2, s17  }
0x8e: {  	[smem:$0x3FBF] =	sst s2  }
0x8f: {  	_ = 	snop  }
0x90: {  	s2 =	sld [smem:$0x3FD0];
	(tm) =	ssettm $0x1  }
0x91: {  	s18 =	sld [smem:$0x3FFB];
	_ =	sdelay $0x3  }
0x92: {  	_ =	strace s18  }
0x93: {  	s3 =	sld [smem:$0x3FFC];
	_ =	sdelay $0x3  }
0x94: {  	_ =	strace s3  }
0x95: {  	s3 =	sld [smem:$0x3FFD];
	_ =	sdelay $0x3  }
0x96: {  	_ =	strace s3  }
0x97: {  	_ =	strace $0x8FFFFFFF  }
0x98: {  	s19 =	sld [smem:$0x3FDB];
	_ =	sdelay $0x1  }
0x99: {  	s4 =	simm.s32 $_scs_section_size  }
0x9a: {  	s5 =	simm.s32 $_size__tile_overlayer_lowered;
	s6 =	simm.s32 $_tile_overlayer_lowered  }
0x9b: {  	s22 =	simm.s32 $0x1BFF;
	s21 =	sshll.u32 s6, $0x1;
	s3 =	sadd.s32 s4, s19  }
0x9c: {  	s7 =	simm.s32 $0x0;
	s20 =	sshll.u32 s5, $0x1;
	s5 =	sadd.s32 s21, s3  }
0x9d: {  	[timem:s7], [sflag:s22] =	dma.local [hbm:s5], s20  }
0x9e: {  	_ =	swait.ge [sflag:s22], s20  }
0x9f: {  	s4 =	ssub.s32 $0x0, s20;
	[sflag:s22] =	ssyncset.done $0x0  }
0xa0: {  	[sflag:s22] =	ssyncadd.s32 s4;
	_ =	sdelay $0x1  }
0xa1: {  	s23 =	simm.s32 $0x1B8B  }
0xa2: {  	_ =	swait.ge [sflag:s23], $0x1  }
0xa3: {  	[sflag:s23] =	ssyncset.done $0x0  }
0xa4: {  	s25 =	simm.s32 $0x1B8E;
	s24 =	sld [smem:$0x3FFE];
	[sflag:s23] =	ssyncadd.s32 $0xFFFFFFFF  }
0xa5: {  	s26 =	simm.s32 $execute0_lowered;
	[smem:$0x3FD2] =	sst s25  }
0xa6: {  	s5 =	sshll.u32 s26, $0x1;
	_ =	strace $0x80000046;
	[dreg:$0x1] =	wrdreg $0xFFFFFFFF  }
0xa7: {  	s28 =	simm.s32 $_size_execute0_lowered;
	s3 =	sadd.s32 s3, s5;
	[dreg:$0x0] =	wrdreg $0x0  }
0xa8: {  	s5 =	sshll.u32 s28, $0x1;
	[dreg:$0x2] =	wrdreg s3  }
0xa9: {  	[dreg:$0x3] =	wrdreg s5  }
0xaa: {  	[dreg:$0x4] =	wrdreg $0xC0  }
0xab: {  	_ =	task [dreg:s7], $0x5FFFF  }
0xac: {  	[dreg:$0x1] =	wrdreg $0xFFFFFFFF  }
0xad: {  	[dreg:$0x0] =	wrdreg $0x60  }
0xae: {  	[dreg:$0x2] =	wrdreg s2  }
0xaf: {  	[dreg:$0x3] =	wrdreg s24  }
0xb0: {  	[dreg:$0x4] =	wrdreg $0x7B000  }
0xb1: {  	[dreg:$0x5] =	wrdreg $0x9  }
0xb2: {  	_ =	task.clear_ibuf [dreg:s7], $0x6FFFF;
	_ =	strace $0x90000046  }
0xb3: {  	s29 =	simm.s32 $0x9;
	_ =	strace $0x80000048  }
0xb4: {  	_ =	swait.ge [sflag:s29], $0x1  }
0xb5: {  	[sflag:s29] =	ssyncadd.s32 $0xFFFFFFFF  }
0xb6: {  	_ =	strace $0x90000048  }
0xb7: {  	_ =	sfence  }
0xb8: {  	s30 =	sld [smem:$0x0];
	_ =	sdelay $0x2  }
0xb9: {  	s31 =	sshll.u32 s1, $0xD;
	s1 =	sshrl.u32 s1, $0x2  }
0xba: {  	s3 =	sand.u32 $0x4000, s31;
	s1 =	sadd.s32 s1, s30  }
0xbb: {  	s0 =	sor.u32 s3, s0;
	s1 =	sshll.u32 s1, $0x11  }
0xbc: {  	s0 =	sor.u32 s1, s0  }
0xbd: {  	s0 =	sadd.s32 $0x8F2B, s0  }
0xbe: {  	[sflag:s0] =	ssyncadd.remote.s32 $0x1  }
0xbf: {  	_ =	sfence.sel $0xFFFF  }
0xc0: {  	[dreg:$0x0] =	wrdreg $0xFFFFFFFF;
	(pc) =	sbr.abs _section_cstart, $3  }
0xc1: {  	[dreg:$0x1] =	wrdreg $0xFFFFFFFF  }
0xc2: {  	_ =	task.clear_ibuf [dreg:s7], $0x2FFFF;
	_ =	strace $0x9FFFFFFF  }
0xc3: {  	(tm) =	ssettm $0x7FFFFFFF  }
tec
execute0_lowered:
.L_overlay_start_1:
0x0: {  	(tag) =	ssettag $0x1  }
0x1: {  	s2 =	rddreg [dreg:$0x0]  }
0x2: {  	s0 =	rddreg [dreg:$0x1]  }
0x3: {  	s3 =	rddreg [dreg:$0x2];
	s12 =	stileid.u32  }
0x4: {  	s1 =	srdreg.scid;
	s5 =	smul.u32 $0x278, s12  }
0x5: {  	s4 =	simm.s32 $0x0;
	s31 =	simm.s32 $0x300;
	s1 =	sand.u32 $0x1, s1  }
0x6: {  	[smem:$0x7FF] =	sst s4;
	s7 =	smul.u32 $0x138800, s1;
	s6 =	smin.u32 s5, $0x2498  }
0x7: {  	s11 =	smul.u32 $0x78, s12;
	_ =	strace $0x80000047;
	s8 =	sshll.u32 s6, $0x7  }
0x8: {  	s9 =	ssub.s32 $0x2, s1;
	p0 =	seq.s32 s1, $0x0;
	s7 =	sadd.s32 s7, s8  }
0x9: {  	s5 =	sadd.s32 $0x4ED600, s0;
	s10 =	sshrl.u32 s9, $0x1;
	s7 =	sshrl.u32 s7, $0x3  }
0xa: {  	s6 =	sadd.s32 $0x4E3800, s0;
	s0 =	sadd.s32 s7, s0;
	s7 =	sadd.s32 s8, s3  }
0xb: {  	s9 =	ssub.s32 s9, s10;
	s10 =	smul.u32 $0x82, s12;
	s24 =	sadd.s32 $0x2800, s7  }
0xc: {  	s12 =	simm.s32 $0x50;
	s25 =	sadd.s32 $0x5000, s7;
	[dreg:$0x4] =	wrdreg s24  }
0xd: {  	s8 =	sadd.s32 $0x820, s11;
	s26 =	sadd.s32 $0x7800, s7;
	[dreg:$0x5] =	wrdreg s25  }
0xe: {  	s11 =	simm.s32 $0x7;
	s28 =	sadd.s32 $0xA000, s7;
	[dreg:$0x6] =	wrdreg s26  }
0xf: {  	s8 =	smov.u32 @p0 s10;
	s15 =	sadd.s32 $0xC800, s7;
	[dreg:$0x7] =	wrdreg s28  }
0x10: {  	s16 =	sadd.s32 $0xF000, s7;
	s0 =	sadd.s32 $0x1800, s0;
	[dreg:$0x8] =	wrdreg s15  }
0x11: {  	s29 =	smul.u32 $0x28, s8;
	[dreg:$0x9] =	wrdreg s16;
	s15 =	simm.s32 $0x82  }
0x12: {  	s14 =	smul.u32 $0x280, s8;
	[dreg:$0x10] =	wrdreg s0;
	s25 =	smax.u32 s9, $0x1  }
0x13: {  	s26 =	sadd.s32 $0x11800, s7;
	s0 =	simm.s32 $0x280;
	[dreg:$0x11] =	wrdreg s25  }
0x14: {  	s9 =	simm.s32 $0x6;
	s15 =	simm.s32 @!p0 $0x78;
	[dreg:$0x12] =	wrdreg s26  }
0x15: {  	s17 =	sshrl.u32 s29, $0x3;
	s18 =	sadd.s32 $0x28, s29;
	s13 =	sadd.s32 $0x27128, s29  }
0x16: {  	s22 =	sadd.s32 s5, s14;
	s24 =	sadd.s32 $0x78, s29;
	s1 =	sadd.s32 $0x27178, s29  }
0x17: {  	s14 =	simm.s32 $0x2B00;
	s19 =	sshrl.u32 s18, $0x3;
	s16 =	sadd.s32 s6, s17  }
0x18: {  	s21 =	sshrl.u32 s13, $0x3;
	[dreg:$0xc] =	wrdreg s22;
	s23 =	sshll.u32 s18, $0x4  }
0x19: {  	s1 =	sshrl.u32 s1, $0x3;
	s13 =	simm.s32 $0x8;
	s17 =	simm.s32 $0x1  }
0x1a: {  	s18 =	simm.s32 $0x3;
	s22 =	simm.s32 $0x4;
	s20 =	sadd.s32 s6, s19  }
0x1b: {  	s10 =	sadd.s32 s6, s21;
	s21 =	simm.s32 $0x41;
	[dreg:$0xa] =	wrdreg s20  }
0x1c: {  	s1 =	sadd.s32 s6, s1;
	s28 =	sadd.s32 $0x4E20, s16;
	[dreg:$0xb] =	wrdreg s10  }
0x1d: {  	s29 =	sadd.s32 $0xA, s16;
	s30 =	sadd.s32 $0x4E2A, s16;
	[dreg:$0xf] =	wrdreg s1  }
0x1e: {  	s19 =	simm.s32 $0x200;
	s10 =	sadd.s32 s5, s23;
	[dreg:$0x13] =	wrdreg s28  }
0x1f: {  	s21 =	simm.s32 @!p0 $0x3C;
	[dreg:$0xd] =	wrdreg s10;
	s10 =	sshrl.u32 s24, $0x3  }
0x20: {  	[dreg:$0x14] =	wrdreg s29;
	s1 =	simm.s32 $0x9;
	s10 =	sadd.s32 s6, s10  }
0x21: {  	v0 =	vimm.f32 $0.0e+00;
	s20 =	simm.s32 $0x2;
	s23 =	simm.s32 $0x5;
	[dreg:$0xe] =	wrdreg s10  }
.LBB2_1:
0x22: {  	s10 =	simm.s32 $0x0;
	s24 =	simm.s32 $0x200  }
.LBB2_2:
0x23: {  	p0 =	sne.s32 s24, $0x9E00;
	[tilespmem:s10+$0x370] =	vst v0  }
0x24: {  	[tilespmem:s10+$0x300] =	vst v0  }
0x25: {  	[tilespmem:s10+$0x310] =	vst v0  }
.Ltmp0:
0x26: {  	[tilespmem:s10+$0x320] =	vst v0;
	(pc) =	sbr.rel @p0 .LBB2_2-.Ltmp0, $4  }
0x27: {  	[tilespmem:s10+$0x330] =	vst v0  }
0x28: {  	[tilespmem:s10+$0x340] =	vst v0  }
0x29: {  	[tilespmem:s10+$0x350] =	vst v0  }
0x2a: {  	[tilespmem:s10+$0x360] =	vst v0;
	s10 =	sshra.s32 s24, $0x2;
	s24 =	sadd.s32 $0x200, s24  }
0x2b: {  	[tilespmem:s10+$0x370] =	vst v0  }
0x2c: {  	[tilespmem:s10+$0x300] =	vst v0  }
0x2d: {  	[tilespmem:s10+$0x310] =	vst v0  }
0x2e: {  	[tilespmem:s10+$0x320] =	vst v0  }
0x2f: {  	[tilespmem:s10+$0x330] =	vst v0  }
0x30: {  	[tilespmem:s10+$0x340] =	vst v0  }
0x31: {  	[tilespmem:s10+$0x350] =	vst v0  }
0x32: {  	[tilespmem:s10+$0x360] =	vst v0  }
0x33: {  	[spmem:s7] =	stream.linear.scatter [tilespmem:s31], [sflag:$0x9], $0x2800, $0x38;
	[tilespmem:$0x1B380] =	vst v63  }
0x34: {  	_ =	swait.ge [sflag:s1], $0x2800  }
0x35: {  	[sflag:s1] =	ssyncset.done $0x0  }
0x36: {  	s25 =	rddreg [dreg:$0x4];
	[sflag:s1] =	ssyncadd.s32 $0xFFFFD800  }
0x37: {  	[spmem:s25] =	stream.linear.scatter [tilespmem:s31], [sflag:$0x9], $0x2800, $0x38;
	[tilespmem:$0x1B380] =	vst v63  }
0x38: {  	_ =	swait.ge [sflag:s1], $0x2800  }
0x39: {  	[sflag:s1] =	ssyncset.done $0x0  }
0x3a: {  	s26 =	rddreg [dreg:$0x5];
	[sflag:s1] =	ssyncadd.s32 $0xFFFFD800  }
0x3b: {  	[spmem:s26] =	stream.linear.scatter [tilespmem:s31], [sflag:$0x9], $0x2800, $0x38;
	[tilespmem:$0x1B380] =	vst v63  }
0x3c: {  	_ =	swait.ge [sflag:s1], $0x2800  }
0x3d: {  	[sflag:s1] =	ssyncset.done $0x0  }
0x3e: {  	s28 =	rddreg [dreg:$0x6];
	[sflag:s1] =	ssyncadd.s32 $0xFFFFD800  }
0x3f: {  	[spmem:s28] =	stream.linear.scatter [tilespmem:s31], [sflag:$0x9], $0x2800, $0x38;
	[tilespmem:$0x1B380] =	vst v63  }
0x40: {  	_ =	swait.ge [sflag:s1], $0x2800  }
0x41: {  	[sflag:s1] =	ssyncset.done $0x0  }
0x42: {  	s29 =	rddreg [dreg:$0x7];
	[sflag:s1] =	ssyncadd.s32 $0xFFFFD800  }
0x43: {  	[spmem:s29] =	stream.linear.scatter [tilespmem:s31], [sflag:$0x9], $0x2800, $0x38;
	[tilespmem:$0x1B380] =	vst v63  }
0x44: {  	_ =	swait.ge [sflag:s1], $0x2800  }
0x45: {  	[sflag:s1] =	ssyncset.done $0x0  }
0x46: {  	s24 =	rddreg [dreg:$0x8];
	[sflag:s1] =	ssyncadd.s32 $0xFFFFD800  }
0x47: {  	[spmem:s24] =	stream.linear.scatter [tilespmem:s31], [sflag:$0x9], $0x2800, $0x38;
	[tilespmem:$0x1B380] =	vst v63  }
0x48: {  	_ =	swait.ge [sflag:s1], $0x2800  }
0x49: {  	[sflag:s1] =	ssyncset.done $0x0  }
0x4a: {  	s25 =	rddreg [dreg:$0x9];
	[sflag:s1] =	ssyncadd.s32 $0xFFFFD800  }
0x4b: {  	[spmem:s25] =	stream.linear.scatter [tilespmem:s31], [sflag:$0x9], $0x2800, $0x38;
	[tilespmem:$0x1B380] =	vst v63  }
0x4c: {  	_ =	swait.ge [sflag:s1], $0x2800  }
0x4d: {  	[sflag:s1] =	ssyncset.done $0x0  }
0x4e: {  	s26 =	rddreg [dreg:$0x12];
	[sflag:s1] =	ssyncadd.s32 $0xFFFFD800  }
0x4f: {  	[spmem:s26] =	stream.linear.scatter [tilespmem:s31], [sflag:$0x9], $0x2400, $0x38;
	[tilespmem:$0x1B380] =	vst v63  }
0x50: {  	_ =	swait.ge [sflag:s1], $0x2400  }
0x51: {  	[sflag:s1] =	ssyncset.done $0x0  }
0x52: {  	[sflag:s1] =	ssyncadd.s32 $0xFFFFDC00  }
0x53: {  	s10 =	simm.s32 $0x0;
	[bflag:$0x0] =	sbarrier.arrive $0xFFFF  }
0x54: {  	[tilespmem:s10], [sflag:$0x7] =	stream.linear.gather [hbm4b:s16+s10], $0x28, $0x38;
	[tilespmem:$0x1B380] =	vst v63  }
0x55: {  	s25 =	simm.s32 $0x28;
	s24 =	rddreg [dreg:$0x13]  }
0x56: {  	[tilespmem:s25], [sflag:$0x7] =	stream.linear.gather [hbm4b:s24+s10], $0x28, $0x38;
	[tilespmem:$0x1B380] =	vst v63  }
0x57: {  	s26 =	simm.s32 $0x80;
	s28 =	rddreg [dreg:$0xa]  }
0x58: {  	[tilespmem:s26], [sflag:$0x8] =	stream.linear.gather [hbm4b:s28+s10], $0x28, $0x38;
	[tilespmem:$0x1B380] =	vst v63  }
0x59: {  	s29 =	rddreg [dreg:$0xb];
	s28 =	simm.s32 $0xA8  }
0x5a: {  	[tilespmem:s28], [sflag:$0x8] =	stream.linear.gather [hbm4b:s29+s10], $0x28, $0x38;
	[tilespmem:$0x1B380] =	vst v63  }
0x5b: {  	_ =	swait.ge [sflag:s11], $0x28  }
0x5c: {  	[sflag:s11] =	ssyncset.done $0x0  }
0x5d: {  	[sflag:s11] =	ssyncadd.s32 $0xFFFFFFD8  }
0x5e: {  	_ =	swait.ge [sflag:s11], $0x28  }
0x5f: {  	[sflag:s11] =	ssyncset.done $0x0  }
0x60: {  	[sflag:s11] =	ssyncadd.s32 $0xFFFFFFD8  }
0x61: {  	v1 =	vld [tilespmem:$0x0];
	_ =	sdelay $0x1  }
0x62: {  	v2 =	vld [tilespmem:$0x10];
	_ =	sdelay $0x1  }
0x63: {  	v3 =	vld [tilespmem:$0x20]  }
0x64: {  	v4 =	vshrl.u32 v1, $0xE  }
0x65: {  	v61 =	vld [tilespmem:$0x30];
	v1 =	vand.u32 $0x3FFF, v1;
	[tilespmem:$0x100] =	vst v4  }
0x66: {  	[tilespmem:$0x200] =	vst v1;
	v1 =	vshrl.u32 v2, $0xE  }
0x67: {  	[tilespmem:$0x110] =	vst v1;
	v1 =	vand.u32 $0x3FFF, v2;
	v2 =	vld [tilespmem:$0x40]  }
0x68: {  	[tilespmem:$0x210] =	vst v1;
	v1 =	vshrl.u32 v3, $0xE  }
0x69: {  	[tilespmem:$0x120] =	vst v1;
	v1 =	vand.u32 $0x3FFF, v3  }
0x6a: {  	[tilespmem:$0x220] =	vst v1;
	v1 =	vshrl.u32 v61, $0xE  }
0x6b: {  	[tilespmem:$0x130] =	vst v1;
	v1 =	vand.u32 $0x3FFF, v61  }
0x6c: {  	[tilespmem:$0x230] =	vst v1;
	v1 =	vshrl.u32 v2, $0xE  }
0x6d: {  	[tilespmem:$0x140] =	vst v1;
	v1 =	vand.u32 $0x3FFF, v2  }
0x6e: {  	s29 =	simm.s32 $0x100;
	[tilespmem:$0x240] =	vst v1  }
0x6f: {  	[tilespmem:s31], [sflag:$0x1] =	stream.indirect.gather [hbm4b:s2+s12], $0x80, s29, s12, $0xb8;
	[tilespmem:$0x1B380] =	vst v63  }
0x70: {  	s24 =	rddreg [dreg:$0xc];
	s29 =	simm.s32 $0x5300  }
0x71: {  	[tilespmem:s29], [sflag:$0x3] =	stream.linear.gather [hbm4b:s24+s10], $0x1400, $0x38;
	[tilespmem:$0x1B380] =	vst v63  }
0x72: {  	s29 =	rddreg [dreg:$0x14]  }
0x73: {  	[tilespmem:s10], [sflag:$0x7] =	stream.linear.gather [hbm4b:s29+s10], $0x28, $0x38;
	[tilespmem:$0x1B380] =	vst v63  }
0x74: {  	_ = 	snop  }
0x75: {  	[tilespmem:s25], [sflag:$0x7] =	stream.linear.gather [hbm4b:s30+s10], $0x28, $0x38;
	[tilespmem:$0x1B380] =	vst v63  }
0x76: {  	_ =	swait.ge [sflag:s13], $0x28  }
0x77: {  	[sflag:s13] =	ssyncset.done $0x0  }
0x78: {  	[sflag:s13] =	ssyncadd.s32 $0xFFFFFFD8  }
0x79: {  	_ =	swait.ge [sflag:s13], $0x28  }
0x7a: {  	[sflag:s13] =	ssyncset.done $0x0  }
0x7b: {  	[sflag:s13] =	ssyncadd.s32 $0xFFFFFFD8  }
0x7c: {  	v1 =	vld [tilespmem:$0x80];
	_ =	sdelay $0x1  }
0x7d: {  	v2 =	vld [tilespmem:$0x90];
	_ =	sdelay $0x1  }
0x7e: {  	v3 =	vld [tilespmem:$0xA0]  }
0x7f: {  	v62 =	vshrl.u32 v1, $0xE  }
0x80: {  	v63 =	vld [tilespmem:$0xB0];
	v1 =	vand.u32 $0x3FFF, v1;
	[tilespmem:$0x180] =	vst v62  }
0x81: {  	[tilespmem:$0x280] =	vst v1;
	v1 =	vshrl.u32 v2, $0xE  }
0x82: {  	[tilespmem:$0x190] =	vst v1;
	v1 =	vand.u32 $0x3FFF, v2;
	v2 =	vld [tilespmem:$0xC0]  }
0x83: {  	[tilespmem:$0x290] =	vst v1;
	v1 =	vshrl.u32 v3, $0xE  }
0x84: {  	[tilespmem:$0x1A0] =	vst v1;
	v1 =	vand.u32 $0x3FFF, v3  }
0x85: {  	[tilespmem:$0x2A0] =	vst v1;
	v1 =	vshrl.u32 v63, $0xE  }
0x86: {  	[tilespmem:$0x1B0] =	vst v1;
	v1 =	vand.u32 $0x3FFF, v63  }
0x87: {  	[tilespmem:$0x2B0] =	vst v1;
	v1 =	vshrl.u32 v2, $0xE  }
0x88: {  	[tilespmem:$0x1C0] =	vst v1;
	v1 =	vand.u32 $0x3FFF, v2  }
0x89: {  	s29 =	simm.s32 $0x180;
	[tilespmem:$0x2C0] =	vst v1  }
0x8a: {  	[tilespmem:s14], [sflag:$0x2] =	stream.indirect.gather [hbm4b:s2+s12], $0x80, s29, s12, $0xb8;
	[tilespmem:$0x1B380] =	vst v63  }
0x8b: {  	s25 =	rddreg [dreg:$0xd];
	s29 =	simm.s32 $0x6700  }
0x8c: {  	[tilespmem:s29], [sflag:$0x4] =	stream.linear.gather [hbm4b:s25+s10], $0x1400, $0x38;
	[tilespmem:$0x1B380] =	vst v63  }
0x8d: {  	s25 =	rddreg [dreg:$0xe]  }
0x8e: {  	[tilespmem:s26], [sflag:$0x8] =	stream.linear.gather [hbm4b:s25+s10], $0x28, $0x38;
	[tilespmem:$0x1B380] =	vst v63  }
0x8f: {  	s29 =	rddreg [dreg:$0xf]  }
0x90: {  	[tilespmem:s28], [sflag:$0x8] =	stream.linear.gather [hbm4b:s29+s10], $0x28, $0x38;
	[tilespmem:$0x1B380] =	vst v63  }
.LBB2_4:
0x91: {  	_ =	swait.ge [sflag:s17], $0x2800  }
0x92: {  	[sflag:s17] =	ssyncset.done $0x0  }
0x93: {  	[sflag:s17] =	ssyncadd.s32 $0xFFFFD800  }
0x94: {  	_ =	swait.ge [sflag:s18], $0x1400  }
0x95: {  	[sflag:s18] =	ssyncset.done $0x0  }
0x96: {  	s24 =	simm.s32 $0x0;
	[sflag:s18] =	ssyncadd.s32 $0xFFFFEC00  }
0x97: {  	v4 =	vld [tilespmem:s24+$0x5300]  }
0x98: {  	v5 =	vld [tilespmem:s24+$0x5310]  }
0x99: {  	v6 =	vld [tilespmem:s24+$0x5320]  }
0x9a: {  	v8 =	vld [tilespmem:s24+$0x5330]  }
0x9b: {  	v9 =	vld [tilespmem:s24+$0x5340]  }
0x9c: {  	v3 =	vld [tilespmem:s24+$0x5350]  }
0x9d: {  	v7 =	vld [tilespmem:s24+$0x300]  }
0x9e: {  	v10 =	vld [tilespmem:s24+$0x1700]  }
0x9f: {  	v2 =	vld [tilespmem:s24+$0x5360]  }
0xa0: {  	v11 =	vld [tilespmem:s24+$0x310]  }
0xa1: {  	v12 =	vld [tilespmem:s24+$0x1710];
	v13 =	vunpack.i.l.bf16.f32 v4  }
0xa2: {  	v14 =	vld [tilespmem:s24+$0x320];
	v4 =	vunpack.i.u.bf16.f32 v4;
	v7 =	vmul.f32 v7, v13  }
0xa3: {  	v1 =	vld [tilespmem:s24+$0x5370];
	v4 =	vmul.f32 v10, v4  }
0xa4: {  	v62 =	vld [tilespmem:s24+$0x1720];
	[tilespmem:s24+$0x300] =	vst v7;
	v7 =	vunpack.i.l.bf16.f32 v5  }
0xa5: {  	v15 =	vld [tilespmem:s24+$0x330];
	[tilespmem:s24+$0x1700] =	vst v4;
	v4 =	vunpack.i.u.bf16.f32 v5;
	v7 =	vmul.f32 v11, v7  }
0xa6: {  	v10 =	vld [tilespmem:s24+$0x1730];
	v5 =	vunpack.i.l.bf16.f32 v6;
	v4 =	vmul.f32 v12, v4  }
0xa7: {  	v16 =	vld [tilespmem:s24+$0x340];
	v11 =	vmul.f32 v14, v5;
	[tilespmem:s24+$0x310] =	vst v7  }
0xa8: {  	v7 =	vld [tilespmem:s24+$0x1740];
	[tilespmem:s24+$0x1710] =	vst v4;
	v4 =	vunpack.i.u.bf16.f32 v6  }
0xa9: {  	v5 =	vld [tilespmem:s24+$0x350];
	[tilespmem:s24+$0x320] =	vst v11;
	v11 =	vunpack.i.l.bf16.f32 v8;
	v4 =	vmul.f32 v62, v4  }
0xaa: {  	v6 =	vld [tilespmem:s24+$0x1750];
	v8 =	vunpack.i.u.bf16.f32 v8;
	v11 =	vmul.f32 v15, v11  }
0xab: {  	v63 =	vunpack.i.l.bf16.f32 v9;
	v10 =	vmul.f32 v10, v8;
	[tilespmem:s24+$0x1720] =	vst v4;
	v4 =	vld [tilespmem:s24+$0x360]  }
0xac: {  	s25 =	simm.s32 $0x200;
	v8 =	vld [tilespmem:s24+$0x1760];
	[tilespmem:s24+$0x330] =	vst v11;
	v11 =	vunpack.i.u.bf16.f32 v9;
	v9 =	vmul.f32 v16, v63  }
.LBB2_5:
0xad: {  	p0 =	sne.s32 s25, $0x4E00;
	[tilespmem:s24+$0x1730] =	vst v10;
	v7 =	vmul.f32 v7, v11;
	v10 =	vunpack.i.l.bf16.f32 v3;
	v11 =	vld [tilespmem:s24+$0x370]  }
0xae: {  	s26 =	sshra.s32 s25, $0x2;
	v3 =	vunpack.i.u.bf16.f32 v3;
	[tilespmem:s24+$0x340] =	vst v9;
	v5 =	vmul.f32 v5, v10;
	v9 =	vld [tilespmem:s24+$0x1770]  }
0xaf: {  	v10 =	vld [tilespmem:s26+$0x5300];
	[tilespmem:s24+$0x1740] =	vst v7;
	v3 =	vmul.f32 v6, v3;
	v6 =	vunpack.i.l.bf16.f32 v2  }
0xb0: {  	v2 =	vunpack.i.u.bf16.f32 v2;
	v7 =	vld [tilespmem:s26+$0x5310];
	[tilespmem:s24+$0x350] =	vst v5;
	v4 =	vmul.f32 v4, v6  }
0xb1: {  	v5 =	vld [tilespmem:s26+$0x5320];
	[tilespmem:s24+$0x1750] =	vst v3;
	v2 =	vmul.f32 v8, v2;
	v3 =	vunpack.i.l.bf16.f32 v1  }
0xb2: {  	v1 =	vunpack.i.u.bf16.f32 v1;
	v6 =	vld [tilespmem:s26+$0x5330];
	[tilespmem:s24+$0x360] =	vst v4;
	v4 =	vmul.f32 v11, v3  }
0xb3: {  	v8 =	vld [tilespmem:s26+$0x5340];
	[tilespmem:s24+$0x1760] =	vst v2;
	v1 =	vmul.f32 v9, v1  }
0xb4: {  	v3 =	vld [tilespmem:s26+$0x5350];
	[tilespmem:s24+$0x370] =	vst v4  }
0xb5: {  	v2 =	vld [tilespmem:s26+$0x5360];
	[tilespmem:s24+$0x1770] =	vst v1;
	s24 =	smov.u32 s26  }
0xb6: {  	v1 =	vld [tilespmem:s24+$0x5370]  }
0xb7: {  	v4 =	vld [tilespmem:s24+$0x300]  }
0xb8: {  	v9 =	vld [tilespmem:s24+$0x1700]  }
0xb9: {  	v11 =	vld [tilespmem:s24+$0x310]  }
0xba: {  	v12 =	vld [tilespmem:s24+$0x1710]  }
0xbb: {  	v13 =	vunpack.i.l.bf16.f32 v10;
	v14 =	vld [tilespmem:s24+$0x320]  }
0xbc: {  	v10 =	vunpack.i.u.bf16.f32 v10;
	v4 =	vmul.f32 v4, v13;
	v13 =	vld [tilespmem:s24+$0x1720]  }
0xbd: {  	v9 =	vmul.f32 v9, v10;
	v10 =	vunpack.i.l.bf16.f32 v7;
	v15 =	vld [tilespmem:s24+$0x330]  }
0xbe: {  	[tilespmem:s24+$0x300] =	vst v4;
	v4 =	vunpack.i.u.bf16.f32 v7;
	v7 =	vmul.f32 v11, v10;
	v10 =	vld [tilespmem:s24+$0x1730]  }
0xbf: {  	[tilespmem:s24+$0x1700] =	vst v9;
	v4 =	vmul.f32 v12, v4;
	v9 =	vunpack.i.l.bf16.f32 v5;
	v12 =	vld [tilespmem:s24+$0x340]  }
.Ltmp1:
0xc0: {  	v5 =	vunpack.i.u.bf16.f32 v5;
	[tilespmem:s24+$0x310] =	vst v7;
	v9 =	vmul.f32 v14, v9;
	v7 =	vld [tilespmem:s24+$0x1740];
	(pc) =	sbr.rel @p0 .LBB2_5-.Ltmp1, $4  }
0xc1: {  	v11 =	vunpack.i.l.bf16.f32 v6;
	[tilespmem:s24+$0x1710] =	vst v4;
	v4 =	vmul.f32 v13, v5;
	v5 =	vld [tilespmem:s24+$0x350]  }
0xc2: {  	[tilespmem:s24+$0x320] =	vst v9;
	v9 =	vunpack.i.u.bf16.f32 v6;
	v11 =	vmul.f32 v15, v11;
	v6 =	vld [tilespmem:s24+$0x1750]  }
0xc3: {  	[tilespmem:s24+$0x1720] =	vst v4;
	v10 =	vmul.f32 v10, v9;
	v9 =	vunpack.i.l.bf16.f32 v8;
	v4 =	vld [tilespmem:s24+$0x360]  }
0xc4: {  	s25 =	sadd.s32 $0x200, s25;
	[tilespmem:s24+$0x330] =	vst v11;
	v11 =	vunpack.i.u.bf16.f32 v8;
	v9 =	vmul.f32 v12, v9;
	v8 =	vld [tilespmem:s24+$0x1760]  }
0xc5: {  	[tilespmem:s24+$0x1730] =	vst v10;
	v10 =	vld [tilespmem:s24+$0x370];
	v7 =	vmul.f32 v7, v11;
	v11 =	vunpack.i.l.bf16.f32 v3  }
0xc6: {  	v3 =	vunpack.i.u.bf16.f32 v3;
	[tilespmem:s24+$0x340] =	vst v9;
	v5 =	vmul.f32 v5, v11;
	v9 =	vld [tilespmem:s24+$0x1770]  }
0xc7: {  	[tilespmem:s24+$0x1740] =	vst v7;
	v3 =	vmul.f32 v6, v3;
	v6 =	vunpack.i.l.bf16.f32 v2  }
0xc8: {  	v2 =	vunpack.i.u.bf16.f32 v2;
	[tilespmem:s24+$0x350] =	vst v5;
	v4 =	vmul.f32 v4, v6  }
0xc9: {  	[tilespmem:s24+$0x1750] =	vst v3;
	v2 =	vmul.f32 v8, v2;
	v3 =	vunpack.i.l.bf16.f32 v1  }
0xca: {  	v1 =	vunpack.i.u.bf16.f32 v1;
	[tilespmem:s24+$0x360] =	vst v4;
	v3 =	vmul.f32 v10, v3  }
0xcb: {  	[tilespmem:s24+$0x1760] =	vst v2;
	v1 =	vmul.f32 v9, v1  }
0xcc: {  	[tilespmem:s24+$0x370] =	vst v3  }
0xcd: {  	[tilespmem:s24+$0x1770] =	vst v1;
	s24 =	sshll.u32 s10, $0x1  }
0xce: {  	[spmem:s3] =	stream.indirect.scatter.add.f32 [tilespmem:s31], [sflag:$0x5], $0x80, s19, s12, $0xb8;
	[tilespmem:$0x1B380] =	vst v63  }
0xcf: {  	s25 =	sadd.s32 $0x2, s24  }
0xd0: {  	p0 =	sge.u32 s25, s15  }
0xd1: {  	s26 =	simm.s32 @!p0 $0x5  }
0xd2: {  	_ =	swait.ge @!p0 [sflag:s26], $0x2800  }
0xd3: {  	[sflag:s26] =	ssyncset.done @!p0 $0x0  }
0xd4: {  	[sflag:s26] =	ssyncadd.s32 @!p0 $0xFFFFD800;
	s26 =	simm.s32 @!p0 $0x7  }
0xd5: {  	_ =	swait.ge @!p0 [sflag:s26], $0x28  }
0xd6: {  	[sflag:s26] =	ssyncset.done @!p0 $0x0  }
0xd7: {  	[sflag:s26] =	ssyncadd.s32 @!p0 $0xFFFFFFD8  }
0xd8: {  	_ =	swait.ge @!p0 [sflag:s26], $0x28  }
0xd9: {  	[sflag:s26] =	ssyncset.done @!p0 $0x0  }
0xda: {  	[sflag:s26] =	ssyncadd.s32 @!p0 $0xFFFFFFD8  }
0xdb: {  	v1 =	vld @!p0 [tilespmem:$0x0];
	_ =	sdelay $0x1  }
0xdc: {  	v2 =	vld @!p0 [tilespmem:$0x10];
	_ =	sdelay $0x1  }
0xdd: {  	v3 =	vld @!p0 [tilespmem:$0x20]  }
0xde: {  	v4 =	vshrl.u32 @!p0 v1, $0xE  }
0xdf: {  	v1 =	vand.u32 @!p0 $0x3FFF, v1;
	[tilespmem:$0x100] =	vst @!p0 v4;
	v4 =	vld @!p0 [tilespmem:$0x30]  }
0xe0: {  	[tilespmem:$0x200] =	vst @!p0 v1;
	v1 =	vshrl.u32 @!p0 v2, $0xE  }
0xe1: {  	[tilespmem:$0x110] =	vst @!p0 v1;
	v1 =	vand.u32 @!p0 $0x3FFF, v2;
	v2 =	vld @!p0 [tilespmem:$0x40]  }
0xe2: {  	[tilespmem:$0x210] =	vst @!p0 v1;
	v1 =	vshrl.u32 @!p0 v3, $0xE  }
0xe3: {  	[tilespmem:$0x120] =	vst @!p0 v1;
	v1 =	vand.u32 @!p0 $0x3FFF, v3  }
0xe4: {  	[tilespmem:$0x220] =	vst @!p0 v1;
	v1 =	vshrl.u32 @!p0 v4, $0xE  }
0xe5: {  	[tilespmem:$0x130] =	vst @!p0 v1;
	v1 =	vand.u32 @!p0 $0x3FFF, v4  }
0xe6: {  	[tilespmem:$0x230] =	vst @!p0 v1;
	v1 =	vshrl.u32 @!p0 v2, $0xE  }
0xe7: {  	[tilespmem:$0x140] =	vst @!p0 v1;
	v1 =	vand.u32 @!p0 $0x3FFF, v2  }
0xe8: {  	s28 =	simm.s32 @!p0 $0x100;
	s29 =	simm.s32 @!p0 $0x300;
	s26 =	simm.s32 @!p0 $0x50;
	[tilespmem:$0x240] =	vst @!p0 v1  }
0xe9: {  	[tilespmem:s29], [sflag:$0x1] =	stream.indirect.gather @!p0 [hbm4b:s2+s26], $0x80, s28, s26, $0xb8;
	[tilespmem:$0x1B380] =	vst v63  }
0xea: {  	s25 =	sadd.s32 @!p0 s8, s25;
	s26 =	sadd.s32 @!p0 $0x4, s24  }
0xeb: {  	s25 =	smul.u32 @!p0 $0x280, s25;
	p1 =	sge.u32 @!p0 s26, s15  }
0xec: {  	p1 =	por p1, p0  }
0xed: {  	s25 =	sadd.s32 @!p0 s5, s25;
	s26 =	sadd.s32 @!p1 s8, s26  }
0xee: {  	s28 =	simm.s32 @!p0 $0x0;
	s29 =	simm.s32 @!p0 $0x5300;
	s26 =	smul.u32 @!p1 $0x28, s26  }
0xef: {  	[tilespmem:s29], [sflag:$0x3] =	stream.linear.gather @!p0 [hbm4b:s25+s28], $0x1400, $0x38;
	[tilespmem:$0x1B380] =	vst v63  }
0xf0: {  	s25 =	sshrl.u32 @!p1 s26, $0x3  }
0xf1: {  	s26 =	simm.s32 @!p1 $0x0;
	s25 =	sadd.s32 @!p1 s6, s25  }
0xf2: {  	[tilespmem:s26], [sflag:$0x7] =	stream.linear.gather @!p1 [hbm4b:s25+s26], $0x28, $0x38;
	[tilespmem:$0x1B380] =	vst v63  }
0xf3: {  	s28 =	simm.s32 @!p1 $0x28;
	s25 =	sadd.s32 @!p1 $0x4E20, s25  }
0xf4: {  	[tilespmem:s28], [sflag:$0x7] =	stream.linear.gather @!p1 [hbm4b:s25+s26], $0x28, $0x38;
	[tilespmem:$0x1B380] =	vst v63  }
0xf5: {  	_ =	swait.ge [sflag:s20], $0x2800  }
0xf6: {  	[sflag:s20] =	ssyncset.done $0x0  }
0xf7: {  	[sflag:s20] =	ssyncadd.s32 $0xFFFFD800  }
0xf8: {  	_ =	swait.ge [sflag:s22], $0x1400  }
0xf9: {  	[sflag:s22] =	ssyncset.done $0x0  }
0xfa: {  	s25 =	simm.s32 $0x0;
	[sflag:s22] =	ssyncadd.s32 $0xFFFFEC00  }
0xfb: {  	v4 =	vld [tilespmem:s25+$0x6700]  }
0xfc: {  	v5 =	vld [tilespmem:s25+$0x6710]  }
0xfd: {  	v6 =	vld [tilespmem:s25+$0x6720]  }
0xfe: {  	v8 =	vld [tilespmem:s25+$0x6730]  }
0xff: {  	v9 =	vld [tilespmem:s25+$0x6740]  }
0x100: {  	v3 =	vld [tilespmem:s25+$0x6750]  }
0x101: {  	v7 =	vld [tilespmem:s25+$0x2B00]  }
0x102: {  	v10 =	vld [tilespmem:s25+$0x3F00]  }
0x103: {  	v2 =	vld [tilespmem:s25+$0x6760]  }
0x104: {  	v11 =	vld [tilespmem:s25+$0x2B10]  }
0x105: {  	v12 =	vld [tilespmem:s25+$0x3F10];
	v13 =	vunpack.i.l.bf16.f32 v4  }
0x106: {  	v14 =	vld [tilespmem:s25+$0x2B20];
	v4 =	vunpack.i.u.bf16.f32 v4;
	v7 =	vmul.f32 v7, v13  }
0x107: {  	v1 =	vld [tilespmem:s25+$0x6770];
	v4 =	vmul.f32 v10, v4  }
0x108: {  	v62 =	vld [tilespmem:s25+$0x3F20];
	[tilespmem:s25+$0x2B00] =	vst v7;
	v7 =	vunpack.i.l.bf16.f32 v5  }
0x109: {  	v15 =	vld [tilespmem:s25+$0x2B30];
	[tilespmem:s25+$0x3F00] =	vst v4;
	v4 =	vunpack.i.u.bf16.f32 v5;
	v7 =	vmul.f32 v11, v7  }
0x10a: {  	v10 =	vld [tilespmem:s25+$0x3F30];
	v5 =	vunpack.i.l.bf16.f32 v6;
	v4 =	vmul.f32 v12, v4  }
0x10b: {  	v16 =	vld [tilespmem:s25+$0x2B40];
	v11 =	vmul.f32 v14, v5;
	[tilespmem:s25+$0x2B10] =	vst v7  }
0x10c: {  	v7 =	vld [tilespmem:s25+$0x3F40];
	[tilespmem:s25+$0x3F10] =	vst v4;
	v4 =	vunpack.i.u.bf16.f32 v6  }
0x10d: {  	v5 =	vld [tilespmem:s25+$0x2B50];
	[tilespmem:s25+$0x2B20] =	vst v11;
	v11 =	vunpack.i.l.bf16.f32 v8;
	v4 =	vmul.f32 v62, v4  }
0x10e: {  	v6 =	vld [tilespmem:s25+$0x3F50];
	v8 =	vunpack.i.u.bf16.f32 v8;
	v11 =	vmul.f32 v15, v11  }
0x10f: {  	v63 =	vunpack.i.l.bf16.f32 v9;
	v10 =	vmul.f32 v10, v8;
	[tilespmem:s25+$0x3F20] =	vst v4;
	v4 =	vld [tilespmem:s25+$0x2B60]  }
0x110: {  	s26 =	simm.s32 $0x200;
	v8 =	vld [tilespmem:s25+$0x3F60];
	[tilespmem:s25+$0x2B30] =	vst v11;
	v11 =	vunpack.i.u.bf16.f32 v9;
	v9 =	vmul.f32 v16, v63  }
.LBB2_7:
0x111: {  	p0 =	sne.s32 s26, $0x4E00;
	[tilespmem:s25+$0x3F30] =	vst v10;
	v7 =	vmul.f32 v7, v11;
	v10 =	vunpack.i.l.bf16.f32 v3;
	v11 =	vld [tilespmem:s25+$0x2B70]  }
0x112: {  	s28 =	sshra.s32 s26, $0x2;
	v3 =	vunpack.i.u.bf16.f32 v3;
	[tilespmem:s25+$0x2B40] =	vst v9;
	v5 =	vmul.f32 v5, v10;
	v9 =	vld [tilespmem:s25+$0x3F70]  }
0x113: {  	v10 =	vld [tilespmem:s28+$0x6700];
	[tilespmem:s25+$0x3F40] =	vst v7;
	v3 =	vmul.f32 v6, v3;
	v6 =	vunpack.i.l.bf16.f32 v2  }
0x114: {  	v2 =	vunpack.i.u.bf16.f32 v2;
	v7 =	vld [tilespmem:s28+$0x6710];
	[tilespmem:s25+$0x2B50] =	vst v5;
	v4 =	vmul.f32 v4, v6  }
0x115: {  	v5 =	vld [tilespmem:s28+$0x6720];
	[tilespmem:s25+$0x3F50] =	vst v3;
	v2 =	vmul.f32 v8, v2;
	v3 =	vunpack.i.l.bf16.f32 v1  }
0x116: {  	v1 =	vunpack.i.u.bf16.f32 v1;
	v6 =	vld [tilespmem:s28+$0x6730];
	[tilespmem:s25+$0x2B60] =	vst v4;
	v4 =	vmul.f32 v11, v3  }
0x117: {  	v8 =	vld [tilespmem:s28+$0x6740];
	[tilespmem:s25+$0x3F60] =	vst v2;
	v1 =	vmul.f32 v9, v1  }
0x118: {  	v3 =	vld [tilespmem:s28+$0x6750];
	[tilespmem:s25+$0x2B70] =	vst v4  }
0x119: {  	v2 =	vld [tilespmem:s28+$0x6760];
	[tilespmem:s25+$0x3F70] =	vst v1;
	s25 =	smov.u32 s28  }
0x11a: {  	v1 =	vld [tilespmem:s25+$0x6770]  }
0x11b: {  	v4 =	vld [tilespmem:s25+$0x2B00]  }
0x11c: {  	v9 =	vld [tilespmem:s25+$0x3F00]  }
0x11d: {  	v11 =	vld [tilespmem:s25+$0x2B10]  }
0x11e: {  	v12 =	vld [tilespmem:s25+$0x3F10]  }
0x11f: {  	v13 =	vunpack.i.l.bf16.f32 v10;
	v14 =	vld [tilespmem:s25+$0x2B20]  }
0x120: {  	v10 =	vunpack.i.u.bf16.f32 v10;
	v4 =	vmul.f32 v4, v13;
	v13 =	vld [tilespmem:s25+$0x3F20]  }
0x121: {  	v9 =	vmul.f32 v9, v10;
	v10 =	vunpack.i.l.bf16.f32 v7;
	v15 =	vld [tilespmem:s25+$0x2B30]  }
0x122: {  	[tilespmem:s25+$0x2B00] =	vst v4;
	v4 =	vunpack.i.u.bf16.f32 v7;
	v7 =	vmul.f32 v11, v10;
	v10 =	vld [tilespmem:s25+$0x3F30]  }
0x123: {  	[tilespmem:s25+$0x3F00] =	vst v9;
	v4 =	vmul.f32 v12, v4;
	v9 =	vunpack.i.l.bf16.f32 v5;
	v12 =	vld [tilespmem:s25+$0x2B40]  }
.Ltmp2:
0x124: {  	v5 =	vunpack.i.u.bf16.f32 v5;
	[tilespmem:s25+$0x2B10] =	vst v7;
	v9 =	vmul.f32 v14, v9;
	v7 =	vld [tilespmem:s25+$0x3F40];
	(pc) =	sbr.rel @p0 .LBB2_7-.Ltmp2, $4  }
0x125: {  	v11 =	vunpack.i.l.bf16.f32 v6;
	[tilespmem:s25+$0x3F10] =	vst v4;
	v4 =	vmul.f32 v13, v5;
	v5 =	vld [tilespmem:s25+$0x2B50]  }
0x126: {  	[tilespmem:s25+$0x2B20] =	vst v9;
	v9 =	vunpack.i.u.bf16.f32 v6;
	v11 =	vmul.f32 v15, v11;
	v6 =	vld [tilespmem:s25+$0x3F50]  }
0x127: {  	[tilespmem:s25+$0x3F20] =	vst v4;
	v10 =	vmul.f32 v10, v9;
	v9 =	vunpack.i.l.bf16.f32 v8;
	v4 =	vld [tilespmem:s25+$0x2B60]  }
0x128: {  	s26 =	sadd.s32 $0x200, s26;
	[tilespmem:s25+$0x2B30] =	vst v11;
	v11 =	vunpack.i.u.bf16.f32 v8;
	v9 =	vmul.f32 v12, v9;
	v8 =	vld [tilespmem:s25+$0x3F60]  }
0x129: {  	[tilespmem:s25+$0x3F30] =	vst v10;
	v60 =	vld [tilespmem:s25+$0x2B70];
	v7 =	vmul.f32 v7, v11;
	v61 =	vunpack.i.l.bf16.f32 v3  }
0x12a: {  	v3 =	vunpack.i.u.bf16.f32 v3;
	v62 =	vld [tilespmem:s25+$0x3F70];
	[tilespmem:s25+$0x2B40] =	vst v9;
	v5 =	vmul.f32 v5, v61  }
0x12b: {  	v63 =	vunpack.i.l.bf16.f32 v2;
	[tilespmem:s25+$0x3F40] =	vst v7;
	v3 =	vmul.f32 v6, v3  }
0x12c: {  	v2 =	vunpack.i.u.bf16.f32 v2;
	[tilespmem:s25+$0x2B50] =	vst v5;
	v4 =	vmul.f32 v4, v63  }
0x12d: {  	[tilespmem:s25+$0x3F50] =	vst v3;
	v2 =	vmul.f32 v8, v2;
	v3 =	vunpack.i.l.bf16.f32 v1  }
0x12e: {  	v1 =	vunpack.i.u.bf16.f32 v1;
	[tilespmem:s25+$0x2B60] =	vst v4;
	v3 =	vmul.f32 v60, v3  }
0x12f: {  	v1 =	vmul.f32 v62, v1;
	[tilespmem:s25+$0x3F60] =	vst v2  }
0x130: {  	[tilespmem:s25+$0x2B70] =	vst v3  }
0x131: {  	[tilespmem:s25+$0x3F70] =	vst v1;
	s25 =	sadd.s32 $0x3, s24  }
0x132: {  	[spmem:s3] =	stream.indirect.scatter.add.f32 [tilespmem:s14], [sflag:$0x6], $0x80, s0, s12, $0xb8;
	[tilespmem:$0x1B380] =	vst v63  }
0x133: {  	p0 =	sge.u32 s25, s15  }
0x134: {  	s26 =	simm.s32 @!p0 $0x6  }
0x135: {  	_ =	swait.ge @!p0 [sflag:s26], $0x2800  }
0x136: {  	[sflag:s26] =	ssyncset.done @!p0 $0x0  }
0x137: {  	[sflag:s26] =	ssyncadd.s32 @!p0 $0xFFFFD800;
	s26 =	simm.s32 @!p0 $0x8  }
0x138: {  	_ =	swait.ge @!p0 [sflag:s26], $0x28  }
0x139: {  	[sflag:s26] =	ssyncset.done @!p0 $0x0  }
0x13a: {  	[sflag:s26] =	ssyncadd.s32 @!p0 $0xFFFFFFD8  }
0x13b: {  	_ =	swait.ge @!p0 [sflag:s26], $0x28  }
0x13c: {  	[sflag:s26] =	ssyncset.done @!p0 $0x0  }
0x13d: {  	[sflag:s26] =	ssyncadd.s32 @!p0 $0xFFFFFFD8  }
0x13e: {  	v1 =	vld @!p0 [tilespmem:$0x80];
	_ =	sdelay $0x1  }
0x13f: {  	v2 =	vld @!p0 [tilespmem:$0x90];
	_ =	sdelay $0x1  }
0x140: {  	v3 =	vld @!p0 [tilespmem:$0xA0]  }
0x141: {  	v4 =	vshrl.u32 @!p0 v1, $0xE  }
0x142: {  	v1 =	vand.u32 @!p0 $0x3FFF, v1;
	[tilespmem:$0x180] =	vst @!p0 v4;
	v4 =	vld @!p0 [tilespmem:$0xB0]  }
0x143: {  	[tilespmem:$0x280] =	vst @!p0 v1;
	v1 =	vshrl.u32 @!p0 v2, $0xE  }
0x144: {  	[tilespmem:$0x190] =	vst @!p0 v1;
	v1 =	vand.u32 @!p0 $0x3FFF, v2;
	v2 =	vld @!p0 [tilespmem:$0xC0]  }
0x145: {  	[tilespmem:$0x290] =	vst @!p0 v1;
	v1 =	vshrl.u32 @!p0 v3, $0xE  }
0x146: {  	[tilespmem:$0x1A0] =	vst @!p0 v1;
	v1 =	vand.u32 @!p0 $0x3FFF, v3  }
0x147: {  	[tilespmem:$0x2A0] =	vst @!p0 v1;
	v1 =	vshrl.u32 @!p0 v4, $0xE  }
0x148: {  	s25 =	sadd.s32 @!p0 s8, s25;
	s24 =	sadd.s32 @!p0 $0x5, s24;
	[tilespmem:$0x1B0] =	vst @!p0 v1;
	v1 =	vand.u32 @!p0 $0x3FFF, v4  }
0x149: {  	s10 =	sadd.s32 $0x1, s10;
	s25 =	smul.u32 @!p0 $0x280, s25;
	p1 =	sge.u32 @!p0 s24, s15;
	[tilespmem:$0x2B0] =	vst @!p0 v1;
	v1 =	vshrl.u32 @!p0 v2, $0xE  }
0x14a: {  	s28 =	simm.s32 @!p0 $0x180;
	s29 =	simm.s32 @!p0 $0x2B00;
	p1 =	por p1, p0;
	[tilespmem:$0x1C0] =	vst @!p0 v1;
	v1 =	vand.u32 @!p0 $0x3FFF, v2  }
0x14b: {  	s25 =	sadd.s32 @!p0 s5, s25;
	s24 =	sadd.s32 @!p1 s8, s24;
	s26 =	simm.s32 @!p0 $0x50;
	[tilespmem:$0x2C0] =	vst @!p0 v1  }
0x14c: {  	[tilespmem:s29], [sflag:$0x2] =	stream.indirect.gather @!p0 [hbm4b:s2+s26], $0x80, s28, s26, $0xb8;
	[tilespmem:$0x1B380] =	vst v63  }
0x14d: {  	s24 =	smul.u32 @!p1 $0x28, s24;
	s26 =	simm.s32 @!p0 $0x0;
	s28 =	simm.s32 @!p0 $0x6700  }
0x14e: {  	[tilespmem:s28], [sflag:$0x4] =	stream.linear.gather @!p0 [hbm4b:s25+s26], $0x1400, $0x38;
	[tilespmem:$0x1B380] =	vst v63  }
0x14f: {  	p0 =	sne.s32 s10, s21  }
.Ltmp3:
0x150: {  	s24 =	sshrl.u32 @!p1 s24, $0x3;
	(pc) =	sbr.rel @p0 .LBB2_4-.Ltmp3, $4  }
0x151: {  	s24 =	sadd.s32 @!p1 s6, s24;
	s25 =	simm.s32 @!p1 $0x0;
	s26 =	simm.s32 @!p1 $0x80  }
0x152: {  	[tilespmem:s26], [sflag:$0x8] =	stream.linear.gather @!p1 [hbm4b:s24+s25], $0x28, $0x38;
	[tilespmem:$0x1B380] =	vst v63  }
0x153: {  	s24 =	sadd.s32 @!p1 $0x4E20, s24;
	s26 =	simm.s32 @!p1 $0xA8  }
0x154: {  	[tilespmem:s26], [sflag:$0x8] =	stream.linear.gather @!p1 [hbm4b:s24+s25], $0x28, $0x38;
	[tilespmem:$0x1B380] =	vst v63  }
0x155: {  	_ =	swait.ge [sflag:s23], $0x2800  }
0x156: {  	[sflag:s23] =	ssyncset.done $0x0  }
0x157: {  	[sflag:s23] =	ssyncadd.s32 $0xFFFFD800  }
0x158: {  	_ =	swait.ge [sflag:s9], $0x2800  }
0x159: {  	[sflag:s9] =	ssyncset.done $0x0  }
0x15a: {  	s10 =	stileid.u32;
	[sflag:s9] =	ssyncadd.s32 $0xFFFFD800  }
0x15b: {  	s10 =	sshll.u32 s10, $0x6;
	[bflag:$0x0] =	sbarrier.arrive $0xFFFF  }
0x15c: {  	s24 =	sshrl.u32 s7, $0x3;
	s10 =	sor.u32 $0x1C09, s10;
	s25 =	rddreg [dreg:$0x10]  }
0x15d: {  	[hbm:s25], [sflag:s10] =	dma.local [spmem:s24], $0x2780  }
0x15e: {  	_ =	swait.ge [sflag:s1], $0x2780  }
0x15f: {  	s4 =	sadd.s32 $0x1, s4;
	s29 =	rddreg [dreg:$0x11]  }
0x160: {  	p0 =	sne.s32 s4, s29  }
.Ltmp4:
0x161: {  	_ = 	snop;
	(pc) =	sbr.rel @p0 .LBB2_1-.Ltmp4, $3  }
0x162: {  	_ =	sdelay $0x1  }
0x163: {  	[sflag:s1] =	ssyncset.done $0x0  }
0x164: {  	[sflag:s1] =	ssyncadd.s32 $0xFFFFD880  }
0x165: {  	_ =	sfence.sel $0x180000  }
0x166: {  	[bflag:$0x0] =	sbarrier.arrive $0xFFFF  }
0x167: {  	_ =	strace $0x90000047  }
0x168: {  	s0 =	stileid.u32;
	[bflag:$0x2] =	sbarrier.arrive $0xFFFF  }
0x169: {  	p0 =	sne.s32 s0, $0x0;
	s0 =	rddreg [dreg:$0x3]  }
0x16a: {  	s0 =	sadd.s32 @!p0 $0x100000, s0  }
0x16b: {  	[sflag:s0] =	ssyncadd.tile.s32 @!p0 $0x1;
	_ =	shalt  }
.Lfunc_end2:
_tile_overlayer_lowered:
.L_overlay_start_2:
0x16c: {  	(tag) =	ssettag $0x2  }
0x16d: {  	s0 =	rddreg [dreg:$0x0];
	s2 =	stileid.u32  }
0x16e: {  	s1 =	rddreg [dreg:$0x1];
	p0 =	sne.s32 s2, $0x0  }
0x16f: {  	s3 =	rddreg [dreg:$0x2];
	[bflag:$0x3] =	sbarrier.arrive $0xFFFF;
	s2 =	simm.s32 @!p0 $0x1C09  }
0x170: {  	[timem:s3], [sflag:s2] =	dma.local @!p0 [hbm:s0], s1  }
0x171: {  	s0 =	simm.s32 @!p0 $0x9  }
0x172: {  	_ =	swait.ge @!p0 [sflag:s0], s1  }
0x173: {  	s1 =	ssub.s32 @!p0 $0x0, s1;
	[sflag:s0] =	ssyncset.done @!p0 $0x0  }
0x174: {  	[sflag:s0] =	ssyncadd.s32 @!p0 s1  }
0x175: {  	[bflag:$0x3] =	sbarrier.arrive $0xFFFF  }
0x176: {  	_ =	shalt  }

</sc_bundles>
